<compile_context>
chip_gen: v7x
topology: tpu7x:2x2x1
jax: 0.10.2.dev20260603
libtpu: 0.0.44.dev20260713+nightly
codegen_flags: <defaults>
</compile_context>

<pallas_src>
import functools

import jax
import jax.numpy as jnp
from jax import lax
from jax.experimental import pallas as pl
from jax.experimental.pallas import tpu as pltpu
from jax.experimental.pallas import tpu_sc as plsc

_B, _S, _D = 4, 4096, 2048
_NC, _NS = 2, 16
_NW = _NC * _NS
_ROWS = _B * _S
_RPW = _ROWS // _NW
_CHUNK = 8
_NBUF = 4
_NCHUNK = _RPW // _CHUNK
_LANES = 16


def _gather_body(x_hbm, perm_hbm, out_hbm, sp_idx, idx_sm, sp, *sems):
    sem_in = sems[:_NBUF]
    sem_out = sems[_NBUF:]
    cid = lax.axis_index("c")
    sid = lax.axis_index("s")
    wid = sid * _NC + cid
    base = wid * _RPW
    b = base // _S
    i0 = base - b * _S
    off = b * _S

    pltpu.sync_copy(perm_hbm.at[pl.ds(i0, _RPW)], sp_idx.at[sid])
    pltpu.sync_copy(sp_idx.at[sid], idx_sm)

    spbase = sid * (_NBUF * _CHUNK)

    def fill(g, slot):
        for j in range(_CHUNK):
            r = idx_sm[g * _CHUNK + j] + off
            pltpu.make_async_copy(
                x_hbm.at[pl.ds(r, 1)],
                sp.at[pl.ds(spbase + slot * _CHUNK + j, 1)],
                sem_in[slot]).start()

    def drain_fill(g, slot):
        for j in range(_CHUNK):
            pltpu.make_async_copy(
                x_hbm.at[pl.ds(0, 1)],
                sp.at[pl.ds(spbase + slot * _CHUNK + j, 1)],
                sem_in[slot]).wait()

    def out_copy(g, slot):
        return pltpu.make_async_copy(
            sp.at[pl.ds(spbase + slot * _CHUNK, _CHUNK)],
            out_hbm.at[pl.ds(base + g * _CHUNK, _CHUNK)],
            sem_out[slot])

    for s in range(_NBUF):
        fill(s, s)

    def group(i, carry):
        g0 = i * _NBUF
        for s in range(_NBUF):
            drain_fill(g0 + s, s)
            out_copy(g0 + s, s).start()
        for s in range(_NBUF):
            out_copy(g0 + s, s).wait()
            fill(g0 + _NBUF + s, s)
        return carry

    lax.fori_loop(0, _NCHUNK // _NBUF - 1, group, 0)

    gl = (_NCHUNK // _NBUF - 1) * _NBUF
    for s in range(_NBUF):
        drain_fill(gl + s, s)
        out_copy(gl + s, s).start()
    for s in range(_NBUF):
        out_copy(gl + s, s).wait()


@jax.jit
def kernel(x, perm):
    x2 = x.reshape(_ROWS, _D)
    p32 = perm.astype(jnp.int32)
    mesh = plsc.VectorSubcoreMesh(core_axis_name="c", subcore_axis_name="s")
    run = pl.kernel(
        _gather_body,
        mesh=mesh,
        out_type=jax.ShapeDtypeStruct((_ROWS, _D), jnp.float32),
        scratch_types=[
            pltpu.VMEM_SHARED((_NS, _RPW), jnp.int32),
            pltpu.SMEM((_RPW,), jnp.int32),
            pltpu.VMEM_SHARED((_NS * _NBUF * _CHUNK, _D), jnp.float32),
        ] + [pltpu.SemaphoreType.DMA] * (2 * _NBUF),
    )
    out = run(x2, p32)
    return out.reshape(_B, _S, _D)

# --- scband reference (transcript-rebuilt; emitter-appended) ---
"""Pipeline reference for scband-obfus-adapter-13383118095052 (READ-ONLY COPY).

The authoritative reference and input builder live on the scoring server;
editing this copy changes nothing except your own understanding.
"""

import jax, jax.numpy as jnp
import numpy as np


def setup_inputs(seed: int = 0) -> dict:
    key = jax.random.key(seed)
    k1, k2 = jax.random.split(key)
    x = jax.random.normal(k1, (4, 4096, 2048), dtype=jnp.float32)
    # Buffer materialized per init_kwargs: random permutation of size=4096 (seed fixed)
    perm = jax.random.permutation(k2, 4096).astype(jnp.int64)
    return {"x": x, "perm": perm}


def reference(x, perm):
    # torch.index_select(x, dim=1, index=perm) == jnp.take(x, perm, axis=1)
    return jnp.take(x, perm, axis=1)

if __name__ == "__main__":
    import jax
    _d = setup_inputs()
    print(jax.jit(kernel)(*tuple(_d.values())))

</pallas_src>

<mosaic_0001>
#map = affine_map<(d0, d1) -> (0, 0)>
#map1 = affine_map<(d0, d1) -> (0)>
module attributes {stable_mosaic.version = 14 : i64} {
  func.func @_gather_body(%arg0: i32, %arg1: i32, %arg2: memref<16384x2048xf32, #tpu.memory_space<hbm>>, %arg3: memref<4096xi32, #tpu.memory_space<hbm>>, %arg4: memref<16384x2048xf32, #tpu.memory_space<hbm>>, %arg5: memref<16x512xi32, #tpu.memory_space<vmem_shared>>, %arg6: memref<512xi32, #tpu.memory_space<smem>>, %arg7: memref<512x2048xf32, #tpu.memory_space<vmem_shared>>, %arg8: memref<!tpu.dma_semaphore, #tpu.memory_space<semaphore_mem>>, %arg9: memref<!tpu.dma_semaphore, #tpu.memory_space<semaphore_mem>>, %arg10: memref<!tpu.dma_semaphore, #tpu.memory_space<semaphore_mem>>, %arg11: memref<!tpu.dma_semaphore, #tpu.memory_space<semaphore_mem>>, %arg12: memref<!tpu.dma_semaphore, #tpu.memory_space<semaphore_mem>>, %arg13: memref<!tpu.dma_semaphore, #tpu.memory_space<semaphore_mem>>, %arg14: memref<!tpu.dma_semaphore, #tpu.memory_space<semaphore_mem>>, %arg15: memref<!tpu.dma_semaphore, #tpu.memory_space<semaphore_mem>>) attributes {dimension_semantics = [#tpu.dimension_semantics<core_parallel>, #tpu.dimension_semantics<subcore_parallel>], iteration_bounds = array<i64: 2, 16>, scalar_prefetch = 0 : i64, scratch_operands = 11 : i64, tpu.core_type = #tpu.core_type<sc_vector_subcore>, window_params = [{transform_indices = #map}, {transform_indices = #map1}, {transform_indices = #map}]} {
    %mul3A = arith.constant 2 : i32
    %mul3A_0 = arith.muli %arg1, %mul3A : i32
    %add3A = arith.addi %mul3A_0, %arg0 : i32
    %mul3A_1 = arith.constant 512 : i32
    %mul3A_2 = arith.muli %add3A, %mul3A_1 : i32
    %jit3A = arith.constant 4096 : i32
    %div3A = arith.divsi %mul3A_2, %jit3A : i32
    %sign3A = arith.constant 0 : i32
    %sign3A_3 = arith.cmpi sgt, %mul3A_2, %sign3A : i32
    %sign3A_4 = arith.extui %sign3A_3 : i1 to i32
    %sign3A_5 = arith.constant 0 : i32
    %sign3A_6 = arith.cmpi slt, %mul3A_2, %sign3A_5 : i32
    %sign3A_7 = arith.extui %sign3A_6 : i1 to i32
    %sign3A_8 = arith.subi %sign3A_4, %sign3A_7 : i32
    %sign3A_9 = arith.constant 0 : i32
    %sign3A_10 = arith.cmpi sgt, %jit3A, %sign3A_9 : i32
    %sign3A_11 = arith.extui %sign3A_10 : i1 to i32
    %sign3A_12 = arith.constant 0 : i32
    %sign3A_13 = arith.cmpi slt, %jit3A, %sign3A_12 : i32
    %sign3A_14 = arith.extui %sign3A_13 : i1 to i32
    %sign3A_15 = arith.subi %sign3A_11, %sign3A_14 : i32
    %ne3A = arith.cmpi ne, %sign3A_8, %sign3A_15 : i32
    %rem3A = arith.remsi %mul3A_2, %jit3A : i32
    %ne3A_16 = arith.constant 0 : i32
    %ne3A_17 = arith.cmpi ne, %rem3A, %ne3A_16 : i32
    %and3A = arith.andi %ne3A, %ne3A_17 : i1
    %sub3A = arith.constant 1 : i32
    %sub3A_18 = arith.subi %div3A, %sub3A : i32
    %select_n3A = arith.select %and3A, %sub3A_18, %div3A : i32
    %mul3A_19 = arith.constant 4096 : i32
    %mul3A_20 = arith.muli %select_n3A, %mul3A_19 : i32
    %sub3A_21 = arith.subi %mul3A_2, %mul3A_20 : i32
    %mul3A_22 = arith.constant 4096 : i32
    %mul3A_23 = arith.muli %select_n3A, %mul3A_22 : i32
    "tpu.region"() ({
      %run_scoped3A = tpu.sem_alloc : memref<!tpu.dma_semaphore, #tpu.memory_space<semaphore_mem>>
      %dma_start3A_764 = arith.constant 0 : i32
      %dma_start3A_765 = tpu.memref_slice %arg5[%arg1, %dma_start3A_764] : memref<16x512xi32, #tpu.memory_space<vmem_shared>> -> memref<1x512xi32, #tpu.memory_space<vmem_shared>>
      %dma_start3A_766 = tpu.memref_squeeze %dma_start3A_765 : memref<1x512xi32, #tpu.memory_space<vmem_shared>> -> memref<512xi32, #tpu.memory_space<vmem_shared>>
      %dma_start3A_767 = tpu.memref_slice %arg3[%sub3A_21] : memref<4096xi32, #tpu.memory_space<hbm>> -> memref<512xi32, #tpu.memory_space<hbm>>
      tpu.enqueue_dma source(%dma_start3A_767 : memref<512xi32, #tpu.memory_space<hbm>>) target(%dma_start3A_766 : memref<512xi32, #tpu.memory_space<vmem_shared>>) target_semaphore(%run_scoped3A : memref<!tpu.dma_semaphore, #tpu.memory_space<semaphore_mem>>)
      %dma_wait3A_768 = arith.constant 0 : i32
      %dma_wait3A_769 = tpu.memref_slice %arg5[%arg1, %dma_wait3A_768] : memref<16x512xi32, #tpu.memory_space<vmem_shared>> -> memref<1x512xi32, #tpu.memory_space<vmem_shared>>
      %dma_wait3A_770 = tpu.memref_squeeze %dma_wait3A_769 : memref<1x512xi32, #tpu.memory_space<vmem_shared>> -> memref<512xi32, #tpu.memory_space<vmem_shared>>
      %dma_wait3A_771 = tpu.memref_slice %arg3[%sub3A_21] : memref<4096xi32, #tpu.memory_space<hbm>> -> memref<512xi32, #tpu.memory_space<hbm>>
      tpu.wait_dma2 semaphore(%run_scoped3A : memref<!tpu.dma_semaphore, #tpu.memory_space<semaphore_mem>>) src(%dma_wait3A_771 : memref<512xi32, #tpu.memory_space<hbm>>) dst(%dma_wait3A_770 : memref<512xi32, #tpu.memory_space<vmem_shared>>)
      tpu.yield
    }) : () -> ()
    "tpu.region"() ({
      %run_scoped3A = tpu.sem_alloc : memref<!tpu.dma_semaphore, #tpu.memory_space<semaphore_mem>>
      %dma_start3A_764 = arith.constant 0 : i32
      %dma_start3A_765 = tpu.memref_slice %arg5[%arg1, %dma_start3A_764] : memref<16x512xi32, #tpu.memory_space<vmem_shared>> -> memref<1x512xi32, #tpu.memory_space<vmem_shared>>
      %dma_start3A_766 = tpu.memref_squeeze %dma_start3A_765 : memref<1x512xi32, #tpu.memory_space<vmem_shared>> -> memref<512xi32, #tpu.memory_space<vmem_shared>>
      tpu.enqueue_dma source(%dma_start3A_766 : memref<512xi32, #tpu.memory_space<vmem_shared>>) target(%arg6 : memref<512xi32, #tpu.memory_space<smem>>) target_semaphore(%run_scoped3A : memref<!tpu.dma_semaphore, #tpu.memory_space<semaphore_mem>>)
      %dma_wait3A_767 = arith.constant 0 : i32
      %dma_wait3A_768 = tpu.memref_slice %arg5[%arg1, %dma_wait3A_767] : memref<16x512xi32, #tpu.memory_space<vmem_shared>> -> memref<1x512xi32, #tpu.memory_space<vmem_shared>>
      %dma_wait3A_769 = tpu.memref_squeeze %dma_wait3A_768 : memref<1x512xi32, #tpu.memory_space<vmem_shared>> -> memref<512xi32, #tpu.memory_space<vmem_shared>>
      tpu.wait_dma2 semaphore(%run_scoped3A : memref<!tpu.dma_semaphore, #tpu.memory_space<semaphore_mem>>) src(%dma_wait3A_769 : memref<512xi32, #tpu.memory_space<vmem_shared>>) dst(%arg6 : memref<512xi32, #tpu.memory_space<smem>>)
      tpu.yield
    }) : () -> ()
    %mul3A_24 = arith.constant 32 : i32
    %mul3A_25 = arith.muli %arg1, %mul3A_24 : i32
    %get3A = arith.constant 0 : i32
    %get3A_26 = arith.index_cast %get3A : i32 to index
    %get3A_27 = memref.load %arg6[%get3A_26] : memref<512xi32, #tpu.memory_space<smem>>
    %add3A_28 = arith.addi %get3A_27, %mul3A_23 : i32
    %add3A_29 = arith.constant 0 : i32
    %add3A_30 = arith.addi %mul3A_25, %add3A_29 : i32
    %add3A_31 = arith.constant 0 : i32
    %add3A_32 = arith.addi %add3A_30, %add3A_31 : i32
    %dma_start3A = arith.constant 0 : i32
    %dma_start3A_33 = tpu.memref_slice %arg7[%add3A_32, %dma_start3A] : memref<512x2048xf32, #tpu.memory_space<vmem_shared>> -> memref<1x2048xf32, #tpu.memory_space<vmem_shared>>
    %dma_start3A_34 = arith.constant 0 : i32
    %dma_start3A_35 = tpu.memref_slice %arg2[%add3A_28, %dma_start3A_34] : memref<16384x2048xf32, #tpu.memory_space<hbm>> -> memref<1x2048xf32, #tpu.memory_space<hbm>>
    tpu.enqueue_dma source(%dma_start3A_35 : memref<1x2048xf32, #tpu.memory_space<hbm>>) target(%dma_start3A_33 : memref<1x2048xf32, #tpu.memory_space<vmem_shared>>) target_semaphore(%arg8 : memref<!tpu.dma_semaphore, #tpu.memory_space<semaphore_mem>>)
    %get3A_36 = arith.constant 1 : i32
    %get3A_37 = arith.index_cast %get3A_36 : i32 to index
    %get3A_38 = memref.load %arg6[%get3A_37] : memref<512xi32, #tpu.memory_space<smem>>
    %add3A_39 = arith.addi %get3A_38, %mul3A_23 : i32
    %add3A_40 = arith.constant 0 : i32
    %add3A_41 = arith.addi %mul3A_25, %add3A_40 : i32
    %add3A_42 = arith.constant 1 : i32
    %add3A_43 = arith.addi %add3A_41, %add3A_42 : i32
    %dma_start3A_44 = arith.constant 0 : i32
    %dma_start3A_45 = tpu.memref_slice %arg7[%add3A_43, %dma_start3A_44] : memref<512x2048xf32, #tpu.memory_space<vmem_shared>> -> memref<1x2048xf32, #tpu.memory_space<vmem_shared>>
    %dma_start3A_46 = arith.constant 0 : i32
    %dma_start3A_47 = tpu.memref_slice %arg2[%add3A_39, %dma_start3A_46] : memref<16384x2048xf32, #tpu.memory_space<hbm>> -> memref<1x2048xf32, #tpu.memory_space<hbm>>
    tpu.enqueue_dma source(%dma_start3A_47 : memref<1x2048xf32, #tpu.memory_space<hbm>>) target(%dma_start3A_45 : memref<1x2048xf32, #tpu.memory_space<vmem_shared>>) target_semaphore(%arg8 : memref<!tpu.dma_semaphore, #tpu.memory_space<semaphore_mem>>)
    %get3A_48 = arith.constant 2 : i32
    %get3A_49 = arith.index_cast %get3A_48 : i32 to index
    %get3A_50 = memref.load %arg6[%get3A_49] : memref<512xi32, #tpu.memory_space<smem>>
    %add3A_51 = arith.addi %get3A_50, %mul3A_23 : i32
    %add3A_52 = arith.constant 0 : i32
    %add3A_53 = arith.addi %mul3A_25, %add3A_52 : i32
    %add3A_54 = arith.constant 2 : i32
    %add3A_55 = arith.addi %add3A_53, %add3A_54 : i32
    %dma_start3A_56 = arith.constant 0 : i32
    %dma_start3A_57 = tpu.memref_slice %arg7[%add3A_55, %dma_start3A_56] : memref<512x2048xf32, #tpu.memory_space<vmem_shared>> -> memref<1x2048xf32, #tpu.memory_space<vmem_shared>>
    %dma_start3A_58 = arith.constant 0 : i32
    %dma_start3A_59 = tpu.memref_slice %arg2[%add3A_51, %dma_start3A_58] : memref<16384x2048xf32, #tpu.memory_space<hbm>> -> memref<1x2048xf32, #tpu.memory_space<hbm>>
    tpu.enqueue_dma source(%dma_start3A_59 : memref<1x2048xf32, #tpu.memory_space<hbm>>) target(%dma_start3A_57 : memref<1x2048xf32, #tpu.memory_space<vmem_shared>>) target_semaphore(%arg8 : memref<!tpu.dma_semaphore, #tpu.memory_space<semaphore_mem>>)
    %get3A_60 = arith.constant 3 : i32
    %get3A_61 = arith.index_cast %get3A_60 : i32 to index
    %get3A_62 = memref.load %arg6[%get3A_61] : memref<512xi32, #tpu.memory_space<smem>>
    %add3A_63 = arith.addi %get3A_62, %mul3A_23 : i32
    %add3A_64 = arith.constant 0 : i32
    %add3A_65 = arith.addi %mul3A_25, %add3A_64 : i32
    %add3A_66 = arith.constant 3 : i32
    %add3A_67 = arith.addi %add3A_65, %add3A_66 : i32
    %dma_start3A_68 = arith.constant 0 : i32
    %dma_start3A_69 = tpu.memref_slice %arg7[%add3A_67, %dma_start3A_68] : memref<512x2048xf32, #tpu.memory_space<vmem_shared>> -> memref<1x2048xf32, #tpu.memory_space<vmem_shared>>
    %dma_start3A_70 = arith.constant 0 : i32
    %dma_start3A_71 = tpu.memref_slice %arg2[%add3A_63, %dma_start3A_70] : memref<16384x2048xf32, #tpu.memory_space<hbm>> -> memref<1x2048xf32, #tpu.memory_space<hbm>>
    tpu.enqueue_dma source(%dma_start3A_71 : memref<1x2048xf32, #tpu.memory_space<hbm>>) target(%dma_start3A_69 : memref<1x2048xf32, #tpu.memory_space<vmem_shared>>) target_semaphore(%arg8 : memref<!tpu.dma_semaphore, #tpu.memory_space<semaphore_mem>>)
    %get3A_72 = arith.constant 4 : i32
    %get3A_73 = arith.index_cast %get3A_72 : i32 to index
    %get3A_74 = memref.load %arg6[%get3A_73] : memref<512xi32, #tpu.memory_space<smem>>
    %add3A_75 = arith.addi %get3A_74, %mul3A_23 : i32
    %add3A_76 = arith.constant 0 : i32
    %add3A_77 = arith.addi %mul3A_25, %add3A_76 : i32
    %add3A_78 = arith.constant 4 : i32
    %add3A_79 = arith.addi %add3A_77, %add3A_78 : i32
    %dma_start3A_80 = arith.constant 0 : i32
    %dma_start3A_81 = tpu.memref_slice %arg7[%add3A_79, %dma_start3A_80] : memref<512x2048xf32, #tpu.memory_space<vmem_shared>> -> memref<1x2048xf32, #tpu.memory_space<vmem_shared>>
    %dma_start3A_82 = arith.constant 0 : i32
    %dma_start3A_83 = tpu.memref_slice %arg2[%add3A_75, %dma_start3A_82] : memref<16384x2048xf32, #tpu.memory_space<hbm>> -> memref<1x2048xf32, #tpu.memory_space<hbm>>
    tpu.enqueue_dma source(%dma_start3A_83 : memref<1x2048xf32, #tpu.memory_space<hbm>>) target(%dma_start3A_81 : memref<1x2048xf32, #tpu.memory_space<vmem_shared>>) target_semaphore(%arg8 : memref<!tpu.dma_semaphore, #tpu.memory_space<semaphore_mem>>)
    %get3A_84 = arith.constant 5 : i32
    %get3A_85 = arith.index_cast %get3A_84 : i32 to index
    %get3A_86 = memref.load %arg6[%get3A_85] : memref<512xi32, #tpu.memory_space<smem>>
    %add3A_87 = arith.addi %get3A_86, %mul3A_23 : i32
    %add3A_88 = arith.constant 0 : i32
    %add3A_89 = arith.addi %mul3A_25, %add3A_88 : i32
    %add3A_90 = arith.constant 5 : i32
    %add3A_91 = arith.addi %add3A_89, %add3A_90 : i32
    %dma_start3A_92 = arith.constant 0 : i32
    %dma_start3A_93 = tpu.memref_slice %arg7[%add3A_91, %dma_start3A_92] : memref<512x2048xf32, #tpu.memory_space<vmem_shared>> -> memref<1x2048xf32, #tpu.memory_space<vmem_shared>>
    %dma_start3A_94 = arith.constant 0 : i32
    %dma_start3A_95 = tpu.memref_slice %arg2[%add3A_87, %dma_start3A_94] : memref<16384x2048xf32, #tpu.memory_space<hbm>> -> memref<1x2048xf32, #tpu.memory_space<hbm>>
    tpu.enqueue_dma source(%dma_start3A_95 : memref<1x2048xf32, #tpu.memory_space<hbm>>) target(%dma_start3A_93 : memref<1x2048xf32, #tpu.memory_space<vmem_shared>>) target_semaphore(%arg8 : memref<!tpu.dma_semaphore, #tpu.memory_space<semaphore_mem>>)
    %get3A_96 = arith.constant 6 : i32
    %get3A_97 = arith.index_cast %get3A_96 : i32 to index
    %get3A_98 = memref.load %arg6[%get3A_97] : memref<512xi32, #tpu.memory_space<smem>>
    %add3A_99 = arith.addi %get3A_98, %mul3A_23 : i32
    %add3A_100 = arith.constant 0 : i32
    %add3A_101 = arith.addi %mul3A_25, %add3A_100 : i32
    %add3A_102 = arith.constant 6 : i32
    %add3A_103 = arith.addi %add3A_101, %add3A_102 : i32
    %dma_start3A_104 = arith.constant 0 : i32
    %dma_start3A_105 = tpu.memref_slice %arg7[%add3A_103, %dma_start3A_104] : memref<512x2048xf32, #tpu.memory_space<vmem_shared>> -> memref<1x2048xf32, #tpu.memory_space<vmem_shared>>
    %dma_start3A_106 = arith.constant 0 : i32
    %dma_start3A_107 = tpu.memref_slice %arg2[%add3A_99, %dma_start3A_106] : memref<16384x2048xf32, #tpu.memory_space<hbm>> -> memref<1x2048xf32, #tpu.memory_space<hbm>>
    tpu.enqueue_dma source(%dma_start3A_107 : memref<1x2048xf32, #tpu.memory_space<hbm>>) target(%dma_start3A_105 : memref<1x2048xf32, #tpu.memory_space<vmem_shared>>) target_semaphore(%arg8 : memref<!tpu.dma_semaphore, #tpu.memory_space<semaphore_mem>>)
    %get3A_108 = arith.constant 7 : i32
    %get3A_109 = arith.index_cast %get3A_108 : i32 to index
    %get3A_110 = memref.load %arg6[%get3A_109] : memref<512xi32, #tpu.memory_space<smem>>
    %add3A_111 = arith.addi %get3A_110, %mul3A_23 : i32
    %add3A_112 = arith.constant 0 : i32
    %add3A_113 = arith.addi %mul3A_25, %add3A_112 : i32
    %add3A_114 = arith.constant 7 : i32
    %add3A_115 = arith.addi %add3A_113, %add3A_114 : i32
    %dma_start3A_116 = arith.constant 0 : i32
    %dma_start3A_117 = tpu.memref_slice %arg7[%add3A_115, %dma_start3A_116] : memref<512x2048xf32, #tpu.memory_space<vmem_shared>> -> memref<1x2048xf32, #tpu.memory_space<vmem_shared>>
    %dma_start3A_118 = arith.constant 0 : i32
    %dma_start3A_119 = tpu.memref_slice %arg2[%add3A_111, %dma_start3A_118] : memref<16384x2048xf32, #tpu.memory_space<hbm>> -> memref<1x2048xf32, #tpu.memory_space<hbm>>
    tpu.enqueue_dma source(%dma_start3A_119 : memref<1x2048xf32, #tpu.memory_space<hbm>>) target(%dma_start3A_117 : memref<1x2048xf32, #tpu.memory_space<vmem_shared>>) target_semaphore(%arg8 : memref<!tpu.dma_semaphore, #tpu.memory_space<semaphore_mem>>)
    %get3A_120 = arith.constant 8 : i32
    %get3A_121 = arith.index_cast %get3A_120 : i32 to index
    %get3A_122 = memref.load %arg6[%get3A_121] : memref<512xi32, #tpu.memory_space<smem>>
    %add3A_123 = arith.addi %get3A_122, %mul3A_23 : i32
    %add3A_124 = arith.constant 8 : i32
    %add3A_125 = arith.addi %mul3A_25, %add3A_124 : i32
    %add3A_126 = arith.constant 0 : i32
    %add3A_127 = arith.addi %add3A_125, %add3A_126 : i32
    %dma_start3A_128 = arith.constant 0 : i32
    %dma_start3A_129 = tpu.memref_slice %arg7[%add3A_127, %dma_start3A_128] : memref<512x2048xf32, #tpu.memory_space<vmem_shared>> -> memref<1x2048xf32, #tpu.memory_space<vmem_shared>>
    %dma_start3A_130 = arith.constant 0 : i32
    %dma_start3A_131 = tpu.memref_slice %arg2[%add3A_123, %dma_start3A_130] : memref<16384x2048xf32, #tpu.memory_space<hbm>> -> memref<1x2048xf32, #tpu.memory_space<hbm>>
    tpu.enqueue_dma source(%dma_start3A_131 : memref<1x2048xf32, #tpu.memory_space<hbm>>) target(%dma_start3A_129 : memref<1x2048xf32, #tpu.memory_space<vmem_shared>>) target_semaphore(%arg9 : memref<!tpu.dma_semaphore, #tpu.memory_space<semaphore_mem>>)
    %get3A_132 = arith.constant 9 : i32
    %get3A_133 = arith.index_cast %get3A_132 : i32 to index
    %get3A_134 = memref.load %arg6[%get3A_133] : memref<512xi32, #tpu.memory_space<smem>>
    %add3A_135 = arith.addi %get3A_134, %mul3A_23 : i32
    %add3A_136 = arith.constant 8 : i32
    %add3A_137 = arith.addi %mul3A_25, %add3A_136 : i32
    %add3A_138 = arith.constant 1 : i32
    %add3A_139 = arith.addi %add3A_137, %add3A_138 : i32
    %dma_start3A_140 = arith.constant 0 : i32
    %dma_start3A_141 = tpu.memref_slice %arg7[%add3A_139, %dma_start3A_140] : memref<512x2048xf32, #tpu.memory_space<vmem_shared>> -> memref<1x2048xf32, #tpu.memory_space<vmem_shared>>
    %dma_start3A_142 = arith.constant 0 : i32
    %dma_start3A_143 = tpu.memref_slice %arg2[%add3A_135, %dma_start3A_142] : memref<16384x2048xf32, #tpu.memory_space<hbm>> -> memref<1x2048xf32, #tpu.memory_space<hbm>>
    tpu.enqueue_dma source(%dma_start3A_143 : memref<1x2048xf32, #tpu.memory_space<hbm>>) target(%dma_start3A_141 : memref<1x2048xf32, #tpu.memory_space<vmem_shared>>) target_semaphore(%arg9 : memref<!tpu.dma_semaphore, #tpu.memory_space<semaphore_mem>>)
    %get3A_144 = arith.constant 10 : i32
    %get3A_145 = arith.index_cast %get3A_144 : i32 to index
    %get3A_146 = memref.load %arg6[%get3A_145] : memref<512xi32, #tpu.memory_space<smem>>
    %add3A_147 = arith.addi %get3A_146, %mul3A_23 : i32
    %add3A_148 = arith.constant 8 : i32
    %add3A_149 = arith.addi %mul3A_25, %add3A_148 : i32
    %add3A_150 = arith.constant 2 : i32
    %add3A_151 = arith.addi %add3A_149, %add3A_150 : i32
    %dma_start3A_152 = arith.constant 0 : i32
    %dma_start3A_153 = tpu.memref_slice %arg7[%add3A_151, %dma_start3A_152] : memref<512x2048xf32, #tpu.memory_space<vmem_shared>> -> memref<1x2048xf32, #tpu.memory_space<vmem_shared>>
    %dma_start3A_154 = arith.constant 0 : i32
    %dma_start3A_155 = tpu.memref_slice %arg2[%add3A_147, %dma_start3A_154] : memref<16384x2048xf32, #tpu.memory_space<hbm>> -> memref<1x2048xf32, #tpu.memory_space<hbm>>
    tpu.enqueue_dma source(%dma_start3A_155 : memref<1x2048xf32, #tpu.memory_space<hbm>>) target(%dma_start3A_153 : memref<1x2048xf32, #tpu.memory_space<vmem_shared>>) target_semaphore(%arg9 : memref<!tpu.dma_semaphore, #tpu.memory_space<semaphore_mem>>)
    %get3A_156 = arith.constant 11 : i32
    %get3A_157 = arith.index_cast %get3A_156 : i32 to index
    %get3A_158 = memref.load %arg6[%get3A_157] : memref<512xi32, #tpu.memory_space<smem>>
    %add3A_159 = arith.addi %get3A_158, %mul3A_23 : i32
    %add3A_160 = arith.constant 8 : i32
    %add3A_161 = arith.addi %mul3A_25, %add3A_160 : i32
    %add3A_162 = arith.constant 3 : i32
    %add3A_163 = arith.addi %add3A_161, %add3A_162 : i32
    %dma_start3A_164 = arith.constant 0 : i32
    %dma_start3A_165 = tpu.memref_slice %arg7[%add3A_163, %dma_start3A_164] : memref<512x2048xf32, #tpu.memory_space<vmem_shared>> -> memref<1x2048xf32, #tpu.memory_space<vmem_shared>>
    %dma_start3A_166 = arith.constant 0 : i32
    %dma_start3A_167 = tpu.memref_slice %arg2[%add3A_159, %dma_start3A_166] : memref<16384x2048xf32, #tpu.memory_space<hbm>> -> memref<1x2048xf32, #tpu.memory_space<hbm>>
    tpu.enqueue_dma source(%dma_start3A_167 : memref<1x2048xf32, #tpu.memory_space<hbm>>) target(%dma_start3A_165 : memref<1x2048xf32, #tpu.memory_space<vmem_shared>>) target_semaphore(%arg9 : memref<!tpu.dma_semaphore, #tpu.memory_space<semaphore_mem>>)
    %get3A_168 = arith.constant 12 : i32
    %get3A_169 = arith.index_cast %get3A_168 : i32 to index
    %get3A_170 = memref.load %arg6[%get3A_169] : memref<512xi32, #tpu.memory_space<smem>>
    %add3A_171 = arith.addi %get3A_170, %mul3A_23 : i32
    %add3A_172 = arith.constant 8 : i32
    %add3A_173 = arith.addi %mul3A_25, %add3A_172 : i32
    %add3A_174 = arith.constant 4 : i32
    %add3A_175 = arith.addi %add3A_173, %add3A_174 : i32
    %dma_start3A_176 = arith.constant 0 : i32
    %dma_start3A_177 = tpu.memref_slice %arg7[%add3A_175, %dma_start3A_176] : memref<512x2048xf32, #tpu.memory_space<vmem_shared>> -> memref<1x2048xf32, #tpu.memory_space<vmem_shared>>
    %dma_start3A_178 = arith.constant 0 : i32
    %dma_start3A_179 = tpu.memref_slice %arg2[%add3A_171, %dma_start3A_178] : memref<16384x2048xf32, #tpu.memory_space<hbm>> -> memref<1x2048xf32, #tpu.memory_space<hbm>>
    tpu.enqueue_dma source(%dma_start3A_179 : memref<1x2048xf32, #tpu.memory_space<hbm>>) target(%dma_start3A_177 : memref<1x2048xf32, #tpu.memory_space<vmem_shared>>) target_semaphore(%arg9 : memref<!tpu.dma_semaphore, #tpu.memory_space<semaphore_mem>>)
    %get3A_180 = arith.constant 13 : i32
    %get3A_181 = arith.index_cast %get3A_180 : i32 to index
    %get3A_182 = memref.load %arg6[%get3A_181] : memref<512xi32, #tpu.memory_space<smem>>
    %add3A_183 = arith.addi %get3A_182, %mul3A_23 : i32
    %add3A_184 = arith.constant 8 : i32
    %add3A_185 = arith.addi %mul3A_25, %add3A_184 : i32
    %add3A_186 = arith.constant 5 : i32
    %add3A_187 = arith.addi %add3A_185, %add3A_186 : i32
    %dma_start3A_188 = arith.constant 0 : i32
    %dma_start3A_189 = tpu.memref_slice %arg7[%add3A_187, %dma_start3A_188] : memref<512x2048xf32, #tpu.memory_space<vmem_shared>> -> memref<1x2048xf32, #tpu.memory_space<vmem_shared>>
    %dma_start3A_190 = arith.constant 0 : i32
    %dma_start3A_191 = tpu.memref_slice %arg2[%add3A_183, %dma_start3A_190] : memref<16384x2048xf32, #tpu.memory_space<hbm>> -> memref<1x2048xf32, #tpu.memory_space<hbm>>
    tpu.enqueue_dma source(%dma_start3A_191 : memref<1x2048xf32, #tpu.memory_space<hbm>>) target(%dma_start3A_189 : memref<1x2048xf32, #tpu.memory_space<vmem_shared>>) target_semaphore(%arg9 : memref<!tpu.dma_semaphore, #tpu.memory_space<semaphore_mem>>)
    %get3A_192 = arith.constant 14 : i32
    %get3A_193 = arith.index_cast %get3A_192 : i32 to index
    %get3A_194 = memref.load %arg6[%get3A_193] : memref<512xi32, #tpu.memory_space<smem>>
    %add3A_195 = arith.addi %get3A_194, %mul3A_23 : i32
    %add3A_196 = arith.constant 8 : i32
    %add3A_197 = arith.addi %mul3A_25, %add3A_196 : i32
    %add3A_198 = arith.constant 6 : i32
    %add3A_199 = arith.addi %add3A_197, %add3A_198 : i32
    %dma_start3A_200 = arith.constant 0 : i32
    %dma_start3A_201 = tpu.memref_slice %arg7[%add3A_199, %dma_start3A_200] : memref<512x2048xf32, #tpu.memory_space<vmem_shared>> -> memref<1x2048xf32, #tpu.memory_space<vmem_shared>>
    %dma_start3A_202 = arith.constant 0 : i32
    %dma_start3A_203 = tpu.memref_slice %arg2[%add3A_195, %dma_start3A_202] : memref<16384x2048xf32, #tpu.memory_space<hbm>> -> memref<1x2048xf32, #tpu.memory_space<hbm>>
    tpu.enqueue_dma source(%dma_start3A_203 : memref<1x2048xf32, #tpu.memory_space<hbm>>) target(%dma_start3A_201 : memref<1x2048xf32, #tpu.memory_space<vmem_shared>>) target_semaphore(%arg9 : memref<!tpu.dma_semaphore, #tpu.memory_space<semaphore_mem>>)
    %get3A_204 = arith.constant 15 : i32
    %get3A_205 = arith.index_cast %get3A_204 : i32 to index
    %get3A_206 = memref.load %arg6[%get3A_205] : memref<512xi32, #tpu.memory_space<smem>>
    %add3A_207 = arith.addi %get3A_206, %mul3A_23 : i32
    %add3A_208 = arith.constant 8 : i32
    %add3A_209 = arith.addi %mul3A_25, %add3A_208 : i32
    %add3A_210 = arith.constant 7 : i32
    %add3A_211 = arith.addi %add3A_209, %add3A_210 : i32
    %dma_start3A_212 = arith.constant 0 : i32
    %dma_start3A_213 = tpu.memref_slice %arg7[%add3A_211, %dma_start3A_212] : memref<512x2048xf32, #tpu.memory_space<vmem_shared>> -> memref<1x2048xf32, #tpu.memory_space<vmem_shared>>
    %dma_start3A_214 = arith.constant 0 : i32
    %dma_start3A_215 = tpu.memref_slice %arg2[%add3A_207, %dma_start3A_214] : memref<16384x2048xf32, #tpu.memory_space<hbm>> -> memref<1x2048xf32, #tpu.memory_space<hbm>>
    tpu.enqueue_dma source(%dma_start3A_215 : memref<1x2048xf32, #tpu.memory_space<hbm>>) target(%dma_start3A_213 : memref<1x2048xf32, #tpu.memory_space<vmem_shared>>) target_semaphore(%arg9 : memref<!tpu.dma_semaphore, #tpu.memory_space<semaphore_mem>>)
    %get3A_216 = arith.constant 16 : i32
    %get3A_217 = arith.index_cast %get3A_216 : i32 to index
    %get3A_218 = memref.load %arg6[%get3A_217] : memref<512xi32, #tpu.memory_space<smem>>
    %add3A_219 = arith.addi %get3A_218, %mul3A_23 : i32
    %add3A_220 = arith.constant 16 : i32
    %add3A_221 = arith.addi %mul3A_25, %add3A_220 : i32
    %add3A_222 = arith.constant 0 : i32
    %add3A_223 = arith.addi %add3A_221, %add3A_222 : i32
    %dma_start3A_224 = arith.constant 0 : i32
    %dma_start3A_225 = tpu.memref_slice %arg7[%add3A_223, %dma_start3A_224] : memref<512x2048xf32, #tpu.memory_space<vmem_shared>> -> memref<1x2048xf32, #tpu.memory_space<vmem_shared>>
    %dma_start3A_226 = arith.constant 0 : i32
    %dma_start3A_227 = tpu.memref_slice %arg2[%add3A_219, %dma_start3A_226] : memref<16384x2048xf32, #tpu.memory_space<hbm>> -> memref<1x2048xf32, #tpu.memory_space<hbm>>
    tpu.enqueue_dma source(%dma_start3A_227 : memref<1x2048xf32, #tpu.memory_space<hbm>>) target(%dma_start3A_225 : memref<1x2048xf32, #tpu.memory_space<vmem_shared>>) target_semaphore(%arg10 : memref<!tpu.dma_semaphore, #tpu.memory_space<semaphore_mem>>)
    %get3A_228 = arith.constant 17 : i32
    %get3A_229 = arith.index_cast %get3A_228 : i32 to index
    %get3A_230 = memref.load %arg6[%get3A_229] : memref<512xi32, #tpu.memory_space<smem>>
    %add3A_231 = arith.addi %get3A_230, %mul3A_23 : i32
    %add3A_232 = arith.constant 16 : i32
    %add3A_233 = arith.addi %mul3A_25, %add3A_232 : i32
    %add3A_234 = arith.constant 1 : i32
    %add3A_235 = arith.addi %add3A_233, %add3A_234 : i32
    %dma_start3A_236 = arith.constant 0 : i32
    %dma_start3A_237 = tpu.memref_slice %arg7[%add3A_235, %dma_start3A_236] : memref<512x2048xf32, #tpu.memory_space<vmem_shared>> -> memref<1x2048xf32, #tpu.memory_space<vmem_shared>>
    %dma_start3A_238 = arith.constant 0 : i32
    %dma_start3A_239 = tpu.memref_slice %arg2[%add3A_231, %dma_start3A_238] : memref<16384x2048xf32, #tpu.memory_space<hbm>> -> memref<1x2048xf32, #tpu.memory_space<hbm>>
    tpu.enqueue_dma source(%dma_start3A_239 : memref<1x2048xf32, #tpu.memory_space<hbm>>) target(%dma_start3A_237 : memref<1x2048xf32, #tpu.memory_space<vmem_shared>>) target_semaphore(%arg10 : memref<!tpu.dma_semaphore, #tpu.memory_space<semaphore_mem>>)
    %get3A_240 = arith.constant 18 : i32
    %get3A_241 = arith.index_cast %get3A_240 : i32 to index
    %get3A_242 = memref.load %arg6[%get3A_241] : memref<512xi32, #tpu.memory_space<smem>>
    %add3A_243 = arith.addi %get3A_242, %mul3A_23 : i32
    %add3A_244 = arith.constant 16 : i32
    %add3A_245 = arith.addi %mul3A_25, %add3A_244 : i32
    %add3A_246 = arith.constant 2 : i32
    %add3A_247 = arith.addi %add3A_245, %add3A_246 : i32
    %dma_start3A_248 = arith.constant 0 : i32
    %dma_start3A_249 = tpu.memref_slice %arg7[%add3A_247, %dma_start3A_248] : memref<512x2048xf32, #tpu.memory_space<vmem_shared>> -> memref<1x2048xf32, #tpu.memory_space<vmem_shared>>
    %dma_start3A_250 = arith.constant 0 : i32
    %dma_start3A_251 = tpu.memref_slice %arg2[%add3A_243, %dma_start3A_250] : memref<16384x2048xf32, #tpu.memory_space<hbm>> -> memref<1x2048xf32, #tpu.memory_space<hbm>>
    tpu.enqueue_dma source(%dma_start3A_251 : memref<1x2048xf32, #tpu.memory_space<hbm>>) target(%dma_start3A_249 : memref<1x2048xf32, #tpu.memory_space<vmem_shared>>) target_semaphore(%arg10 : memref<!tpu.dma_semaphore, #tpu.memory_space<semaphore_mem>>)
    %get3A_252 = arith.constant 19 : i32
    %get3A_253 = arith.index_cast %get3A_252 : i32 to index
    %get3A_254 = memref.load %arg6[%get3A_253] : memref<512xi32, #tpu.memory_space<smem>>
    %add3A_255 = arith.addi %get3A_254, %mul3A_23 : i32
    %add3A_256 = arith.constant 16 : i32
    %add3A_257 = arith.addi %mul3A_25, %add3A_256 : i32
    %add3A_258 = arith.constant 3 : i32
    %add3A_259 = arith.addi %add3A_257, %add3A_258 : i32
    %dma_start3A_260 = arith.constant 0 : i32
    %dma_start3A_261 = tpu.memref_slice %arg7[%add3A_259, %dma_start3A_260] : memref<512x2048xf32, #tpu.memory_space<vmem_shared>> -> memref<1x2048xf32, #tpu.memory_space<vmem_shared>>
    %dma_start3A_262 = arith.constant 0 : i32
    %dma_start3A_263 = tpu.memref_slice %arg2[%add3A_255, %dma_start3A_262] : memref<16384x2048xf32, #tpu.memory_space<hbm>> -> memref<1x2048xf32, #tpu.memory_space<hbm>>
    tpu.enqueue_dma source(%dma_start3A_263 : memref<1x2048xf32, #tpu.memory_space<hbm>>) target(%dma_start3A_261 : memref<1x2048xf32, #tpu.memory_space<vmem_shared>>) target_semaphore(%arg10 : memref<!tpu.dma_semaphore, #tpu.memory_space<semaphore_mem>>)
    %get3A_264 = arith.constant 20 : i32
    %get3A_265 = arith.index_cast %get3A_264 : i32 to index
    %get3A_266 = memref.load %arg6[%get3A_265] : memref<512xi32, #tpu.memory_space<smem>>
    %add3A_267 = arith.addi %get3A_266, %mul3A_23 : i32
    %add3A_268 = arith.constant 16 : i32
    %add3A_269 = arith.addi %mul3A_25, %add3A_268 : i32
    %add3A_270 = arith.constant 4 : i32
    %add3A_271 = arith.addi %add3A_269, %add3A_270 : i32
    %dma_start3A_272 = arith.constant 0 : i32
    %dma_start3A_273 = tpu.memref_slice %arg7[%add3A_271, %dma_start3A_272] : memref<512x2048xf32, #tpu.memory_space<vmem_shared>> -> memref<1x2048xf32, #tpu.memory_space<vmem_shared>>
    %dma_start3A_274 = arith.constant 0 : i32
    %dma_start3A_275 = tpu.memref_slice %arg2[%add3A_267, %dma_start3A_274] : memref<16384x2048xf32, #tpu.memory_space<hbm>> -> memref<1x2048xf32, #tpu.memory_space<hbm>>
    tpu.enqueue_dma source(%dma_start3A_275 : memref<1x2048xf32, #tpu.memory_space<hbm>>) target(%dma_start3A_273 : memref<1x2048xf32, #tpu.memory_space<vmem_shared>>) target_semaphore(%arg10 : memref<!tpu.dma_semaphore, #tpu.memory_space<semaphore_mem>>)
    %get3A_276 = arith.constant 21 : i32
    %get3A_277 = arith.index_cast %get3A_276 : i32 to index
    %get3A_278 = memref.load %arg6[%get3A_277] : memref<512xi32, #tpu.memory_space<smem>>
    %add3A_279 = arith.addi %get3A_278, %mul3A_23 : i32
    %add3A_280 = arith.constant 16 : i32
    %add3A_281 = arith.addi %mul3A_25, %add3A_280 : i32
    %add3A_282 = arith.constant 5 : i32
    %add3A_283 = arith.addi %add3A_281, %add3A_282 : i32
    %dma_start3A_284 = arith.constant 0 : i32
    %dma_start3A_285 = tpu.memref_slice %arg7[%add3A_283, %dma_start3A_284] : memref<512x2048xf32, #tpu.memory_space<vmem_shared>> -> memref<1x2048xf32, #tpu.memory_space<vmem_shared>>
    %dma_start3A_286 = arith.constant 0 : i32
    %dma_start3A_287 = tpu.memref_slice %arg2[%add3A_279, %dma_start3A_286] : memref<16384x2048xf32, #tpu.memory_space<hbm>> -> memref<1x2048xf32, #tpu.memory_space<hbm>>
    tpu.enqueue_dma source(%dma_start3A_287 : memref<1x2048xf32, #tpu.memory_space<hbm>>) target(%dma_start3A_285 : memref<1x2048xf32, #tpu.memory_space<vmem_shared>>) target_semaphore(%arg10 : memref<!tpu.dma_semaphore, #tpu.memory_space<semaphore_mem>>)
    %get3A_288 = arith.constant 22 : i32
    %get3A_289 = arith.index_cast %get3A_288 : i32 to index
    %get3A_290 = memref.load %arg6[%get3A_289] : memref<512xi32, #tpu.memory_space<smem>>
    %add3A_291 = arith.addi %get3A_290, %mul3A_23 : i32
    %add3A_292 = arith.constant 16 : i32
    %add3A_293 = arith.addi %mul3A_25, %add3A_292 : i32
    %add3A_294 = arith.constant 6 : i32
    %add3A_295 = arith.addi %add3A_293, %add3A_294 : i32
    %dma_start3A_296 = arith.constant 0 : i32
    %dma_start3A_297 = tpu.memref_slice %arg7[%add3A_295, %dma_start3A_296] : memref<512x2048xf32, #tpu.memory_space<vmem_shared>> -> memref<1x2048xf32, #tpu.memory_space<vmem_shared>>
    %dma_start3A_298 = arith.constant 0 : i32
    %dma_start3A_299 = tpu.memref_slice %arg2[%add3A_291, %dma_start3A_298] : memref<16384x2048xf32, #tpu.memory_space<hbm>> -> memref<1x2048xf32, #tpu.memory_space<hbm>>
    tpu.enqueue_dma source(%dma_start3A_299 : memref<1x2048xf32, #tpu.memory_space<hbm>>) target(%dma_start3A_297 : memref<1x2048xf32, #tpu.memory_space<vmem_shared>>) target_semaphore(%arg10 : memref<!tpu.dma_semaphore, #tpu.memory_space<semaphore_mem>>)
    %get3A_300 = arith.constant 23 : i32
    %get3A_301 = arith.index_cast %get3A_300 : i32 to index
    %get3A_302 = memref.load %arg6[%get3A_301] : memref<512xi32, #tpu.memory_space<smem>>
    %add3A_303 = arith.addi %get3A_302, %mul3A_23 : i32
    %add3A_304 = arith.constant 16 : i32
    %add3A_305 = arith.addi %mul3A_25, %add3A_304 : i32
    %add3A_306 = arith.constant 7 : i32
    %add3A_307 = arith.addi %add3A_305, %add3A_306 : i32
    %dma_start3A_308 = arith.constant 0 : i32
    %dma_start3A_309 = tpu.memref_slice %arg7[%add3A_307, %dma_start3A_308] : memref<512x2048xf32, #tpu.memory_space<vmem_shared>> -> memref<1x2048xf32, #tpu.memory_space<vmem_shared>>
    %dma_start3A_310 = arith.constant 0 : i32
    %dma_start3A_311 = tpu.memref_slice %arg2[%add3A_303, %dma_start3A_310] : memref<16384x2048xf32, #tpu.memory_space<hbm>> -> memref<1x2048xf32, #tpu.memory_space<hbm>>
    tpu.enqueue_dma source(%dma_start3A_311 : memref<1x2048xf32, #tpu.memory_space<hbm>>) target(%dma_start3A_309 : memref<1x2048xf32, #tpu.memory_space<vmem_shared>>) target_semaphore(%arg10 : memref<!tpu.dma_semaphore, #tpu.memory_space<semaphore_mem>>)
    %get3A_312 = arith.constant 24 : i32
    %get3A_313 = arith.index_cast %get3A_312 : i32 to index
    %get3A_314 = memref.load %arg6[%get3A_313] : memref<512xi32, #tpu.memory_space<smem>>
    %add3A_315 = arith.addi %get3A_314, %mul3A_23 : i32
    %add3A_316 = arith.constant 24 : i32
    %add3A_317 = arith.addi %mul3A_25, %add3A_316 : i32
    %add3A_318 = arith.constant 0 : i32
    %add3A_319 = arith.addi %add3A_317, %add3A_318 : i32
    %dma_start3A_320 = arith.constant 0 : i32
    %dma_start3A_321 = tpu.memref_slice %arg7[%add3A_319, %dma_start3A_320] : memref<512x2048xf32, #tpu.memory_space<vmem_shared>> -> memref<1x2048xf32, #tpu.memory_space<vmem_shared>>
    %dma_start3A_322 = arith.constant 0 : i32
    %dma_start3A_323 = tpu.memref_slice %arg2[%add3A_315, %dma_start3A_322] : memref<16384x2048xf32, #tpu.memory_space<hbm>> -> memref<1x2048xf32, #tpu.memory_space<hbm>>
    tpu.enqueue_dma source(%dma_start3A_323 : memref<1x2048xf32, #tpu.memory_space<hbm>>) target(%dma_start3A_321 : memref<1x2048xf32, #tpu.memory_space<vmem_shared>>) target_semaphore(%arg11 : memref<!tpu.dma_semaphore, #tpu.memory_space<semaphore_mem>>)
    %get3A_324 = arith.constant 25 : i32
    %get3A_325 = arith.index_cast %get3A_324 : i32 to index
    %get3A_326 = memref.load %arg6[%get3A_325] : memref<512xi32, #tpu.memory_space<smem>>
    %add3A_327 = arith.addi %get3A_326, %mul3A_23 : i32
    %add3A_328 = arith.constant 24 : i32
    %add3A_329 = arith.addi %mul3A_25, %add3A_328 : i32
    %add3A_330 = arith.constant 1 : i32
    %add3A_331 = arith.addi %add3A_329, %add3A_330 : i32
    %dma_start3A_332 = arith.constant 0 : i32
    %dma_start3A_333 = tpu.memref_slice %arg7[%add3A_331, %dma_start3A_332] : memref<512x2048xf32, #tpu.memory_space<vmem_shared>> -> memref<1x2048xf32, #tpu.memory_space<vmem_shared>>
    %dma_start3A_334 = arith.constant 0 : i32
    %dma_start3A_335 = tpu.memref_slice %arg2[%add3A_327, %dma_start3A_334] : memref<16384x2048xf32, #tpu.memory_space<hbm>> -> memref<1x2048xf32, #tpu.memory_space<hbm>>
    tpu.enqueue_dma source(%dma_start3A_335 : memref<1x2048xf32, #tpu.memory_space<hbm>>) target(%dma_start3A_333 : memref<1x2048xf32, #tpu.memory_space<vmem_shared>>) target_semaphore(%arg11 : memref<!tpu.dma_semaphore, #tpu.memory_space<semaphore_mem>>)
    %get3A_336 = arith.constant 26 : i32
    %get3A_337 = arith.index_cast %get3A_336 : i32 to index
    %get3A_338 = memref.load %arg6[%get3A_337] : memref<512xi32, #tpu.memory_space<smem>>
    %add3A_339 = arith.addi %get3A_338, %mul3A_23 : i32
    %add3A_340 = arith.constant 24 : i32
    %add3A_341 = arith.addi %mul3A_25, %add3A_340 : i32
    %add3A_342 = arith.constant 2 : i32
    %add3A_343 = arith.addi %add3A_341, %add3A_342 : i32
    %dma_start3A_344 = arith.constant 0 : i32
    %dma_start3A_345 = tpu.memref_slice %arg7[%add3A_343, %dma_start3A_344] : memref<512x2048xf32, #tpu.memory_space<vmem_shared>> -> memref<1x2048xf32, #tpu.memory_space<vmem_shared>>
    %dma_start3A_346 = arith.constant 0 : i32
    %dma_start3A_347 = tpu.memref_slice %arg2[%add3A_339, %dma_start3A_346] : memref<16384x2048xf32, #tpu.memory_space<hbm>> -> memref<1x2048xf32, #tpu.memory_space<hbm>>
    tpu.enqueue_dma source(%dma_start3A_347 : memref<1x2048xf32, #tpu.memory_space<hbm>>) target(%dma_start3A_345 : memref<1x2048xf32, #tpu.memory_space<vmem_shared>>) target_semaphore(%arg11 : memref<!tpu.dma_semaphore, #tpu.memory_space<semaphore_mem>>)
    %get3A_348 = arith.constant 27 : i32
    %get3A_349 = arith.index_cast %get3A_348 : i32 to index
    %get3A_350 = memref.load %arg6[%get3A_349] : memref<512xi32, #tpu.memory_space<smem>>
    %add3A_351 = arith.addi %get3A_350, %mul3A_23 : i32
    %add3A_352 = arith.constant 24 : i32
    %add3A_353 = arith.addi %mul3A_25, %add3A_352 : i32
    %add3A_354 = arith.constant 3 : i32
    %add3A_355 = arith.addi %add3A_353, %add3A_354 : i32
    %dma_start3A_356 = arith.constant 0 : i32
    %dma_start3A_357 = tpu.memref_slice %arg7[%add3A_355, %dma_start3A_356] : memref<512x2048xf32, #tpu.memory_space<vmem_shared>> -> memref<1x2048xf32, #tpu.memory_space<vmem_shared>>
    %dma_start3A_358 = arith.constant 0 : i32
    %dma_start3A_359 = tpu.memref_slice %arg2[%add3A_351, %dma_start3A_358] : memref<16384x2048xf32, #tpu.memory_space<hbm>> -> memref<1x2048xf32, #tpu.memory_space<hbm>>
    tpu.enqueue_dma source(%dma_start3A_359 : memref<1x2048xf32, #tpu.memory_space<hbm>>) target(%dma_start3A_357 : memref<1x2048xf32, #tpu.memory_space<vmem_shared>>) target_semaphore(%arg11 : memref<!tpu.dma_semaphore, #tpu.memory_space<semaphore_mem>>)
    %get3A_360 = arith.constant 28 : i32
    %get3A_361 = arith.index_cast %get3A_360 : i32 to index
    %get3A_362 = memref.load %arg6[%get3A_361] : memref<512xi32, #tpu.memory_space<smem>>
    %add3A_363 = arith.addi %get3A_362, %mul3A_23 : i32
    %add3A_364 = arith.constant 24 : i32
    %add3A_365 = arith.addi %mul3A_25, %add3A_364 : i32
    %add3A_366 = arith.constant 4 : i32
    %add3A_367 = arith.addi %add3A_365, %add3A_366 : i32
    %dma_start3A_368 = arith.constant 0 : i32
    %dma_start3A_369 = tpu.memref_slice %arg7[%add3A_367, %dma_start3A_368] : memref<512x2048xf32, #tpu.memory_space<vmem_shared>> -> memref<1x2048xf32, #tpu.memory_space<vmem_shared>>
    %dma_start3A_370 = arith.constant 0 : i32
    %dma_start3A_371 = tpu.memref_slice %arg2[%add3A_363, %dma_start3A_370] : memref<16384x2048xf32, #tpu.memory_space<hbm>> -> memref<1x2048xf32, #tpu.memory_space<hbm>>
    tpu.enqueue_dma source(%dma_start3A_371 : memref<1x2048xf32, #tpu.memory_space<hbm>>) target(%dma_start3A_369 : memref<1x2048xf32, #tpu.memory_space<vmem_shared>>) target_semaphore(%arg11 : memref<!tpu.dma_semaphore, #tpu.memory_space<semaphore_mem>>)
    %get3A_372 = arith.constant 29 : i32
    %get3A_373 = arith.index_cast %get3A_372 : i32 to index
    %get3A_374 = memref.load %arg6[%get3A_373] : memref<512xi32, #tpu.memory_space<smem>>
    %add3A_375 = arith.addi %get3A_374, %mul3A_23 : i32
    %add3A_376 = arith.constant 24 : i32
    %add3A_377 = arith.addi %mul3A_25, %add3A_376 : i32
    %add3A_378 = arith.constant 5 : i32
    %add3A_379 = arith.addi %add3A_377, %add3A_378 : i32
    %dma_start3A_380 = arith.constant 0 : i32
    %dma_start3A_381 = tpu.memref_slice %arg7[%add3A_379, %dma_start3A_380] : memref<512x2048xf32, #tpu.memory_space<vmem_shared>> -> memref<1x2048xf32, #tpu.memory_space<vmem_shared>>
    %dma_start3A_382 = arith.constant 0 : i32
    %dma_start3A_383 = tpu.memref_slice %arg2[%add3A_375, %dma_start3A_382] : memref<16384x2048xf32, #tpu.memory_space<hbm>> -> memref<1x2048xf32, #tpu.memory_space<hbm>>
    tpu.enqueue_dma source(%dma_start3A_383 : memref<1x2048xf32, #tpu.memory_space<hbm>>) target(%dma_start3A_381 : memref<1x2048xf32, #tpu.memory_space<vmem_shared>>) target_semaphore(%arg11 : memref<!tpu.dma_semaphore, #tpu.memory_space<semaphore_mem>>)
    %get3A_384 = arith.constant 30 : i32
    %get3A_385 = arith.index_cast %get3A_384 : i32 to index
    %get3A_386 = memref.load %arg6[%get3A_385] : memref<512xi32, #tpu.memory_space<smem>>
    %add3A_387 = arith.addi %get3A_386, %mul3A_23 : i32
    %add3A_388 = arith.constant 24 : i32
    %add3A_389 = arith.addi %mul3A_25, %add3A_388 : i32
    %add3A_390 = arith.constant 6 : i32
    %add3A_391 = arith.addi %add3A_389, %add3A_390 : i32
    %dma_start3A_392 = arith.constant 0 : i32
    %dma_start3A_393 = tpu.memref_slice %arg7[%add3A_391, %dma_start3A_392] : memref<512x2048xf32, #tpu.memory_space<vmem_shared>> -> memref<1x2048xf32, #tpu.memory_space<vmem_shared>>
    %dma_start3A_394 = arith.constant 0 : i32
    %dma_start3A_395 = tpu.memref_slice %arg2[%add3A_387, %dma_start3A_394] : memref<16384x2048xf32, #tpu.memory_space<hbm>> -> memref<1x2048xf32, #tpu.memory_space<hbm>>
    tpu.enqueue_dma source(%dma_start3A_395 : memref<1x2048xf32, #tpu.memory_space<hbm>>) target(%dma_start3A_393 : memref<1x2048xf32, #tpu.memory_space<vmem_shared>>) target_semaphore(%arg11 : memref<!tpu.dma_semaphore, #tpu.memory_space<semaphore_mem>>)
    %get3A_396 = arith.constant 31 : i32
    %get3A_397 = arith.index_cast %get3A_396 : i32 to index
    %get3A_398 = memref.load %arg6[%get3A_397] : memref<512xi32, #tpu.memory_space<smem>>
    %add3A_399 = arith.addi %get3A_398, %mul3A_23 : i32
    %add3A_400 = arith.constant 24 : i32
    %add3A_401 = arith.addi %mul3A_25, %add3A_400 : i32
    %add3A_402 = arith.constant 7 : i32
    %add3A_403 = arith.addi %add3A_401, %add3A_402 : i32
    %dma_start3A_404 = arith.constant 0 : i32
    %dma_start3A_405 = tpu.memref_slice %arg7[%add3A_403, %dma_start3A_404] : memref<512x2048xf32, #tpu.memory_space<vmem_shared>> -> memref<1x2048xf32, #tpu.memory_space<vmem_shared>>
    %dma_start3A_406 = arith.constant 0 : i32
    %dma_start3A_407 = tpu.memref_slice %arg2[%add3A_399, %dma_start3A_406] : memref<16384x2048xf32, #tpu.memory_space<hbm>> -> memref<1x2048xf32, #tpu.memory_space<hbm>>
    tpu.enqueue_dma source(%dma_start3A_407 : memref<1x2048xf32, #tpu.memory_space<hbm>>) target(%dma_start3A_405 : memref<1x2048xf32, #tpu.memory_space<vmem_shared>>) target_semaphore(%arg11 : memref<!tpu.dma_semaphore, #tpu.memory_space<semaphore_mem>>)
    %scan3A = arith.constant 0 : i32
    %scan3A_408 = arith.constant 0 : i32
    %scan3A_409 = arith.constant 15 : i32
    %scan3A_410 = arith.addi %scan3A_408, %scan3A_409 : i32
    %scan3A_411 = arith.constant 1 : i32
    scf.for %scan3A_764 = %scan3A_408 to %scan3A_410 step %scan3A_411  : i32 {
      %mul3A_765 = arith.constant 4 : i32
      %mul3A_766 = arith.muli %scan3A_764, %mul3A_765 : i32
      %add3A_767 = arith.constant 0 : i32
      %add3A_768 = arith.addi %mul3A_766, %add3A_767 : i32
      %add3A_769 = arith.constant 0 : i32
      %add3A_770 = arith.addi %mul3A_25, %add3A_769 : i32
      %add3A_771 = arith.constant 0 : i32
      %add3A_772 = arith.addi %add3A_770, %add3A_771 : i32
      %dma_wait3A_773 = arith.constant 0 : i32
      %dma_wait3A_774 = tpu.memref_slice %arg7[%add3A_772, %dma_wait3A_773] : memref<512x2048xf32, #tpu.memory_space<vmem_shared>> -> memref<1x2048xf32, #tpu.memory_space<vmem_shared>>
      %dma_wait3A_775 = arith.constant 0 : i32
      %dma_wait3A_776 = arith.constant 0 : i32
      %dma_wait3A_777 = tpu.memref_slice %arg2[%dma_wait3A_775, %dma_wait3A_776] : memref<16384x2048xf32, #tpu.memory_space<hbm>> -> memref<1x2048xf32, #tpu.memory_space<hbm>>
      tpu.wait_dma2 semaphore(%arg8 : memref<!tpu.dma_semaphore, #tpu.memory_space<semaphore_mem>>) src(%dma_wait3A_777 : memref<1x2048xf32, #tpu.memory_space<hbm>>) dst(%dma_wait3A_774 : memref<1x2048xf32, #tpu.memory_space<vmem_shared>>)
      %add3A_778 = arith.constant 0 : i32
      %add3A_779 = arith.addi %mul3A_25, %add3A_778 : i32
      %add3A_780 = arith.constant 1 : i32
      %add3A_781 = arith.addi %add3A_779, %add3A_780 : i32
      %dma_wait3A_782 = arith.constant 0 : i32
      %dma_wait3A_783 = tpu.memref_slice %arg7[%add3A_781, %dma_wait3A_782] : memref<512x2048xf32, #tpu.memory_space<vmem_shared>> -> memref<1x2048xf32, #tpu.memory_space<vmem_shared>>
      %dma_wait3A_784 = arith.constant 0 : i32
      %dma_wait3A_785 = arith.constant 0 : i32
      %dma_wait3A_786 = tpu.memref_slice %arg2[%dma_wait3A_784, %dma_wait3A_785] : memref<16384x2048xf32, #tpu.memory_space<hbm>> -> memref<1x2048xf32, #tpu.memory_space<hbm>>
      tpu.wait_dma2 semaphore(%arg8 : memref<!tpu.dma_semaphore, #tpu.memory_space<semaphore_mem>>) src(%dma_wait3A_786 : memref<1x2048xf32, #tpu.memory_space<hbm>>) dst(%dma_wait3A_783 : memref<1x2048xf32, #tpu.memory_space<vmem_shared>>)
      %add3A_787 = arith.constant 0 : i32
      %add3A_788 = arith.addi %mul3A_25, %add3A_787 : i32
      %add3A_789 = arith.constant 2 : i32
      %add3A_790 = arith.addi %add3A_788, %add3A_789 : i32
      %dma_wait3A_791 = arith.constant 0 : i32
      %dma_wait3A_792 = tpu.memref_slice %arg7[%add3A_790, %dma_wait3A_791] : memref<512x2048xf32, #tpu.memory_space<vmem_shared>> -> memref<1x2048xf32, #tpu.memory_space<vmem_shared>>
      %dma_wait3A_793 = arith.constant 0 : i32
      %dma_wait3A_794 = arith.constant 0 : i32
      %dma_wait3A_795 = tpu.memref_slice %arg2[%dma_wait3A_793, %dma_wait3A_794] : memref<16384x2048xf32, #tpu.memory_space<hbm>> -> memref<1x2048xf32, #tpu.memory_space<hbm>>
      tpu.wait_dma2 semaphore(%arg8 : memref<!tpu.dma_semaphore, #tpu.memory_space<semaphore_mem>>) src(%dma_wait3A_795 : memref<1x2048xf32, #tpu.memory_space<hbm>>) dst(%dma_wait3A_792 : memref<1x2048xf32, #tpu.memory_space<vmem_shared>>)
      %add3A_796 = arith.constant 0 : i32
      %add3A_797 = arith.addi %mul3A_25, %add3A_796 : i32
      %add3A_798 = arith.constant 3 : i32
      %add3A_799 = arith.addi %add3A_797, %add3A_798 : i32
      %dma_wait3A_800 = arith.constant 0 : i32
      %dma_wait3A_801 = tpu.memref_slice %arg7[%add3A_799, %dma_wait3A_800] : memref<512x2048xf32, #tpu.memory_space<vmem_shared>> -> memref<1x2048xf32, #tpu.memory_space<vmem_shared>>
      %dma_wait3A_802 = arith.constant 0 : i32
      %dma_wait3A_803 = arith.constant 0 : i32
      %dma_wait3A_804 = tpu.memref_slice %arg2[%dma_wait3A_802, %dma_wait3A_803] : memref<16384x2048xf32, #tpu.memory_space<hbm>> -> memref<1x2048xf32, #tpu.memory_space<hbm>>
      tpu.wait_dma2 semaphore(%arg8 : memref<!tpu.dma_semaphore, #tpu.memory_space<semaphore_mem>>) src(%dma_wait3A_804 : memref<1x2048xf32, #tpu.memory_space<hbm>>) dst(%dma_wait3A_801 : memref<1x2048xf32, #tpu.memory_space<vmem_shared>>)
      %add3A_805 = arith.constant 0 : i32
      %add3A_806 = arith.addi %mul3A_25, %add3A_805 : i32
      %add3A_807 = arith.constant 4 : i32
      %add3A_808 = arith.addi %add3A_806, %add3A_807 : i32
      %dma_wait3A_809 = arith.constant 0 : i32
      %dma_wait3A_810 = tpu.memref_slice %arg7[%add3A_808, %dma_wait3A_809] : memref<512x2048xf32, #tpu.memory_space<vmem_shared>> -> memref<1x2048xf32, #tpu.memory_space<vmem_shared>>
      %dma_wait3A_811 = arith.constant 0 : i32
      %dma_wait3A_812 = arith.constant 0 : i32
      %dma_wait3A_813 = tpu.memref_slice %arg2[%dma_wait3A_811, %dma_wait3A_812] : memref<16384x2048xf32, #tpu.memory_space<hbm>> -> memref<1x2048xf32, #tpu.memory_space<hbm>>
      tpu.wait_dma2 semaphore(%arg8 : memref<!tpu.dma_semaphore, #tpu.memory_space<semaphore_mem>>) src(%dma_wait3A_813 : memref<1x2048xf32, #tpu.memory_space<hbm>>) dst(%dma_wait3A_810 : memref<1x2048xf32, #tpu.memory_space<vmem_shared>>)
      %add3A_814 = arith.constant 0 : i32
      %add3A_815 = arith.addi %mul3A_25, %add3A_814 : i32
      %add3A_816 = arith.constant 5 : i32
      %add3A_817 = arith.addi %add3A_815, %add3A_816 : i32
      %dma_wait3A_818 = arith.constant 0 : i32
      %dma_wait3A_819 = tpu.memref_slice %arg7[%add3A_817, %dma_wait3A_818] : memref<512x2048xf32, #tpu.memory_space<vmem_shared>> -> memref<1x2048xf32, #tpu.memory_space<vmem_shared>>
      %dma_wait3A_820 = arith.constant 0 : i32
      %dma_wait3A_821 = arith.constant 0 : i32
      %dma_wait3A_822 = tpu.memref_slice %arg2[%dma_wait3A_820, %dma_wait3A_821] : memref<16384x2048xf32, #tpu.memory_space<hbm>> -> memref<1x2048xf32, #tpu.memory_space<hbm>>
      tpu.wait_dma2 semaphore(%arg8 : memref<!tpu.dma_semaphore, #tpu.memory_space<semaphore_mem>>) src(%dma_wait3A_822 : memref<1x2048xf32, #tpu.memory_space<hbm>>) dst(%dma_wait3A_819 : memref<1x2048xf32, #tpu.memory_space<vmem_shared>>)
      %add3A_823 = arith.constant 0 : i32
      %add3A_824 = arith.addi %mul3A_25, %add3A_823 : i32
      %add3A_825 = arith.constant 6 : i32
      %add3A_826 = arith.addi %add3A_824, %add3A_825 : i32
      %dma_wait3A_827 = arith.constant 0 : i32
      %dma_wait3A_828 = tpu.memref_slice %arg7[%add3A_826, %dma_wait3A_827] : memref<512x2048xf32, #tpu.memory_space<vmem_shared>> -> memref<1x2048xf32, #tpu.memory_space<vmem_shared>>
      %dma_wait3A_829 = arith.constant 0 : i32
      %dma_wait3A_830 = arith.constant 0 : i32
      %dma_wait3A_831 = tpu.memref_slice %arg2[%dma_wait3A_829, %dma_wait3A_830] : memref<16384x2048xf32, #tpu.memory_space<hbm>> -> memref<1x2048xf32, #tpu.memory_space<hbm>>
      tpu.wait_dma2 semaphore(%arg8 : memref<!tpu.dma_semaphore, #tpu.memory_space<semaphore_mem>>) src(%dma_wait3A_831 : memref<1x2048xf32, #tpu.memory_space<hbm>>) dst(%dma_wait3A_828 : memref<1x2048xf32, #tpu.memory_space<vmem_shared>>)
      %add3A_832 = arith.constant 0 : i32
      %add3A_833 = arith.addi %mul3A_25, %add3A_832 : i32
      %add3A_834 = arith.constant 7 : i32
      %add3A_835 = arith.addi %add3A_833, %add3A_834 : i32
      %dma_wait3A_836 = arith.constant 0 : i32
      %dma_wait3A_837 = tpu.memref_slice %arg7[%add3A_835, %dma_wait3A_836] : memref<512x2048xf32, #tpu.memory_space<vmem_shared>> -> memref<1x2048xf32, #tpu.memory_space<vmem_shared>>
      %dma_wait3A_838 = arith.constant 0 : i32
      %dma_wait3A_839 = arith.constant 0 : i32
      %dma_wait3A_840 = tpu.memref_slice %arg2[%dma_wait3A_838, %dma_wait3A_839] : memref<16384x2048xf32, #tpu.memory_space<hbm>> -> memref<1x2048xf32, #tpu.memory_space<hbm>>
      tpu.wait_dma2 semaphore(%arg8 : memref<!tpu.dma_semaphore, #tpu.memory_space<semaphore_mem>>) src(%dma_wait3A_840 : memref<1x2048xf32, #tpu.memory_space<hbm>>) dst(%dma_wait3A_837 : memref<1x2048xf32, #tpu.memory_space<vmem_shared>>)
      %add3A_841 = arith.constant 0 : i32
      %add3A_842 = arith.addi %mul3A_766, %add3A_841 : i32
      %add3A_843 = arith.constant 0 : i32
      %add3A_844 = arith.addi %mul3A_25, %add3A_843 : i32
      %mul3A_845 = arith.constant 8 : i32
      %mul3A_846 = arith.muli %add3A_842, %mul3A_845 : i32
      %add3A_847 = arith.addi %mul3A_2, %mul3A_846 : i32
      %dma_start3A_848 = arith.constant 0 : i32
      %dma_start3A_849 = tpu.memref_slice %arg4[%add3A_847, %dma_start3A_848] : memref<16384x2048xf32, #tpu.memory_space<hbm>> -> memref<8x2048xf32, #tpu.memory_space<hbm>>
      %dma_start3A_850 = arith.constant 0 : i32
      %dma_start3A_851 = tpu.memref_slice %arg7[%add3A_844, %dma_start3A_850] : memref<512x2048xf32, #tpu.memory_space<vmem_shared>> -> memref<8x2048xf32, #tpu.memory_space<vmem_shared>>
      tpu.enqueue_dma source(%dma_start3A_851 : memref<8x2048xf32, #tpu.memory_space<vmem_shared>>) target(%dma_start3A_849 : memref<8x2048xf32, #tpu.memory_space<hbm>>) target_semaphore(%arg12 : memref<!tpu.dma_semaphore, #tpu.memory_space<semaphore_mem>>)
      %add3A_852 = arith.constant 1 : i32
      %add3A_853 = arith.addi %mul3A_766, %add3A_852 : i32
      %add3A_854 = arith.constant 8 : i32
      %add3A_855 = arith.addi %mul3A_25, %add3A_854 : i32
      %add3A_856 = arith.constant 0 : i32
      %add3A_857 = arith.addi %add3A_855, %add3A_856 : i32
      %dma_wait3A_858 = arith.constant 0 : i32
      %dma_wait3A_859 = tpu.memref_slice %arg7[%add3A_857, %dma_wait3A_858] : memref<512x2048xf32, #tpu.memory_space<vmem_shared>> -> memref<1x2048xf32, #tpu.memory_space<vmem_shared>>
      %dma_wait3A_860 = arith.constant 0 : i32
      %dma_wait3A_861 = arith.constant 0 : i32
      %dma_wait3A_862 = tpu.memref_slice %arg2[%dma_wait3A_860, %dma_wait3A_861] : memref<16384x2048xf32, #tpu.memory_space<hbm>> -> memref<1x2048xf32, #tpu.memory_space<hbm>>
      tpu.wait_dma2 semaphore(%arg9 : memref<!tpu.dma_semaphore, #tpu.memory_space<semaphore_mem>>) src(%dma_wait3A_862 : memref<1x2048xf32, #tpu.memory_space<hbm>>) dst(%dma_wait3A_859 : memref<1x2048xf32, #tpu.memory_space<vmem_shared>>)
      %add3A_863 = arith.constant 8 : i32
      %add3A_864 = arith.addi %mul3A_25, %add3A_863 : i32
      %add3A_865 = arith.constant 1 : i32
      %add3A_866 = arith.addi %add3A_864, %add3A_865 : i32
      %dma_wait3A_867 = arith.constant 0 : i32
      %dma_wait3A_868 = tpu.memref_slice %arg7[%add3A_866, %dma_wait3A_867] : memref<512x2048xf32, #tpu.memory_space<vmem_shared>> -> memref<1x2048xf32, #tpu.memory_space<vmem_shared>>
      %dma_wait3A_869 = arith.constant 0 : i32
      %dma_wait3A_870 = arith.constant 0 : i32
      %dma_wait3A_871 = tpu.memref_slice %arg2[%dma_wait3A_869, %dma_wait3A_870] : memref<16384x2048xf32, #tpu.memory_space<hbm>> -> memref<1x2048xf32, #tpu.memory_space<hbm>>
      tpu.wait_dma2 semaphore(%arg9 : memref<!tpu.dma_semaphore, #tpu.memory_space<semaphore_mem>>) src(%dma_wait3A_871 : memref<1x2048xf32, #tpu.memory_space<hbm>>) dst(%dma_wait3A_868 : memref<1x2048xf32, #tpu.memory_space<vmem_shared>>)
      %add3A_872 = arith.constant 8 : i32
      %add3A_873 = arith.addi %mul3A_25, %add3A_872 : i32
      %add3A_874 = arith.constant 2 : i32
      %add3A_875 = arith.addi %add3A_873, %add3A_874 : i32
      %dma_wait3A_876 = arith.constant 0 : i32
      %dma_wait3A_877 = tpu.memref_slice %arg7[%add3A_875, %dma_wait3A_876] : memref<512x2048xf32, #tpu.memory_space<vmem_shared>> -> memref<1x2048xf32, #tpu.memory_space<vmem_shared>>
      %dma_wait3A_878 = arith.constant 0 : i32
      %dma_wait3A_879 = arith.constant 0 : i32
      %dma_wait3A_880 = tpu.memref_slice %arg2[%dma_wait3A_878, %dma_wait3A_879] : memref<16384x2048xf32, #tpu.memory_space<hbm>> -> memref<1x2048xf32, #tpu.memory_space<hbm>>
      tpu.wait_dma2 semaphore(%arg9 : memref<!tpu.dma_semaphore, #tpu.memory_space<semaphore_mem>>) src(%dma_wait3A_880 : memref<1x2048xf32, #tpu.memory_space<hbm>>) dst(%dma_wait3A_877 : memref<1x2048xf32, #tpu.memory_space<vmem_shared>>)
      %add3A_881 = arith.constant 8 : i32
      %add3A_882 = arith.addi %mul3A_25, %add3A_881 : i32
      %add3A_883 = arith.constant 3 : i32
      %add3A_884 = arith.addi %add3A_882, %add3A_883 : i32
      %dma_wait3A_885 = arith.constant 0 : i32
      %dma_wait3A_886 = tpu.memref_slice %arg7[%add3A_884, %dma_wait3A_885] : memref<512x2048xf32, #tpu.memory_space<vmem_shared>> -> memref<1x2048xf32, #tpu.memory_space<vmem_shared>>
      %dma_wait3A_887 = arith.constant 0 : i32
      %dma_wait3A_888 = arith.constant 0 : i32
      %dma_wait3A_889 = tpu.memref_slice %arg2[%dma_wait3A_887, %dma_wait3A_888] : memref<16384x2048xf32, #tpu.memory_space<hbm>> -> memref<1x2048xf32, #tpu.memory_space<hbm>>
      tpu.wait_dma2 semaphore(%arg9 : memref<!tpu.dma_semaphore, #tpu.memory_space<semaphore_mem>>) src(%dma_wait3A_889 : memref<1x2048xf32, #tpu.memory_space<hbm>>) dst(%dma_wait3A_886 : memref<1x2048xf32, #tpu.memory_space<vmem_shared>>)
      %add3A_890 = arith.constant 8 : i32
      %add3A_891 = arith.addi %mul3A_25, %add3A_890 : i32
      %add3A_892 = arith.constant 4 : i32
      %add3A_893 = arith.addi %add3A_891, %add3A_892 : i32
      %dma_wait3A_894 = arith.constant 0 : i32
      %dma_wait3A_895 = tpu.memref_slice %arg7[%add3A_893, %dma_wait3A_894] : memref<512x2048xf32, #tpu.memory_space<vmem_shared>> -> memref<1x2048xf32, #tpu.memory_space<vmem_shared>>
      %dma_wait3A_896 = arith.constant 0 : i32
      %dma_wait3A_897 = arith.constant 0 : i32
      %dma_wait3A_898 = tpu.memref_slice %arg2[%dma_wait3A_896, %dma_wait3A_897] : memref<16384x2048xf32, #tpu.memory_space<hbm>> -> memref<1x2048xf32, #tpu.memory_space<hbm>>
      tpu.wait_dma2 semaphore(%arg9 : memref<!tpu.dma_semaphore, #tpu.memory_space<semaphore_mem>>) src(%dma_wait3A_898 : memref<1x2048xf32, #tpu.memory_space<hbm>>) dst(%dma_wait3A_895 : memref<1x2048xf32, #tpu.memory_space<vmem_shared>>)
      %add3A_899 = arith.constant 8 : i32
      %add3A_900 = arith.addi %mul3A_25, %add3A_899 : i32
      %add3A_901 = arith.constant 5 : i32
      %add3A_902 = arith.addi %add3A_900, %add3A_901 : i32
      %dma_wait3A_903 = arith.constant 0 : i32
      %dma_wait3A_904 = tpu.memref_slice %arg7[%add3A_902, %dma_wait3A_903] : memref<512x2048xf32, #tpu.memory_space<vmem_shared>> -> memref<1x2048xf32, #tpu.memory_space<vmem_shared>>
      %dma_wait3A_905 = arith.constant 0 : i32
      %dma_wait3A_906 = arith.constant 0 : i32
      %dma_wait3A_907 = tpu.memref_slice %arg2[%dma_wait3A_905, %dma_wait3A_906] : memref<16384x2048xf32, #tpu.memory_space<hbm>> -> memref<1x2048xf32, #tpu.memory_space<hbm>>
      tpu.wait_dma2 semaphore(%arg9 : memref<!tpu.dma_semaphore, #tpu.memory_space<semaphore_mem>>) src(%dma_wait3A_907 : memref<1x2048xf32, #tpu.memory_space<hbm>>) dst(%dma_wait3A_904 : memref<1x2048xf32, #tpu.memory_space<vmem_shared>>)
      %add3A_908 = arith.constant 8 : i32
      %add3A_909 = arith.addi %mul3A_25, %add3A_908 : i32
      %add3A_910 = arith.constant 6 : i32
      %add3A_911 = arith.addi %add3A_909, %add3A_910 : i32
      %dma_wait3A_912 = arith.constant 0 : i32
      %dma_wait3A_913 = tpu.memref_slice %arg7[%add3A_911, %dma_wait3A_912] : memref<512x2048xf32, #tpu.memory_space<vmem_shared>> -> memref<1x2048xf32, #tpu.memory_space<vmem_shared>>
      %dma_wait3A_914 = arith.constant 0 : i32
      %dma_wait3A_915 = arith.constant 0 : i32
      %dma_wait3A_916 = tpu.memref_slice %arg2[%dma_wait3A_914, %dma_wait3A_915] : memref<16384x2048xf32, #tpu.memory_space<hbm>> -> memref<1x2048xf32, #tpu.memory_space<hbm>>
      tpu.wait_dma2 semaphore(%arg9 : memref<!tpu.dma_semaphore, #tpu.memory_space<semaphore_mem>>) src(%dma_wait3A_916 : memref<1x2048xf32, #tpu.memory_space<hbm>>) dst(%dma_wait3A_913 : memref<1x2048xf32, #tpu.memory_space<vmem_shared>>)
      %add3A_917 = arith.constant 8 : i32
      %add3A_918 = arith.addi %mul3A_25, %add3A_917 : i32
      %add3A_919 = arith.constant 7 : i32
      %add3A_920 = arith.addi %add3A_918, %add3A_919 : i32
      %dma_wait3A_921 = arith.constant 0 : i32
      %dma_wait3A_922 = tpu.memref_slice %arg7[%add3A_920, %dma_wait3A_921] : memref<512x2048xf32, #tpu.memory_space<vmem_shared>> -> memref<1x2048xf32, #tpu.memory_space<vmem_shared>>
      %dma_wait3A_923 = arith.constant 0 : i32
      %dma_wait3A_924 = arith.constant 0 : i32
      %dma_wait3A_925 = tpu.memref_slice %arg2[%dma_wait3A_923, %dma_wait3A_924] : memref<16384x2048xf32, #tpu.memory_space<hbm>> -> memref<1x2048xf32, #tpu.memory_space<hbm>>
      tpu.wait_dma2 semaphore(%arg9 : memref<!tpu.dma_semaphore, #tpu.memory_space<semaphore_mem>>) src(%dma_wait3A_925 : memref<1x2048xf32, #tpu.memory_space<hbm>>) dst(%dma_wait3A_922 : memref<1x2048xf32, #tpu.memory_space<vmem_shared>>)
      %add3A_926 = arith.constant 1 : i32
      %add3A_927 = arith.addi %mul3A_766, %add3A_926 : i32
      %add3A_928 = arith.constant 8 : i32
      %add3A_929 = arith.addi %mul3A_25, %add3A_928 : i32
      %mul3A_930 = arith.constant 8 : i32
      %mul3A_931 = arith.muli %add3A_927, %mul3A_930 : i32
      %add3A_932 = arith.addi %mul3A_2, %mul3A_931 : i32
      %dma_start3A_933 = arith.constant 0 : i32
      %dma_start3A_934 = tpu.memref_slice %arg4[%add3A_932, %dma_start3A_933] : memref<16384x2048xf32, #tpu.memory_space<hbm>> -> memref<8x2048xf32, #tpu.memory_space<hbm>>
      %dma_start3A_935 = arith.constant 0 : i32
      %dma_start3A_936 = tpu.memref_slice %arg7[%add3A_929, %dma_start3A_935] : memref<512x2048xf32, #tpu.memory_space<vmem_shared>> -> memref<8x2048xf32, #tpu.memory_space<vmem_shared>>
      tpu.enqueue_dma source(%dma_start3A_936 : memref<8x2048xf32, #tpu.memory_space<vmem_shared>>) target(%dma_start3A_934 : memref<8x2048xf32, #tpu.memory_space<hbm>>) target_semaphore(%arg13 : memref<!tpu.dma_semaphore, #tpu.memory_space<semaphore_mem>>)
      %add3A_937 = arith.constant 2 : i32
      %add3A_938 = arith.addi %mul3A_766, %add3A_937 : i32
      %add3A_939 = arith.constant 16 : i32
      %add3A_940 = arith.addi %mul3A_25, %add3A_939 : i32
      %add3A_941 = arith.constant 0 : i32
      %add3A_942 = arith.addi %add3A_940, %add3A_941 : i32
      %dma_wait3A_943 = arith.constant 0 : i32
      %dma_wait3A_944 = tpu.memref_slice %arg7[%add3A_942, %dma_wait3A_943] : memref<512x2048xf32, #tpu.memory_space<vmem_shared>> -> memref<1x2048xf32, #tpu.memory_space<vmem_shared>>
      %dma_wait3A_945 = arith.constant 0 : i32
      %dma_wait3A_946 = arith.constant 0 : i32
      %dma_wait3A_947 = tpu.memref_slice %arg2[%dma_wait3A_945, %dma_wait3A_946] : memref<16384x2048xf32, #tpu.memory_space<hbm>> -> memref<1x2048xf32, #tpu.memory_space<hbm>>
      tpu.wait_dma2 semaphore(%arg10 : memref<!tpu.dma_semaphore, #tpu.memory_space<semaphore_mem>>) src(%dma_wait3A_947 : memref<1x2048xf32, #tpu.memory_space<hbm>>) dst(%dma_wait3A_944 : memref<1x2048xf32, #tpu.memory_space<vmem_shared>>)
      %add3A_948 = arith.constant 16 : i32
      %add3A_949 = arith.addi %mul3A_25, %add3A_948 : i32
      %add3A_950 = arith.constant 1 : i32
      %add3A_951 = arith.addi %add3A_949, %add3A_950 : i32
      %dma_wait3A_952 = arith.constant 0 : i32
      %dma_wait3A_953 = tpu.memref_slice %arg7[%add3A_951, %dma_wait3A_952] : memref<512x2048xf32, #tpu.memory_space<vmem_shared>> -> memref<1x2048xf32, #tpu.memory_space<vmem_shared>>
      %dma_wait3A_954 = arith.constant 0 : i32
      %dma_wait3A_955 = arith.constant 0 : i32
      %dma_wait3A_956 = tpu.memref_slice %arg2[%dma_wait3A_954, %dma_wait3A_955] : memref<16384x2048xf32, #tpu.memory_space<hbm>> -> memref<1x2048xf32, #tpu.memory_space<hbm>>
      tpu.wait_dma2 semaphore(%arg10 : memref<!tpu.dma_semaphore, #tpu.memory_space<semaphore_mem>>) src(%dma_wait3A_956 : memref<1x2048xf32, #tpu.memory_space<hbm>>) dst(%dma_wait3A_953 : memref<1x2048xf32, #tpu.memory_space<vmem_shared>>)
      %add3A_957 = arith.constant 16 : i32
      %add3A_958 = arith.addi %mul3A_25, %add3A_957 : i32
      %add3A_959 = arith.constant 2 : i32
      %add3A_960 = arith.addi %add3A_958, %add3A_959 : i32
      %dma_wait3A_961 = arith.constant 0 : i32
      %dma_wait3A_962 = tpu.memref_slice %arg7[%add3A_960, %dma_wait3A_961] : memref<512x2048xf32, #tpu.memory_space<vmem_shared>> -> memref<1x2048xf32, #tpu.memory_space<vmem_shared>>
      %dma_wait3A_963 = arith.constant 0 : i32
      %dma_wait3A_964 = arith.constant 0 : i32
      %dma_wait3A_965 = tpu.memref_slice %arg2[%dma_wait3A_963, %dma_wait3A_964] : memref<16384x2048xf32, #tpu.memory_space<hbm>> -> memref<1x2048xf32, #tpu.memory_space<hbm>>
      tpu.wait_dma2 semaphore(%arg10 : memref<!tpu.dma_semaphore, #tpu.memory_space<semaphore_mem>>) src(%dma_wait3A_965 : memref<1x2048xf32, #tpu.memory_space<hbm>>) dst(%dma_wait3A_962 : memref<1x2048xf32, #tpu.memory_space<vmem_shared>>)
      %add3A_966 = arith.constant 16 : i32
      %add3A_967 = arith.addi %mul3A_25, %add3A_966 : i32
      %add3A_968 = arith.constant 3 : i32
      %add3A_969 = arith.addi %add3A_967, %add3A_968 : i32
      %dma_wait3A_970 = arith.constant 0 : i32
      %dma_wait3A_971 = tpu.memref_slice %arg7[%add3A_969, %dma_wait3A_970] : memref<512x2048xf32, #tpu.memory_space<vmem_shared>> -> memref<1x2048xf32, #tpu.memory_space<vmem_shared>>
      %dma_wait3A_972 = arith.constant 0 : i32
      %dma_wait3A_973 = arith.constant 0 : i32
      %dma_wait3A_974 = tpu.memref_slice %arg2[%dma_wait3A_972, %dma_wait3A_973] : memref<16384x2048xf32, #tpu.memory_space<hbm>> -> memref<1x2048xf32, #tpu.memory_space<hbm>>
      tpu.wait_dma2 semaphore(%arg10 : memref<!tpu.dma_semaphore, #tpu.memory_space<semaphore_mem>>) src(%dma_wait3A_974 : memref<1x2048xf32, #tpu.memory_space<hbm>>) dst(%dma_wait3A_971 : memref<1x2048xf32, #tpu.memory_space<vmem_shared>>)
      %add3A_975 = arith.constant 16 : i32
      %add3A_976 = arith.addi %mul3A_25, %add3A_975 : i32
      %add3A_977 = arith.constant 4 : i32
      %add3A_978 = arith.addi %add3A_976, %add3A_977 : i32
      %dma_wait3A_979 = arith.constant 0 : i32
      %dma_wait3A_980 = tpu.memref_slice %arg7[%add3A_978, %dma_wait3A_979] : memref<512x2048xf32, #tpu.memory_space<vmem_shared>> -> memref<1x2048xf32, #tpu.memory_space<vmem_shared>>
      %dma_wait3A_981 = arith.constant 0 : i32
      %dma_wait3A_982 = arith.constant 0 : i32
      %dma_wait3A_983 = tpu.memref_slice %arg2[%dma_wait3A_981, %dma_wait3A_982] : memref<16384x2048xf32, #tpu.memory_space<hbm>> -> memref<1x2048xf32, #tpu.memory_space<hbm>>
      tpu.wait_dma2 semaphore(%arg10 : memref<!tpu.dma_semaphore, #tpu.memory_space<semaphore_mem>>) src(%dma_wait3A_983 : memref<1x2048xf32, #tpu.memory_space<hbm>>) dst(%dma_wait3A_980 : memref<1x2048xf32, #tpu.memory_space<vmem_shared>>)
      %add3A_984 = arith.constant 16 : i32
      %add3A_985 = arith.addi %mul3A_25, %add3A_984 : i32
      %add3A_986 = arith.constant 5 : i32
      %add3A_987 = arith.addi %add3A_985, %add3A_986 : i32
      %dma_wait3A_988 = arith.constant 0 : i32
      %dma_wait3A_989 = tpu.memref_slice %arg7[%add3A_987, %dma_wait3A_988] : memref<512x2048xf32, #tpu.memory_space<vmem_shared>> -> memref<1x2048xf32, #tpu.memory_space<vmem_shared>>
      %dma_wait3A_990 = arith.constant 0 : i32
      %dma_wait3A_991 = arith.constant 0 : i32
      %dma_wait3A_992 = tpu.memref_slice %arg2[%dma_wait3A_990, %dma_wait3A_991] : memref<16384x2048xf32, #tpu.memory_space<hbm>> -> memref<1x2048xf32, #tpu.memory_space<hbm>>
      tpu.wait_dma2 semaphore(%arg10 : memref<!tpu.dma_semaphore, #tpu.memory_space<semaphore_mem>>) src(%dma_wait3A_992 : memref<1x2048xf32, #tpu.memory_space<hbm>>) dst(%dma_wait3A_989 : memref<1x2048xf32, #tpu.memory_space<vmem_shared>>)
      %add3A_993 = arith.constant 16 : i32
      %add3A_994 = arith.addi %mul3A_25, %add3A_993 : i32
      %add3A_995 = arith.constant 6 : i32
      %add3A_996 = arith.addi %add3A_994, %add3A_995 : i32
      %dma_wait3A_997 = arith.constant 0 : i32
      %dma_wait3A_998 = tpu.memref_slice %arg7[%add3A_996, %dma_wait3A_997] : memref<512x2048xf32, #tpu.memory_space<vmem_shared>> -> memref<1x2048xf32, #tpu.memory_space<vmem_shared>>
      %dma_wait3A_999 = arith.constant 0 : i32
      %dma_wait3A_1000 = arith.constant 0 : i32
      %dma_wait3A_1001 = tpu.memref_slice %arg2[%dma_wait3A_999, %dma_wait3A_1000] : memref<16384x2048xf32, #tpu.memory_space<hbm>> -> memref<1x2048xf32, #tpu.memory_space<hbm>>
      tpu.wait_dma2 semaphore(%arg10 : memref<!tpu.dma_semaphore, #tpu.memory_space<semaphore_mem>>) src(%dma_wait3A_1001 : memref<1x2048xf32, #tpu.memory_space<hbm>>) dst(%dma_wait3A_998 : memref<1x2048xf32, #tpu.memory_space<vmem_shared>>)
      %add3A_1002 = arith.constant 16 : i32
      %add3A_1003 = arith.addi %mul3A_25, %add3A_1002 : i32
      %add3A_1004 = arith.constant 7 : i32
      %add3A_1005 = arith.addi %add3A_1003, %add3A_1004 : i32
      %dma_wait3A_1006 = arith.constant 0 : i32
      %dma_wait3A_1007 = tpu.memref_slice %arg7[%add3A_1005, %dma_wait3A_1006] : memref<512x2048xf32, #tpu.memory_space<vmem_shared>> -> memref<1x2048xf32, #tpu.memory_space<vmem_shared>>
      %dma_wait3A_1008 = arith.constant 0 : i32
      %dma_wait3A_1009 = arith.constant 0 : i32
      %dma_wait3A_1010 = tpu.memref_slice %arg2[%dma_wait3A_1008, %dma_wait3A_1009] : memref<16384x2048xf32, #tpu.memory_space<hbm>> -> memref<1x2048xf32, #tpu.memory_space<hbm>>
      tpu.wait_dma2 semaphore(%arg10 : memref<!tpu.dma_semaphore, #tpu.memory_space<semaphore_mem>>) src(%dma_wait3A_1010 : memref<1x2048xf32, #tpu.memory_space<hbm>>) dst(%dma_wait3A_1007 : memref<1x2048xf32, #tpu.memory_space<vmem_shared>>)
      %add3A_1011 = arith.constant 2 : i32
      %add3A_1012 = arith.addi %mul3A_766, %add3A_1011 : i32
      %add3A_1013 = arith.constant 16 : i32
      %add3A_1014 = arith.addi %mul3A_25, %add3A_1013 : i32
      %mul3A_1015 = arith.constant 8 : i32
      %mul3A_1016 = arith.muli %add3A_1012, %mul3A_1015 : i32
      %add3A_1017 = arith.addi %mul3A_2, %mul3A_1016 : i32
      %dma_start3A_1018 = arith.constant 0 : i32
      %dma_start3A_1019 = tpu.memref_slice %arg4[%add3A_1017, %dma_start3A_1018] : memref<16384x2048xf32, #tpu.memory_space<hbm>> -> memref<8x2048xf32, #tpu.memory_space<hbm>>
      %dma_start3A_1020 = arith.constant 0 : i32
      %dma_start3A_1021 = tpu.memref_slice %arg7[%add3A_1014, %dma_start3A_1020] : memref<512x2048xf32, #tpu.memory_space<vmem_shared>> -> memref<8x2048xf32, #tpu.memory_space<vmem_shared>>
      tpu.enqueue_dma source(%dma_start3A_1021 : memref<8x2048xf32, #tpu.memory_space<vmem_shared>>) target(%dma_start3A_1019 : memref<8x2048xf32, #tpu.memory_space<hbm>>) target_semaphore(%arg14 : memref<!tpu.dma_semaphore, #tpu.memory_space<semaphore_mem>>)
      %add3A_1022 = arith.constant 3 : i32
      %add3A_1023 = arith.addi %mul3A_766, %add3A_1022 : i32
      %add3A_1024 = arith.constant 24 : i32
      %add3A_1025 = arith.addi %mul3A_25, %add3A_1024 : i32
      %add3A_1026 = arith.constant 0 : i32
      %add3A_1027 = arith.addi %add3A_1025, %add3A_1026 : i32
      %dma_wait3A_1028 = arith.constant 0 : i32
      %dma_wait3A_1029 = tpu.memref_slice %arg7[%add3A_1027, %dma_wait3A_1028] : memref<512x2048xf32, #tpu.memory_space<vmem_shared>> -> memref<1x2048xf32, #tpu.memory_space<vmem_shared>>
      %dma_wait3A_1030 = arith.constant 0 : i32
      %dma_wait3A_1031 = arith.constant 0 : i32
      %dma_wait3A_1032 = tpu.memref_slice %arg2[%dma_wait3A_1030, %dma_wait3A_1031] : memref<16384x2048xf32, #tpu.memory_space<hbm>> -> memref<1x2048xf32, #tpu.memory_space<hbm>>
      tpu.wait_dma2 semaphore(%arg11 : memref<!tpu.dma_semaphore, #tpu.memory_space<semaphore_mem>>) src(%dma_wait3A_1032 : memref<1x2048xf32, #tpu.memory_space<hbm>>) dst(%dma_wait3A_1029 : memref<1x2048xf32, #tpu.memory_space<vmem_shared>>)
      %add3A_1033 = arith.constant 24 : i32
      %add3A_1034 = arith.addi %mul3A_25, %add3A_1033 : i32
      %add3A_1035 = arith.constant 1 : i32
      %add3A_1036 = arith.addi %add3A_1034, %add3A_1035 : i32
      %dma_wait3A_1037 = arith.constant 0 : i32
      %dma_wait3A_1038 = tpu.memref_slice %arg7[%add3A_1036, %dma_wait3A_1037] : memref<512x2048xf32, #tpu.memory_space<vmem_shared>> -> memref<1x2048xf32, #tpu.memory_space<vmem_shared>>
      %dma_wait3A_1039 = arith.constant 0 : i32
      %dma_wait3A_1040 = arith.constant 0 : i32
      %dma_wait3A_1041 = tpu.memref_slice %arg2[%dma_wait3A_1039, %dma_wait3A_1040] : memref<16384x2048xf32, #tpu.memory_space<hbm>> -> memref<1x2048xf32, #tpu.memory_space<hbm>>
      tpu.wait_dma2 semaphore(%arg11 : memref<!tpu.dma_semaphore, #tpu.memory_space<semaphore_mem>>) src(%dma_wait3A_1041 : memref<1x2048xf32, #tpu.memory_space<hbm>>) dst(%dma_wait3A_1038 : memref<1x2048xf32, #tpu.memory_space<vmem_shared>>)
      %add3A_1042 = arith.constant 24 : i32
      %add3A_1043 = arith.addi %mul3A_25, %add3A_1042 : i32
      %add3A_1044 = arith.constant 2 : i32
      %add3A_1045 = arith.addi %add3A_1043, %add3A_1044 : i32
      %dma_wait3A_1046 = arith.constant 0 : i32
      %dma_wait3A_1047 = tpu.memref_slice %arg7[%add3A_1045, %dma_wait3A_1046] : memref<512x2048xf32, #tpu.memory_space<vmem_shared>> -> memref<1x2048xf32, #tpu.memory_space<vmem_shared>>
      %dma_wait3A_1048 = arith.constant 0 : i32
      %dma_wait3A_1049 = arith.constant 0 : i32
      %dma_wait3A_1050 = tpu.memref_slice %arg2[%dma_wait3A_1048, %dma_wait3A_1049] : memref<16384x2048xf32, #tpu.memory_space<hbm>> -> memref<1x2048xf32, #tpu.memory_space<hbm>>
      tpu.wait_dma2 semaphore(%arg11 : memref<!tpu.dma_semaphore, #tpu.memory_space<semaphore_mem>>) src(%dma_wait3A_1050 : memref<1x2048xf32, #tpu.memory_space<hbm>>) dst(%dma_wait3A_1047 : memref<1x2048xf32, #tpu.memory_space<vmem_shared>>)
      %add3A_1051 = arith.constant 24 : i32
      %add3A_1052 = arith.addi %mul3A_25, %add3A_1051 : i32
      %add3A_1053 = arith.constant 3 : i32
      %add3A_1054 = arith.addi %add3A_1052, %add3A_1053 : i32
      %dma_wait3A_1055 = arith.constant 0 : i32
      %dma_wait3A_1056 = tpu.memref_slice %arg7[%add3A_1054, %dma_wait3A_1055] : memref<512x2048xf32, #tpu.memory_space<vmem_shared>> -> memref<1x2048xf32, #tpu.memory_space<vmem_shared>>
      %dma_wait3A_1057 = arith.constant 0 : i32
      %dma_wait3A_1058 = arith.constant 0 : i32
      %dma_wait3A_1059 = tpu.memref_slice %arg2[%dma_wait3A_1057, %dma_wait3A_1058] : memref<16384x2048xf32, #tpu.memory_space<hbm>> -> memref<1x2048xf32, #tpu.memory_space<hbm>>
      tpu.wait_dma2 semaphore(%arg11 : memref<!tpu.dma_semaphore, #tpu.memory_space<semaphore_mem>>) src(%dma_wait3A_1059 : memref<1x2048xf32, #tpu.memory_space<hbm>>) dst(%dma_wait3A_1056 : memref<1x2048xf32, #tpu.memory_space<vmem_shared>>)
      %add3A_1060 = arith.constant 24 : i32
      %add3A_1061 = arith.addi %mul3A_25, %add3A_1060 : i32
      %add3A_1062 = arith.constant 4 : i32
      %add3A_1063 = arith.addi %add3A_1061, %add3A_1062 : i32
      %dma_wait3A_1064 = arith.constant 0 : i32
      %dma_wait3A_1065 = tpu.memref_slice %arg7[%add3A_1063, %dma_wait3A_1064] : memref<512x2048xf32, #tpu.memory_space<vmem_shared>> -> memref<1x2048xf32, #tpu.memory_space<vmem_shared>>
      %dma_wait3A_1066 = arith.constant 0 : i32
      %dma_wait3A_1067 = arith.constant 0 : i32
      %dma_wait3A_1068 = tpu.memref_slice %arg2[%dma_wait3A_1066, %dma_wait3A_1067] : memref<16384x2048xf32, #tpu.memory_space<hbm>> -> memref<1x2048xf32, #tpu.memory_space<hbm>>
      tpu.wait_dma2 semaphore(%arg11 : memref<!tpu.dma_semaphore, #tpu.memory_space<semaphore_mem>>) src(%dma_wait3A_1068 : memref<1x2048xf32, #tpu.memory_space<hbm>>) dst(%dma_wait3A_1065 : memref<1x2048xf32, #tpu.memory_space<vmem_shared>>)
      %add3A_1069 = arith.constant 24 : i32
      %add3A_1070 = arith.addi %mul3A_25, %add3A_1069 : i32
      %add3A_1071 = arith.constant 5 : i32
      %add3A_1072 = arith.addi %add3A_1070, %add3A_1071 : i32
      %dma_wait3A_1073 = arith.constant 0 : i32
      %dma_wait3A_1074 = tpu.memref_slice %arg7[%add3A_1072, %dma_wait3A_1073] : memref<512x2048xf32, #tpu.memory_space<vmem_shared>> -> memref<1x2048xf32, #tpu.memory_space<vmem_shared>>
      %dma_wait3A_1075 = arith.constant 0 : i32
      %dma_wait3A_1076 = arith.constant 0 : i32
      %dma_wait3A_1077 = tpu.memref_slice %arg2[%dma_wait3A_1075, %dma_wait3A_1076] : memref<16384x2048xf32, #tpu.memory_space<hbm>> -> memref<1x2048xf32, #tpu.memory_space<hbm>>
      tpu.wait_dma2 semaphore(%arg11 : memref<!tpu.dma_semaphore, #tpu.memory_space<semaphore_mem>>) src(%dma_wait3A_1077 : memref<1x2048xf32, #tpu.memory_space<hbm>>) dst(%dma_wait3A_1074 : memref<1x2048xf32, #tpu.memory_space<vmem_shared>>)
      %add3A_1078 = arith.constant 24 : i32
      %add3A_1079 = arith.addi %mul3A_25, %add3A_1078 : i32
      %add3A_1080 = arith.constant 6 : i32
      %add3A_1081 = arith.addi %add3A_1079, %add3A_1080 : i32
      %dma_wait3A_1082 = arith.constant 0 : i32
      %dma_wait3A_1083 = tpu.memref_slice %arg7[%add3A_1081, %dma_wait3A_1082] : memref<512x2048xf32, #tpu.memory_space<vmem_shared>> -> memref<1x2048xf32, #tpu.memory_space<vmem_shared>>
      %dma_wait3A_1084 = arith.constant 0 : i32
      %dma_wait3A_1085 = arith.constant 0 : i32
      %dma_wait3A_1086 = tpu.memref_slice %arg2[%dma_wait3A_1084, %dma_wait3A_1085] : memref<16384x2048xf32, #tpu.memory_space<hbm>> -> memref<1x2048xf32, #tpu.memory_space<hbm>>
      tpu.wait_dma2 semaphore(%arg11 : memref<!tpu.dma_semaphore, #tpu.memory_space<semaphore_mem>>) src(%dma_wait3A_1086 : memref<1x2048xf32, #tpu.memory_space<hbm>>) dst(%dma_wait3A_1083 : memref<1x2048xf32, #tpu.memory_space<vmem_shared>>)
      %add3A_1087 = arith.constant 24 : i32
      %add3A_1088 = arith.addi %mul3A_25, %add3A_1087 : i32
      %add3A_1089 = arith.constant 7 : i32
      %add3A_1090 = arith.addi %add3A_1088, %add3A_1089 : i32
      %dma_wait3A_1091 = arith.constant 0 : i32
      %dma_wait3A_1092 = tpu.memref_slice %arg7[%add3A_1090, %dma_wait3A_1091] : memref<512x2048xf32, #tpu.memory_space<vmem_shared>> -> memref<1x2048xf32, #tpu.memory_space<vmem_shared>>
      %dma_wait3A_1093 = arith.constant 0 : i32
      %dma_wait3A_1094 = arith.constant 0 : i32
      %dma_wait3A_1095 = tpu.memref_slice %arg2[%dma_wait3A_1093, %dma_wait3A_1094] : memref<16384x2048xf32, #tpu.memory_space<hbm>> -> memref<1x2048xf32, #tpu.memory_space<hbm>>
      tpu.wait_dma2 semaphore(%arg11 : memref<!tpu.dma_semaphore, #tpu.memory_space<semaphore_mem>>) src(%dma_wait3A_1095 : memref<1x2048xf32, #tpu.memory_space<hbm>>) dst(%dma_wait3A_1092 : memref<1x2048xf32, #tpu.memory_space<vmem_shared>>)
      %add3A_1096 = arith.constant 3 : i32
      %add3A_1097 = arith.addi %mul3A_766, %add3A_1096 : i32
      %add3A_1098 = arith.constant 24 : i32
      %add3A_1099 = arith.addi %mul3A_25, %add3A_1098 : i32
      %mul3A_1100 = arith.constant 8 : i32
      %mul3A_1101 = arith.muli %add3A_1097, %mul3A_1100 : i32
      %add3A_1102 = arith.addi %mul3A_2, %mul3A_1101 : i32
      %dma_start3A_1103 = arith.constant 0 : i32
      %dma_start3A_1104 = tpu.memref_slice %arg4[%add3A_1102, %dma_start3A_1103] : memref<16384x2048xf32, #tpu.memory_space<hbm>> -> memref<8x2048xf32, #tpu.memory_space<hbm>>
      %dma_start3A_1105 = arith.constant 0 : i32
      %dma_start3A_1106 = tpu.memref_slice %arg7[%add3A_1099, %dma_start3A_1105] : memref<512x2048xf32, #tpu.memory_space<vmem_shared>> -> memref<8x2048xf32, #tpu.memory_space<vmem_shared>>
      tpu.enqueue_dma source(%dma_start3A_1106 : memref<8x2048xf32, #tpu.memory_space<vmem_shared>>) target(%dma_start3A_1104 : memref<8x2048xf32, #tpu.memory_space<hbm>>) target_semaphore(%arg15 : memref<!tpu.dma_semaphore, #tpu.memory_space<semaphore_mem>>)
      %add3A_1107 = arith.constant 0 : i32
      %add3A_1108 = arith.addi %mul3A_766, %add3A_1107 : i32
      %add3A_1109 = arith.constant 0 : i32
      %add3A_1110 = arith.addi %mul3A_25, %add3A_1109 : i32
      %mul3A_1111 = arith.constant 8 : i32
      %mul3A_1112 = arith.muli %add3A_1108, %mul3A_1111 : i32
      %add3A_1113 = arith.addi %mul3A_2, %mul3A_1112 : i32
      %dma_wait3A_1114 = arith.constant 0 : i32
      %dma_wait3A_1115 = tpu.memref_slice %arg4[%add3A_1113, %dma_wait3A_1114] : memref<16384x2048xf32, #tpu.memory_space<hbm>> -> memref<8x2048xf32, #tpu.memory_space<hbm>>
      %dma_wait3A_1116 = arith.constant 0 : i32
      %dma_wait3A_1117 = tpu.memref_slice %arg7[%add3A_1110, %dma_wait3A_1116] : memref<512x2048xf32, #tpu.memory_space<vmem_shared>> -> memref<8x2048xf32, #tpu.memory_space<vmem_shared>>
      tpu.wait_dma2 semaphore(%arg12 : memref<!tpu.dma_semaphore, #tpu.memory_space<semaphore_mem>>) src(%dma_wait3A_1117 : memref<8x2048xf32, #tpu.memory_space<vmem_shared>>) dst(%dma_wait3A_1115 : memref<8x2048xf32, #tpu.memory_space<hbm>>)
      %add3A_1118 = arith.constant 4 : i32
      %add3A_1119 = arith.addi %mul3A_766, %add3A_1118 : i32
      %add3A_1120 = arith.constant 0 : i32
      %add3A_1121 = arith.addi %add3A_1119, %add3A_1120 : i32
      %mul3A_1122 = arith.constant 8 : i32
      %mul3A_1123 = arith.muli %add3A_1121, %mul3A_1122 : i32
      %add3A_1124 = arith.constant 0 : i32
      %add3A_1125 = arith.addi %mul3A_1123, %add3A_1124 : i32
      %get3A_1126 = arith.index_cast %add3A_1125 : i32 to index
      %get3A_1127 = memref.load %arg6[%get3A_1126] : memref<512xi32, #tpu.memory_space<smem>>
      %add3A_1128 = arith.addi %get3A_1127, %mul3A_23 : i32
      %add3A_1129 = arith.constant 0 : i32
      %add3A_1130 = arith.addi %mul3A_25, %add3A_1129 : i32
      %add3A_1131 = arith.constant 0 : i32
      %add3A_1132 = arith.addi %add3A_1130, %add3A_1131 : i32
      %dma_start3A_1133 = arith.constant 0 : i32
      %dma_start3A_1134 = tpu.memref_slice %arg7[%add3A_1132, %dma_start3A_1133] : memref<512x2048xf32, #tpu.memory_space<vmem_shared>> -> memref<1x2048xf32, #tpu.memory_space<vmem_shared>>
      %dma_start3A_1135 = arith.constant 0 : i32
      %dma_start3A_1136 = tpu.memref_slice %arg2[%add3A_1128, %dma_start3A_1135] : memref<16384x2048xf32, #tpu.memory_space<hbm>> -> memref<1x2048xf32, #tpu.memory_space<hbm>>
      tpu.enqueue_dma source(%dma_start3A_1136 : memref<1x2048xf32, #tpu.memory_space<hbm>>) target(%dma_start3A_1134 : memref<1x2048xf32, #tpu.memory_space<vmem_shared>>) target_semaphore(%arg8 : memref<!tpu.dma_semaphore, #tpu.memory_space<semaphore_mem>>)
      %mul3A_1137 = arith.constant 8 : i32
      %mul3A_1138 = arith.muli %add3A_1121, %mul3A_1137 : i32
      %add3A_1139 = arith.constant 1 : i32
      %add3A_1140 = arith.addi %mul3A_1138, %add3A_1139 : i32
      %get3A_1141 = arith.index_cast %add3A_1140 : i32 to index
      %get3A_1142 = memref.load %arg6[%get3A_1141] : memref<512xi32, #tpu.memory_space<smem>>
      %add3A_1143 = arith.addi %get3A_1142, %mul3A_23 : i32
      %add3A_1144 = arith.constant 0 : i32
      %add3A_1145 = arith.addi %mul3A_25, %add3A_1144 : i32
      %add3A_1146 = arith.constant 1 : i32
      %add3A_1147 = arith.addi %add3A_1145, %add3A_1146 : i32
      %dma_start3A_1148 = arith.constant 0 : i32
      %dma_start3A_1149 = tpu.memref_slice %arg7[%add3A_1147, %dma_start3A_1148] : memref<512x2048xf32, #tpu.memory_space<vmem_shared>> -> memref<1x2048xf32, #tpu.memory_space<vmem_shared>>
      %dma_start3A_1150 = arith.constant 0 : i32
      %dma_start3A_1151 = tpu.memref_slice %arg2[%add3A_1143, %dma_start3A_1150] : memref<16384x2048xf32, #tpu.memory_space<hbm>> -> memref<1x2048xf32, #tpu.memory_space<hbm>>
      tpu.enqueue_dma source(%dma_start3A_1151 : memref<1x2048xf32, #tpu.memory_space<hbm>>) target(%dma_start3A_1149 : memref<1x2048xf32, #tpu.memory_space<vmem_shared>>) target_semaphore(%arg8 : memref<!tpu.dma_semaphore, #tpu.memory_space<semaphore_mem>>)
      %mul3A_1152 = arith.constant 8 : i32
      %mul3A_1153 = arith.muli %add3A_1121, %mul3A_1152 : i32
      %add3A_1154 = arith.constant 2 : i32
      %add3A_1155 = arith.addi %mul3A_1153, %add3A_1154 : i32
      %get3A_1156 = arith.index_cast %add3A_1155 : i32 to index
      %get3A_1157 = memref.load %arg6[%get3A_1156] : memref<512xi32, #tpu.memory_space<smem>>
      %add3A_1158 = arith.addi %get3A_1157, %mul3A_23 : i32
      %add3A_1159 = arith.constant 0 : i32
      %add3A_1160 = arith.addi %mul3A_25, %add3A_1159 : i32
      %add3A_1161 = arith.constant 2 : i32
      %add3A_1162 = arith.addi %add3A_1160, %add3A_1161 : i32
      %dma_start3A_1163 = arith.constant 0 : i32
      %dma_start3A_1164 = tpu.memref_slice %arg7[%add3A_1162, %dma_start3A_1163] : memref<512x2048xf32, #tpu.memory_space<vmem_shared>> -> memref<1x2048xf32, #tpu.memory_space<vmem_shared>>
      %dma_start3A_1165 = arith.constant 0 : i32
      %dma_start3A_1166 = tpu.memref_slice %arg2[%add3A_1158, %dma_start3A_1165] : memref<16384x2048xf32, #tpu.memory_space<hbm>> -> memref<1x2048xf32, #tpu.memory_space<hbm>>
      tpu.enqueue_dma source(%dma_start3A_1166 : memref<1x2048xf32, #tpu.memory_space<hbm>>) target(%dma_start3A_1164 : memref<1x2048xf32, #tpu.memory_space<vmem_shared>>) target_semaphore(%arg8 : memref<!tpu.dma_semaphore, #tpu.memory_space<semaphore_mem>>)
      %mul3A_1167 = arith.constant 8 : i32
      %mul3A_1168 = arith.muli %add3A_1121, %mul3A_1167 : i32
      %add3A_1169 = arith.constant 3 : i32
      %add3A_1170 = arith.addi %mul3A_1168, %add3A_1169 : i32
      %get3A_1171 = arith.index_cast %add3A_1170 : i32 to index
      %get3A_1172 = memref.load %arg6[%get3A_1171] : memref<512xi32, #tpu.memory_space<smem>>
      %add3A_1173 = arith.addi %get3A_1172, %mul3A_23 : i32
      %add3A_1174 = arith.constant 0 : i32
      %add3A_1175 = arith.addi %mul3A_25, %add3A_1174 : i32
      %add3A_1176 = arith.constant 3 : i32
      %add3A_1177 = arith.addi %add3A_1175, %add3A_1176 : i32
      %dma_start3A_1178 = arith.constant 0 : i32
      %dma_start3A_1179 = tpu.memref_slice %arg7[%add3A_1177, %dma_start3A_1178] : memref<512x2048xf32, #tpu.memory_space<vmem_shared>> -> memref<1x2048xf32, #tpu.memory_space<vmem_shared>>
      %dma_start3A_1180 = arith.constant 0 : i32
      %dma_start3A_1181 = tpu.memref_slice %arg2[%add3A_1173, %dma_start3A_1180] : memref<16384x2048xf32, #tpu.memory_space<hbm>> -> memref<1x2048xf32, #tpu.memory_space<hbm>>
      tpu.enqueue_dma source(%dma_start3A_1181 : memref<1x2048xf32, #tpu.memory_space<hbm>>) target(%dma_start3A_1179 : memref<1x2048xf32, #tpu.memory_space<vmem_shared>>) target_semaphore(%arg8 : memref<!tpu.dma_semaphore, #tpu.memory_space<semaphore_mem>>)
      %mul3A_1182 = arith.constant 8 : i32
      %mul3A_1183 = arith.muli %add3A_1121, %mul3A_1182 : i32
      %add3A_1184 = arith.constant 4 : i32
      %add3A_1185 = arith.addi %mul3A_1183, %add3A_1184 : i32
      %get3A_1186 = arith.index_cast %add3A_1185 : i32 to index
      %get3A_1187 = memref.load %arg6[%get3A_1186] : memref<512xi32, #tpu.memory_space<smem>>
      %add3A_1188 = arith.addi %get3A_1187, %mul3A_23 : i32
      %add3A_1189 = arith.constant 0 : i32
      %add3A_1190 = arith.addi %mul3A_25, %add3A_1189 : i32
      %add3A_1191 = arith.constant 4 : i32
      %add3A_1192 = arith.addi %add3A_1190, %add3A_1191 : i32
      %dma_start3A_1193 = arith.constant 0 : i32
      %dma_start3A_1194 = tpu.memref_slice %arg7[%add3A_1192, %dma_start3A_1193] : memref<512x2048xf32, #tpu.memory_space<vmem_shared>> -> memref<1x2048xf32, #tpu.memory_space<vmem_shared>>
      %dma_start3A_1195 = arith.constant 0 : i32
      %dma_start3A_1196 = tpu.memref_slice %arg2[%add3A_1188, %dma_start3A_1195] : memref<16384x2048xf32, #tpu.memory_space<hbm>> -> memref<1x2048xf32, #tpu.memory_space<hbm>>
      tpu.enqueue_dma source(%dma_start3A_1196 : memref<1x2048xf32, #tpu.memory_space<hbm>>) target(%dma_start3A_1194 : memref<1x2048xf32, #tpu.memory_space<vmem_shared>>) target_semaphore(%arg8 : memref<!tpu.dma_semaphore, #tpu.memory_space<semaphore_mem>>)
      %mul3A_1197 = arith.constant 8 : i32
      %mul3A_1198 = arith.muli %add3A_1121, %mul3A_1197 : i32
      %add3A_1199 = arith.constant 5 : i32
      %add3A_1200 = arith.addi %mul3A_1198, %add3A_1199 : i32
      %get3A_1201 = arith.index_cast %add3A_1200 : i32 to index
      %get3A_1202 = memref.load %arg6[%get3A_1201] : memref<512xi32, #tpu.memory_space<smem>>
      %add3A_1203 = arith.addi %get3A_1202, %mul3A_23 : i32
      %add3A_1204 = arith.constant 0 : i32
      %add3A_1205 = arith.addi %mul3A_25, %add3A_1204 : i32
      %add3A_1206 = arith.constant 5 : i32
      %add3A_1207 = arith.addi %add3A_1205, %add3A_1206 : i32
      %dma_start3A_1208 = arith.constant 0 : i32
      %dma_start3A_1209 = tpu.memref_slice %arg7[%add3A_1207, %dma_start3A_1208] : memref<512x2048xf32, #tpu.memory_space<vmem_shared>> -> memref<1x2048xf32, #tpu.memory_space<vmem_shared>>
      %dma_start3A_1210 = arith.constant 0 : i32
      %dma_start3A_1211 = tpu.memref_slice %arg2[%add3A_1203, %dma_start3A_1210] : memref<16384x2048xf32, #tpu.memory_space<hbm>> -> memref<1x2048xf32, #tpu.memory_space<hbm>>
      tpu.enqueue_dma source(%dma_start3A_1211 : memref<1x2048xf32, #tpu.memory_space<hbm>>) target(%dma_start3A_1209 : memref<1x2048xf32, #tpu.memory_space<vmem_shared>>) target_semaphore(%arg8 : memref<!tpu.dma_semaphore, #tpu.memory_space<semaphore_mem>>)
      %mul3A_1212 = arith.constant 8 : i32
      %mul3A_1213 = arith.muli %add3A_1121, %mul3A_1212 : i32
      %add3A_1214 = arith.constant 6 : i32
      %add3A_1215 = arith.addi %mul3A_1213, %add3A_1214 : i32
      %get3A_1216 = arith.index_cast %add3A_1215 : i32 to index
      %get3A_1217 = memref.load %arg6[%get3A_1216] : memref<512xi32, #tpu.memory_space<smem>>
      %add3A_1218 = arith.addi %get3A_1217, %mul3A_23 : i32
      %add3A_1219 = arith.constant 0 : i32
      %add3A_1220 = arith.addi %mul3A_25, %add3A_1219 : i32
      %add3A_1221 = arith.constant 6 : i32
      %add3A_1222 = arith.addi %add3A_1220, %add3A_1221 : i32
      %dma_start3A_1223 = arith.constant 0 : i32
      %dma_start3A_1224 = tpu.memref_slice %arg7[%add3A_1222, %dma_start3A_1223] : memref<512x2048xf32, #tpu.memory_space<vmem_shared>> -> memref<1x2048xf32, #tpu.memory_space<vmem_shared>>
      %dma_start3A_1225 = arith.constant 0 : i32
      %dma_start3A_1226 = tpu.memref_slice %arg2[%add3A_1218, %dma_start3A_1225] : memref<16384x2048xf32, #tpu.memory_space<hbm>> -> memref<1x2048xf32, #tpu.memory_space<hbm>>
      tpu.enqueue_dma source(%dma_start3A_1226 : memref<1x2048xf32, #tpu.memory_space<hbm>>) target(%dma_start3A_1224 : memref<1x2048xf32, #tpu.memory_space<vmem_shared>>) target_semaphore(%arg8 : memref<!tpu.dma_semaphore, #tpu.memory_space<semaphore_mem>>)
      %mul3A_1227 = arith.constant 8 : i32
      %mul3A_1228 = arith.muli %add3A_1121, %mul3A_1227 : i32
      %add3A_1229 = arith.constant 7 : i32
      %add3A_1230 = arith.addi %mul3A_1228, %add3A_1229 : i32
      %get3A_1231 = arith.index_cast %add3A_1230 : i32 to index
      %get3A_1232 = memref.load %arg6[%get3A_1231] : memref<512xi32, #tpu.memory_space<smem>>
      %add3A_1233 = arith.addi %get3A_1232, %mul3A_23 : i32
      %add3A_1234 = arith.constant 0 : i32
      %add3A_1235 = arith.addi %mul3A_25, %add3A_1234 : i32
      %add3A_1236 = arith.constant 7 : i32
      %add3A_1237 = arith.addi %add3A_1235, %add3A_1236 : i32
      %dma_start3A_1238 = arith.constant 0 : i32
      %dma_start3A_1239 = tpu.memref_slice %arg7[%add3A_1237, %dma_start3A_1238] : memref<512x2048xf32, #tpu.memory_space<vmem_shared>> -> memref<1x2048xf32, #tpu.memory_space<vmem_shared>>
      %dma_start3A_1240 = arith.constant 0 : i32
      %dma_start3A_1241 = tpu.memref_slice %arg2[%add3A_1233, %dma_start3A_1240] : memref<16384x2048xf32, #tpu.memory_space<hbm>> -> memref<1x2048xf32, #tpu.memory_space<hbm>>
      tpu.enqueue_dma source(%dma_start3A_1241 : memref<1x2048xf32, #tpu.memory_space<hbm>>) target(%dma_start3A_1239 : memref<1x2048xf32, #tpu.memory_space<vmem_shared>>) target_semaphore(%arg8 : memref<!tpu.dma_semaphore, #tpu.memory_space<semaphore_mem>>)
      %add3A_1242 = arith.constant 1 : i32
      %add3A_1243 = arith.addi %mul3A_766, %add3A_1242 : i32
      %add3A_1244 = arith.constant 8 : i32
      %add3A_1245 = arith.addi %mul3A_25, %add3A_1244 : i32
      %mul3A_1246 = arith.constant 8 : i32
      %mul3A_1247 = arith.muli %add3A_1243, %mul3A_1246 : i32
      %add3A_1248 = arith.addi %mul3A_2, %mul3A_1247 : i32
      %dma_wait3A_1249 = arith.constant 0 : i32
      %dma_wait3A_1250 = tpu.memref_slice %arg4[%add3A_1248, %dma_wait3A_1249] : memref<16384x2048xf32, #tpu.memory_space<hbm>> -> memref<8x2048xf32, #tpu.memory_space<hbm>>
      %dma_wait3A_1251 = arith.constant 0 : i32
      %dma_wait3A_1252 = tpu.memref_slice %arg7[%add3A_1245, %dma_wait3A_1251] : memref<512x2048xf32, #tpu.memory_space<vmem_shared>> -> memref<8x2048xf32, #tpu.memory_space<vmem_shared>>
      tpu.wait_dma2 semaphore(%arg13 : memref<!tpu.dma_semaphore, #tpu.memory_space<semaphore_mem>>) src(%dma_wait3A_1252 : memref<8x2048xf32, #tpu.memory_space<vmem_shared>>) dst(%dma_wait3A_1250 : memref<8x2048xf32, #tpu.memory_space<hbm>>)
      %add3A_1253 = arith.constant 4 : i32
      %add3A_1254 = arith.addi %mul3A_766, %add3A_1253 : i32
      %add3A_1255 = arith.constant 1 : i32
      %add3A_1256 = arith.addi %add3A_1254, %add3A_1255 : i32
      %mul3A_1257 = arith.constant 8 : i32
      %mul3A_1258 = arith.muli %add3A_1256, %mul3A_1257 : i32
      %add3A_1259 = arith.constant 0 : i32
      %add3A_1260 = arith.addi %mul3A_1258, %add3A_1259 : i32
      %get3A_1261 = arith.index_cast %add3A_1260 : i32 to index
      %get3A_1262 = memref.load %arg6[%get3A_1261] : memref<512xi32, #tpu.memory_space<smem>>
      %add3A_1263 = arith.addi %get3A_1262, %mul3A_23 : i32
      %add3A_1264 = arith.constant 8 : i32
      %add3A_1265 = arith.addi %mul3A_25, %add3A_1264 : i32
      %add3A_1266 = arith.constant 0 : i32
      %add3A_1267 = arith.addi %add3A_1265, %add3A_1266 : i32
      %dma_start3A_1268 = arith.constant 0 : i32
      %dma_start3A_1269 = tpu.memref_slice %arg7[%add3A_1267, %dma_start3A_1268] : memref<512x2048xf32, #tpu.memory_space<vmem_shared>> -> memref<1x2048xf32, #tpu.memory_space<vmem_shared>>
      %dma_start3A_1270 = arith.constant 0 : i32
      %dma_start3A_1271 = tpu.memref_slice %arg2[%add3A_1263, %dma_start3A_1270] : memref<16384x2048xf32, #tpu.memory_space<hbm>> -> memref<1x2048xf32, #tpu.memory_space<hbm>>
      tpu.enqueue_dma source(%dma_start3A_1271 : memref<1x2048xf32, #tpu.memory_space<hbm>>) target(%dma_start3A_1269 : memref<1x2048xf32, #tpu.memory_space<vmem_shared>>) target_semaphore(%arg9 : memref<!tpu.dma_semaphore, #tpu.memory_space<semaphore_mem>>)
      %mul3A_1272 = arith.constant 8 : i32
      %mul3A_1273 = arith.muli %add3A_1256, %mul3A_1272 : i32
      %add3A_1274 = arith.constant 1 : i32
      %add3A_1275 = arith.addi %mul3A_1273, %add3A_1274 : i32
      %get3A_1276 = arith.index_cast %add3A_1275 : i32 to index
      %get3A_1277 = memref.load %arg6[%get3A_1276] : memref<512xi32, #tpu.memory_space<smem>>
      %add3A_1278 = arith.addi %get3A_1277, %mul3A_23 : i32
      %add3A_1279 = arith.constant 8 : i32
      %add3A_1280 = arith.addi %mul3A_25, %add3A_1279 : i32
      %add3A_1281 = arith.constant 1 : i32
      %add3A_1282 = arith.addi %add3A_1280, %add3A_1281 : i32
      %dma_start3A_1283 = arith.constant 0 : i32
      %dma_start3A_1284 = tpu.memref_slice %arg7[%add3A_1282, %dma_start3A_1283] : memref<512x2048xf32, #tpu.memory_space<vmem_shared>> -> memref<1x2048xf32, #tpu.memory_space<vmem_shared>>
      %dma_start3A_1285 = arith.constant 0 : i32
      %dma_start3A_1286 = tpu.memref_slice %arg2[%add3A_1278, %dma_start3A_1285] : memref<16384x2048xf32, #tpu.memory_space<hbm>> -> memref<1x2048xf32, #tpu.memory_space<hbm>>
      tpu.enqueue_dma source(%dma_start3A_1286 : memref<1x2048xf32, #tpu.memory_space<hbm>>) target(%dma_start3A_1284 : memref<1x2048xf32, #tpu.memory_space<vmem_shared>>) target_semaphore(%arg9 : memref<!tpu.dma_semaphore, #tpu.memory_space<semaphore_mem>>)
      %mul3A_1287 = arith.constant 8 : i32
      %mul3A_1288 = arith.muli %add3A_1256, %mul3A_1287 : i32
      %add3A_1289 = arith.constant 2 : i32
      %add3A_1290 = arith.addi %mul3A_1288, %add3A_1289 : i32
      %get3A_1291 = arith.index_cast %add3A_1290 : i32 to index
      %get3A_1292 = memref.load %arg6[%get3A_1291] : memref<512xi32, #tpu.memory_space<smem>>
      %add3A_1293 = arith.addi %get3A_1292, %mul3A_23 : i32
      %add3A_1294 = arith.constant 8 : i32
      %add3A_1295 = arith.addi %mul3A_25, %add3A_1294 : i32
      %add3A_1296 = arith.constant 2 : i32
      %add3A_1297 = arith.addi %add3A_1295, %add3A_1296 : i32
      %dma_start3A_1298 = arith.constant 0 : i32
      %dma_start3A_1299 = tpu.memref_slice %arg7[%add3A_1297, %dma_start3A_1298] : memref<512x2048xf32, #tpu.memory_space<vmem_shared>> -> memref<1x2048xf32, #tpu.memory_space<vmem_shared>>
      %dma_start3A_1300 = arith.constant 0 : i32
      %dma_start3A_1301 = tpu.memref_slice %arg2[%add3A_1293, %dma_start3A_1300] : memref<16384x2048xf32, #tpu.memory_space<hbm>> -> memref<1x2048xf32, #tpu.memory_space<hbm>>
      tpu.enqueue_dma source(%dma_start3A_1301 : memref<1x2048xf32, #tpu.memory_space<hbm>>) target(%dma_start3A_1299 : memref<1x2048xf32, #tpu.memory_space<vmem_shared>>) target_semaphore(%arg9 : memref<!tpu.dma_semaphore, #tpu.memory_space<semaphore_mem>>)
      %mul3A_1302 = arith.constant 8 : i32
      %mul3A_1303 = arith.muli %add3A_1256, %mul3A_1302 : i32
      %add3A_1304 = arith.constant 3 : i32
      %add3A_1305 = arith.addi %mul3A_1303, %add3A_1304 : i32
      %get3A_1306 = arith.index_cast %add3A_1305 : i32 to index
      %get3A_1307 = memref.load %arg6[%get3A_1306] : memref<512xi32, #tpu.memory_space<smem>>
      %add3A_1308 = arith.addi %get3A_1307, %mul3A_23 : i32
      %add3A_1309 = arith.constant 8 : i32
      %add3A_1310 = arith.addi %mul3A_25, %add3A_1309 : i32
      %add3A_1311 = arith.constant 3 : i32
      %add3A_1312 = arith.addi %add3A_1310, %add3A_1311 : i32
      %dma_start3A_1313 = arith.constant 0 : i32
      %dma_start3A_1314 = tpu.memref_slice %arg7[%add3A_1312, %dma_start3A_1313] : memref<512x2048xf32, #tpu.memory_space<vmem_shared>> -> memref<1x2048xf32, #tpu.memory_space<vmem_shared>>
      %dma_start3A_1315 = arith.constant 0 : i32
      %dma_start3A_1316 = tpu.memref_slice %arg2[%add3A_1308, %dma_start3A_1315] : memref<16384x2048xf32, #tpu.memory_space<hbm>> -> memref<1x2048xf32, #tpu.memory_space<hbm>>
      tpu.enqueue_dma source(%dma_start3A_1316 : memref<1x2048xf32, #tpu.memory_space<hbm>>) target(%dma_start3A_1314 : memref<1x2048xf32, #tpu.memory_space<vmem_shared>>) target_semaphore(%arg9 : memref<!tpu.dma_semaphore, #tpu.memory_space<semaphore_mem>>)
      %mul3A_1317 = arith.constant 8 : i32
      %mul3A_1318 = arith.muli %add3A_1256, %mul3A_1317 : i32
      %add3A_1319 = arith.constant 4 : i32
      %add3A_1320 = arith.addi %mul3A_1318, %add3A_1319 : i32
      %get3A_1321 = arith.index_cast %add3A_1320 : i32 to index
      %get3A_1322 = memref.load %arg6[%get3A_1321] : memref<512xi32, #tpu.memory_space<smem>>
      %add3A_1323 = arith.addi %get3A_1322, %mul3A_23 : i32
      %add3A_1324 = arith.constant 8 : i32
      %add3A_1325 = arith.addi %mul3A_25, %add3A_1324 : i32
      %add3A_1326 = arith.constant 4 : i32
      %add3A_1327 = arith.addi %add3A_1325, %add3A_1326 : i32
      %dma_start3A_1328 = arith.constant 0 : i32
      %dma_start3A_1329 = tpu.memref_slice %arg7[%add3A_1327, %dma_start3A_1328] : memref<512x2048xf32, #tpu.memory_space<vmem_shared>> -> memref<1x2048xf32, #tpu.memory_space<vmem_shared>>
      %dma_start3A_1330 = arith.constant 0 : i32
      %dma_start3A_1331 = tpu.memref_slice %arg2[%add3A_1323, %dma_start3A_1330] : memref<16384x2048xf32, #tpu.memory_space<hbm>> -> memref<1x2048xf32, #tpu.memory_space<hbm>>
      tpu.enqueue_dma source(%dma_start3A_1331 : memref<1x2048xf32, #tpu.memory_space<hbm>>) target(%dma_start3A_1329 : memref<1x2048xf32, #tpu.memory_space<vmem_shared>>) target_semaphore(%arg9 : memref<!tpu.dma_semaphore, #tpu.memory_space<semaphore_mem>>)
      %mul3A_1332 = arith.constant 8 : i32
      %mul3A_1333 = arith.muli %add3A_1256, %mul3A_1332 : i32
      %add3A_1334 = arith.constant 5 : i32
      %add3A_1335 = arith.addi %mul3A_1333, %add3A_1334 : i32
      %get3A_1336 = arith.index_cast %add3A_1335 : i32 to index
      %get3A_1337 = memref.load %arg6[%get3A_1336] : memref<512xi32, #tpu.memory_space<smem>>
      %add3A_1338 = arith.addi %get3A_1337, %mul3A_23 : i32
      %add3A_1339 = arith.constant 8 : i32
      %add3A_1340 = arith.addi %mul3A_25, %add3A_1339 : i32
      %add3A_1341 = arith.constant 5 : i32
      %add3A_1342 = arith.addi %add3A_1340, %add3A_1341 : i32
      %dma_start3A_1343 = arith.constant 0 : i32
      %dma_start3A_1344 = tpu.memref_slice %arg7[%add3A_1342, %dma_start3A_1343] : memref<512x2048xf32, #tpu.memory_space<vmem_shared>> -> memref<1x2048xf32, #tpu.memory_space<vmem_shared>>
      %dma_start3A_1345 = arith.constant 0 : i32
      %dma_start3A_1346 = tpu.memref_slice %arg2[%add3A_1338, %dma_start3A_1345] : memref<16384x2048xf32, #tpu.memory_space<hbm>> -> memref<1x2048xf32, #tpu.memory_space<hbm>>
      tpu.enqueue_dma source(%dma_start3A_1346 : memref<1x2048xf32, #tpu.memory_space<hbm>>) target(%dma_start3A_1344 : memref<1x2048xf32, #tpu.memory_space<vmem_shared>>) target_semaphore(%arg9 : memref<!tpu.dma_semaphore, #tpu.memory_space<semaphore_mem>>)
      %mul3A_1347 = arith.constant 8 : i32
      %mul3A_1348 = arith.muli %add3A_1256, %mul3A_1347 : i32
      %add3A_1349 = arith.constant 6 : i32
      %add3A_1350 = arith.addi %mul3A_1348, %add3A_1349 : i32
      %get3A_1351 = arith.index_cast %add3A_1350 : i32 to index
      %get3A_1352 = memref.load %arg6[%get3A_1351] : memref<512xi32, #tpu.memory_space<smem>>
      %add3A_1353 = arith.addi %get3A_1352, %mul3A_23 : i32
      %add3A_1354 = arith.constant 8 : i32
      %add3A_1355 = arith.addi %mul3A_25, %add3A_1354 : i32
      %add3A_1356 = arith.constant 6 : i32
      %add3A_1357 = arith.addi %add3A_1355, %add3A_1356 : i32
      %dma_start3A_1358 = arith.constant 0 : i32
      %dma_start3A_1359 = tpu.memref_slice %arg7[%add3A_1357, %dma_start3A_1358] : memref<512x2048xf32, #tpu.memory_space<vmem_shared>> -> memref<1x2048xf32, #tpu.memory_space<vmem_shared>>
      %dma_start3A_1360 = arith.constant 0 : i32
      %dma_start3A_1361 = tpu.memref_slice %arg2[%add3A_1353, %dma_start3A_1360] : memref<16384x2048xf32, #tpu.memory_space<hbm>> -> memref<1x2048xf32, #tpu.memory_space<hbm>>
      tpu.enqueue_dma source(%dma_start3A_1361 : memref<1x2048xf32, #tpu.memory_space<hbm>>) target(%dma_start3A_1359 : memref<1x2048xf32, #tpu.memory_space<vmem_shared>>) target_semaphore(%arg9 : memref<!tpu.dma_semaphore, #tpu.memory_space<semaphore_mem>>)
      %mul3A_1362 = arith.constant 8 : i32
      %mul3A_1363 = arith.muli %add3A_1256, %mul3A_1362 : i32
      %add3A_1364 = arith.constant 7 : i32
      %add3A_1365 = arith.addi %mul3A_1363, %add3A_1364 : i32
      %get3A_1366 = arith.index_cast %add3A_1365 : i32 to index
      %get3A_1367 = memref.load %arg6[%get3A_1366] : memref<512xi32, #tpu.memory_space<smem>>
      %add3A_1368 = arith.addi %get3A_1367, %mul3A_23 : i32
      %add3A_1369 = arith.constant 8 : i32
      %add3A_1370 = arith.addi %mul3A_25, %add3A_1369 : i32
      %add3A_1371 = arith.constant 7 : i32
      %add3A_1372 = arith.addi %add3A_1370, %add3A_1371 : i32
      %dma_start3A_1373 = arith.constant 0 : i32
      %dma_start3A_1374 = tpu.memref_slice %arg7[%add3A_1372, %dma_start3A_1373] : memref<512x2048xf32, #tpu.memory_space<vmem_shared>> -> memref<1x2048xf32, #tpu.memory_space<vmem_shared>>
      %dma_start3A_1375 = arith.constant 0 : i32
      %dma_start3A_1376 = tpu.memref_slice %arg2[%add3A_1368, %dma_start3A_1375] : memref<16384x2048xf32, #tpu.memory_space<hbm>> -> memref<1x2048xf32, #tpu.memory_space<hbm>>
      tpu.enqueue_dma source(%dma_start3A_1376 : memref<1x2048xf32, #tpu.memory_space<hbm>>) target(%dma_start3A_1374 : memref<1x2048xf32, #tpu.memory_space<vmem_shared>>) target_semaphore(%arg9 : memref<!tpu.dma_semaphore, #tpu.memory_space<semaphore_mem>>)
      %add3A_1377 = arith.constant 2 : i32
      %add3A_1378 = arith.addi %mul3A_766, %add3A_1377 : i32
      %add3A_1379 = arith.constant 16 : i32
      %add3A_1380 = arith.addi %mul3A_25, %add3A_1379 : i32
      %mul3A_1381 = arith.constant 8 : i32
      %mul3A_1382 = arith.muli %add3A_1378, %mul3A_1381 : i32
      %add3A_1383 = arith.addi %mul3A_2, %mul3A_1382 : i32
      %dma_wait3A_1384 = arith.constant 0 : i32
      %dma_wait3A_1385 = tpu.memref_slice %arg4[%add3A_1383, %dma_wait3A_1384] : memref<16384x2048xf32, #tpu.memory_space<hbm>> -> memref<8x2048xf32, #tpu.memory_space<hbm>>
      %dma_wait3A_1386 = arith.constant 0 : i32
      %dma_wait3A_1387 = tpu.memref_slice %arg7[%add3A_1380, %dma_wait3A_1386] : memref<512x2048xf32, #tpu.memory_space<vmem_shared>> -> memref<8x2048xf32, #tpu.memory_space<vmem_shared>>
      tpu.wait_dma2 semaphore(%arg14 : memref<!tpu.dma_semaphore, #tpu.memory_space<semaphore_mem>>) src(%dma_wait3A_1387 : memref<8x2048xf32, #tpu.memory_space<vmem_shared>>) dst(%dma_wait3A_1385 : memref<8x2048xf32, #tpu.memory_space<hbm>>)
      %add3A_1388 = arith.constant 4 : i32
      %add3A_1389 = arith.addi %mul3A_766, %add3A_1388 : i32
      %add3A_1390 = arith.constant 2 : i32
      %add3A_1391 = arith.addi %add3A_1389, %add3A_1390 : i32
      %mul3A_1392 = arith.constant 8 : i32
      %mul3A_1393 = arith.muli %add3A_1391, %mul3A_1392 : i32
      %add3A_1394 = arith.constant 0 : i32
      %add3A_1395 = arith.addi %mul3A_1393, %add3A_1394 : i32
      %get3A_1396 = arith.index_cast %add3A_1395 : i32 to index
      %get3A_1397 = memref.load %arg6[%get3A_1396] : memref<512xi32, #tpu.memory_space<smem>>
      %add3A_1398 = arith.addi %get3A_1397, %mul3A_23 : i32
      %add3A_1399 = arith.constant 16 : i32
      %add3A_1400 = arith.addi %mul3A_25, %add3A_1399 : i32
      %add3A_1401 = arith.constant 0 : i32
      %add3A_1402 = arith.addi %add3A_1400, %add3A_1401 : i32
      %dma_start3A_1403 = arith.constant 0 : i32
      %dma_start3A_1404 = tpu.memref_slice %arg7[%add3A_1402, %dma_start3A_1403] : memref<512x2048xf32, #tpu.memory_space<vmem_shared>> -> memref<1x2048xf32, #tpu.memory_space<vmem_shared>>
      %dma_start3A_1405 = arith.constant 0 : i32
      %dma_start3A_1406 = tpu.memref_slice %arg2[%add3A_1398, %dma_start3A_1405] : memref<16384x2048xf32, #tpu.memory_space<hbm>> -> memref<1x2048xf32, #tpu.memory_space<hbm>>
      tpu.enqueue_dma source(%dma_start3A_1406 : memref<1x2048xf32, #tpu.memory_space<hbm>>) target(%dma_start3A_1404 : memref<1x2048xf32, #tpu.memory_space<vmem_shared>>) target_semaphore(%arg10 : memref<!tpu.dma_semaphore, #tpu.memory_space<semaphore_mem>>)
      %mul3A_1407 = arith.constant 8 : i32
      %mul3A_1408 = arith.muli %add3A_1391, %mul3A_1407 : i32
      %add3A_1409 = arith.constant 1 : i32
      %add3A_1410 = arith.addi %mul3A_1408, %add3A_1409 : i32
      %get3A_1411 = arith.index_cast %add3A_1410 : i32 to index
      %get3A_1412 = memref.load %arg6[%get3A_1411] : memref<512xi32, #tpu.memory_space<smem>>
      %add3A_1413 = arith.addi %get3A_1412, %mul3A_23 : i32
      %add3A_1414 = arith.constant 16 : i32
      %add3A_1415 = arith.addi %mul3A_25, %add3A_1414 : i32
      %add3A_1416 = arith.constant 1 : i32
      %add3A_1417 = arith.addi %add3A_1415, %add3A_1416 : i32
      %dma_start3A_1418 = arith.constant 0 : i32
      %dma_start3A_1419 = tpu.memref_slice %arg7[%add3A_1417, %dma_start3A_1418] : memref<512x2048xf32, #tpu.memory_space<vmem_shared>> -> memref<1x2048xf32, #tpu.memory_space<vmem_shared>>
      %dma_start3A_1420 = arith.constant 0 : i32
      %dma_start3A_1421 = tpu.memref_slice %arg2[%add3A_1413, %dma_start3A_1420] : memref<16384x2048xf32, #tpu.memory_space<hbm>> -> memref<1x2048xf32, #tpu.memory_space<hbm>>
      tpu.enqueue_dma source(%dma_start3A_1421 : memref<1x2048xf32, #tpu.memory_space<hbm>>) target(%dma_start3A_1419 : memref<1x2048xf32, #tpu.memory_space<vmem_shared>>) target_semaphore(%arg10 : memref<!tpu.dma_semaphore, #tpu.memory_space<semaphore_mem>>)
      %mul3A_1422 = arith.constant 8 : i32
      %mul3A_1423 = arith.muli %add3A_1391, %mul3A_1422 : i32
      %add3A_1424 = arith.constant 2 : i32
      %add3A_1425 = arith.addi %mul3A_1423, %add3A_1424 : i32
      %get3A_1426 = arith.index_cast %add3A_1425 : i32 to index
      %get3A_1427 = memref.load %arg6[%get3A_1426] : memref<512xi32, #tpu.memory_space<smem>>
      %add3A_1428 = arith.addi %get3A_1427, %mul3A_23 : i32
      %add3A_1429 = arith.constant 16 : i32
      %add3A_1430 = arith.addi %mul3A_25, %add3A_1429 : i32
      %add3A_1431 = arith.constant 2 : i32
      %add3A_1432 = arith.addi %add3A_1430, %add3A_1431 : i32
      %dma_start3A_1433 = arith.constant 0 : i32
      %dma_start3A_1434 = tpu.memref_slice %arg7[%add3A_1432, %dma_start3A_1433] : memref<512x2048xf32, #tpu.memory_space<vmem_shared>> -> memref<1x2048xf32, #tpu.memory_space<vmem_shared>>
      %dma_start3A_1435 = arith.constant 0 : i32
      %dma_start3A_1436 = tpu.memref_slice %arg2[%add3A_1428, %dma_start3A_1435] : memref<16384x2048xf32, #tpu.memory_space<hbm>> -> memref<1x2048xf32, #tpu.memory_space<hbm>>
      tpu.enqueue_dma source(%dma_start3A_1436 : memref<1x2048xf32, #tpu.memory_space<hbm>>) target(%dma_start3A_1434 : memref<1x2048xf32, #tpu.memory_space<vmem_shared>>) target_semaphore(%arg10 : memref<!tpu.dma_semaphore, #tpu.memory_space<semaphore_mem>>)
      %mul3A_1437 = arith.constant 8 : i32
      %mul3A_1438 = arith.muli %add3A_1391, %mul3A_1437 : i32
      %add3A_1439 = arith.constant 3 : i32
      %add3A_1440 = arith.addi %mul3A_1438, %add3A_1439 : i32
      %get3A_1441 = arith.index_cast %add3A_1440 : i32 to index
      %get3A_1442 = memref.load %arg6[%get3A_1441] : memref<512xi32, #tpu.memory_space<smem>>
      %add3A_1443 = arith.addi %get3A_1442, %mul3A_23 : i32
      %add3A_1444 = arith.constant 16 : i32
      %add3A_1445 = arith.addi %mul3A_25, %add3A_1444 : i32
      %add3A_1446 = arith.constant 3 : i32
      %add3A_1447 = arith.addi %add3A_1445, %add3A_1446 : i32
      %dma_start3A_1448 = arith.constant 0 : i32
      %dma_start3A_1449 = tpu.memref_slice %arg7[%add3A_1447, %dma_start3A_1448] : memref<512x2048xf32, #tpu.memory_space<vmem_shared>> -> memref<1x2048xf32, #tpu.memory_space<vmem_shared>>
      %dma_start3A_1450 = arith.constant 0 : i32
      %dma_start3A_1451 = tpu.memref_slice %arg2[%add3A_1443, %dma_start3A_1450] : memref<16384x2048xf32, #tpu.memory_space<hbm>> -> memref<1x2048xf32, #tpu.memory_space<hbm>>
      tpu.enqueue_dma source(%dma_start3A_1451 : memref<1x2048xf32, #tpu.memory_space<hbm>>) target(%dma_start3A_1449 : memref<1x2048xf32, #tpu.memory_space<vmem_shared>>) target_semaphore(%arg10 : memref<!tpu.dma_semaphore, #tpu.memory_space<semaphore_mem>>)
      %mul3A_1452 = arith.constant 8 : i32
      %mul3A_1453 = arith.muli %add3A_1391, %mul3A_1452 : i32
      %add3A_1454 = arith.constant 4 : i32
      %add3A_1455 = arith.addi %mul3A_1453, %add3A_1454 : i32
      %get3A_1456 = arith.index_cast %add3A_1455 : i32 to index
      %get3A_1457 = memref.load %arg6[%get3A_1456] : memref<512xi32, #tpu.memory_space<smem>>
      %add3A_1458 = arith.addi %get3A_1457, %mul3A_23 : i32
      %add3A_1459 = arith.constant 16 : i32
      %add3A_1460 = arith.addi %mul3A_25, %add3A_1459 : i32
      %add3A_1461 = arith.constant 4 : i32
      %add3A_1462 = arith.addi %add3A_1460, %add3A_1461 : i32
      %dma_start3A_1463 = arith.constant 0 : i32
      %dma_start3A_1464 = tpu.memref_slice %arg7[%add3A_1462, %dma_start3A_1463] : memref<512x2048xf32, #tpu.memory_space<vmem_shared>> -> memref<1x2048xf32, #tpu.memory_space<vmem_shared>>
      %dma_start3A_1465 = arith.constant 0 : i32
      %dma_start3A_1466 = tpu.memref_slice %arg2[%add3A_1458, %dma_start3A_1465] : memref<16384x2048xf32, #tpu.memory_space<hbm>> -> memref<1x2048xf32, #tpu.memory_space<hbm>>
      tpu.enqueue_dma source(%dma_start3A_1466 : memref<1x2048xf32, #tpu.memory_space<hbm>>) target(%dma_start3A_1464 : memref<1x2048xf32, #tpu.memory_space<vmem_shared>>) target_semaphore(%arg10 : memref<!tpu.dma_semaphore, #tpu.memory_space<semaphore_mem>>)
      %mul3A_1467 = arith.constant 8 : i32
      %mul3A_1468 = arith.muli %add3A_1391, %mul3A_1467 : i32
      %add3A_1469 = arith.constant 5 : i32
      %add3A_1470 = arith.addi %mul3A_1468, %add3A_1469 : i32
      %get3A_1471 = arith.index_cast %add3A_1470 : i32 to index
      %get3A_1472 = memref.load %arg6[%get3A_1471] : memref<512xi32, #tpu.memory_space<smem>>
      %add3A_1473 = arith.addi %get3A_1472, %mul3A_23 : i32
      %add3A_1474 = arith.constant 16 : i32
      %add3A_1475 = arith.addi %mul3A_25, %add3A_1474 : i32
      %add3A_1476 = arith.constant 5 : i32
      %add3A_1477 = arith.addi %add3A_1475, %add3A_1476 : i32
      %dma_start3A_1478 = arith.constant 0 : i32
      %dma_start3A_1479 = tpu.memref_slice %arg7[%add3A_1477, %dma_start3A_1478] : memref<512x2048xf32, #tpu.memory_space<vmem_shared>> -> memref<1x2048xf32, #tpu.memory_space<vmem_shared>>
      %dma_start3A_1480 = arith.constant 0 : i32
      %dma_start3A_1481 = tpu.memref_slice %arg2[%add3A_1473, %dma_start3A_1480] : memref<16384x2048xf32, #tpu.memory_space<hbm>> -> memref<1x2048xf32, #tpu.memory_space<hbm>>
      tpu.enqueue_dma source(%dma_start3A_1481 : memref<1x2048xf32, #tpu.memory_space<hbm>>) target(%dma_start3A_1479 : memref<1x2048xf32, #tpu.memory_space<vmem_shared>>) target_semaphore(%arg10 : memref<!tpu.dma_semaphore, #tpu.memory_space<semaphore_mem>>)
      %mul3A_1482 = arith.constant 8 : i32
      %mul3A_1483 = arith.muli %add3A_1391, %mul3A_1482 : i32
      %add3A_1484 = arith.constant 6 : i32
      %add3A_1485 = arith.addi %mul3A_1483, %add3A_1484 : i32
      %get3A_1486 = arith.index_cast %add3A_1485 : i32 to index
      %get3A_1487 = memref.load %arg6[%get3A_1486] : memref<512xi32, #tpu.memory_space<smem>>
      %add3A_1488 = arith.addi %get3A_1487, %mul3A_23 : i32
      %add3A_1489 = arith.constant 16 : i32
      %add3A_1490 = arith.addi %mul3A_25, %add3A_1489 : i32
      %add3A_1491 = arith.constant 6 : i32
      %add3A_1492 = arith.addi %add3A_1490, %add3A_1491 : i32
      %dma_start3A_1493 = arith.constant 0 : i32
      %dma_start3A_1494 = tpu.memref_slice %arg7[%add3A_1492, %dma_start3A_1493] : memref<512x2048xf32, #tpu.memory_space<vmem_shared>> -> memref<1x2048xf32, #tpu.memory_space<vmem_shared>>
      %dma_start3A_1495 = arith.constant 0 : i32
      %dma_start3A_1496 = tpu.memref_slice %arg2[%add3A_1488, %dma_start3A_1495] : memref<16384x2048xf32, #tpu.memory_space<hbm>> -> memref<1x2048xf32, #tpu.memory_space<hbm>>
      tpu.enqueue_dma source(%dma_start3A_1496 : memref<1x2048xf32, #tpu.memory_space<hbm>>) target(%dma_start3A_1494 : memref<1x2048xf32, #tpu.memory_space<vmem_shared>>) target_semaphore(%arg10 : memref<!tpu.dma_semaphore, #tpu.memory_space<semaphore_mem>>)
      %mul3A_1497 = arith.constant 8 : i32
      %mul3A_1498 = arith.muli %add3A_1391, %mul3A_1497 : i32
      %add3A_1499 = arith.constant 7 : i32
      %add3A_1500 = arith.addi %mul3A_1498, %add3A_1499 : i32
      %get3A_1501 = arith.index_cast %add3A_1500 : i32 to index
      %get3A_1502 = memref.load %arg6[%get3A_1501] : memref<512xi32, #tpu.memory_space<smem>>
      %add3A_1503 = arith.addi %get3A_1502, %mul3A_23 : i32
      %add3A_1504 = arith.constant 16 : i32
      %add3A_1505 = arith.addi %mul3A_25, %add3A_1504 : i32
      %add3A_1506 = arith.constant 7 : i32
      %add3A_1507 = arith.addi %add3A_1505, %add3A_1506 : i32
      %dma_start3A_1508 = arith.constant 0 : i32
      %dma_start3A_1509 = tpu.memref_slice %arg7[%add3A_1507, %dma_start3A_1508] : memref<512x2048xf32, #tpu.memory_space<vmem_shared>> -> memref<1x2048xf32, #tpu.memory_space<vmem_shared>>
      %dma_start3A_1510 = arith.constant 0 : i32
      %dma_start3A_1511 = tpu.memref_slice %arg2[%add3A_1503, %dma_start3A_1510] : memref<16384x2048xf32, #tpu.memory_space<hbm>> -> memref<1x2048xf32, #tpu.memory_space<hbm>>
      tpu.enqueue_dma source(%dma_start3A_1511 : memref<1x2048xf32, #tpu.memory_space<hbm>>) target(%dma_start3A_1509 : memref<1x2048xf32, #tpu.memory_space<vmem_shared>>) target_semaphore(%arg10 : memref<!tpu.dma_semaphore, #tpu.memory_space<semaphore_mem>>)
      %add3A_1512 = arith.constant 3 : i32
      %add3A_1513 = arith.addi %mul3A_766, %add3A_1512 : i32
      %add3A_1514 = arith.constant 24 : i32
      %add3A_1515 = arith.addi %mul3A_25, %add3A_1514 : i32
      %mul3A_1516 = arith.constant 8 : i32
      %mul3A_1517 = arith.muli %add3A_1513, %mul3A_1516 : i32
      %add3A_1518 = arith.addi %mul3A_2, %mul3A_1517 : i32
      %dma_wait3A_1519 = arith.constant 0 : i32
      %dma_wait3A_1520 = tpu.memref_slice %arg4[%add3A_1518, %dma_wait3A_1519] : memref<16384x2048xf32, #tpu.memory_space<hbm>> -> memref<8x2048xf32, #tpu.memory_space<hbm>>
      %dma_wait3A_1521 = arith.constant 0 : i32
      %dma_wait3A_1522 = tpu.memref_slice %arg7[%add3A_1515, %dma_wait3A_1521] : memref<512x2048xf32, #tpu.memory_space<vmem_shared>> -> memref<8x2048xf32, #tpu.memory_space<vmem_shared>>
      tpu.wait_dma2 semaphore(%arg15 : memref<!tpu.dma_semaphore, #tpu.memory_space<semaphore_mem>>) src(%dma_wait3A_1522 : memref<8x2048xf32, #tpu.memory_space<vmem_shared>>) dst(%dma_wait3A_1520 : memref<8x2048xf32, #tpu.memory_space<hbm>>)
      %add3A_1523 = arith.constant 4 : i32
      %add3A_1524 = arith.addi %mul3A_766, %add3A_1523 : i32
      %add3A_1525 = arith.constant 3 : i32
      %add3A_1526 = arith.addi %add3A_1524, %add3A_1525 : i32
      %mul3A_1527 = arith.constant 8 : i32
      %mul3A_1528 = arith.muli %add3A_1526, %mul3A_1527 : i32
      %add3A_1529 = arith.constant 0 : i32
      %add3A_1530 = arith.addi %mul3A_1528, %add3A_1529 : i32
      %get3A_1531 = arith.index_cast %add3A_1530 : i32 to index
      %get3A_1532 = memref.load %arg6[%get3A_1531] : memref<512xi32, #tpu.memory_space<smem>>
      %add3A_1533 = arith.addi %get3A_1532, %mul3A_23 : i32
      %add3A_1534 = arith.constant 24 : i32
      %add3A_1535 = arith.addi %mul3A_25, %add3A_1534 : i32
      %add3A_1536 = arith.constant 0 : i32
      %add3A_1537 = arith.addi %add3A_1535, %add3A_1536 : i32
      %dma_start3A_1538 = arith.constant 0 : i32
      %dma_start3A_1539 = tpu.memref_slice %arg7[%add3A_1537, %dma_start3A_1538] : memref<512x2048xf32, #tpu.memory_space<vmem_shared>> -> memref<1x2048xf32, #tpu.memory_space<vmem_shared>>
      %dma_start3A_1540 = arith.constant 0 : i32
      %dma_start3A_1541 = tpu.memref_slice %arg2[%add3A_1533, %dma_start3A_1540] : memref<16384x2048xf32, #tpu.memory_space<hbm>> -> memref<1x2048xf32, #tpu.memory_space<hbm>>
      tpu.enqueue_dma source(%dma_start3A_1541 : memref<1x2048xf32, #tpu.memory_space<hbm>>) target(%dma_start3A_1539 : memref<1x2048xf32, #tpu.memory_space<vmem_shared>>) target_semaphore(%arg11 : memref<!tpu.dma_semaphore, #tpu.memory_space<semaphore_mem>>)
      %mul3A_1542 = arith.constant 8 : i32
      %mul3A_1543 = arith.muli %add3A_1526, %mul3A_1542 : i32
      %add3A_1544 = arith.constant 1 : i32
      %add3A_1545 = arith.addi %mul3A_1543, %add3A_1544 : i32
      %get3A_1546 = arith.index_cast %add3A_1545 : i32 to index
      %get3A_1547 = memref.load %arg6[%get3A_1546] : memref<512xi32, #tpu.memory_space<smem>>
      %add3A_1548 = arith.addi %get3A_1547, %mul3A_23 : i32
      %add3A_1549 = arith.constant 24 : i32
      %add3A_1550 = arith.addi %mul3A_25, %add3A_1549 : i32
      %add3A_1551 = arith.constant 1 : i32
      %add3A_1552 = arith.addi %add3A_1550, %add3A_1551 : i32
      %dma_start3A_1553 = arith.constant 0 : i32
      %dma_start3A_1554 = tpu.memref_slice %arg7[%add3A_1552, %dma_start3A_1553] : memref<512x2048xf32, #tpu.memory_space<vmem_shared>> -> memref<1x2048xf32, #tpu.memory_space<vmem_shared>>
      %dma_start3A_1555 = arith.constant 0 : i32
      %dma_start3A_1556 = tpu.memref_slice %arg2[%add3A_1548, %dma_start3A_1555] : memref<16384x2048xf32, #tpu.memory_space<hbm>> -> memref<1x2048xf32, #tpu.memory_space<hbm>>
      tpu.enqueue_dma source(%dma_start3A_1556 : memref<1x2048xf32, #tpu.memory_space<hbm>>) target(%dma_start3A_1554 : memref<1x2048xf32, #tpu.memory_space<vmem_shared>>) target_semaphore(%arg11 : memref<!tpu.dma_semaphore, #tpu.memory_space<semaphore_mem>>)
      %mul3A_1557 = arith.constant 8 : i32
      %mul3A_1558 = arith.muli %add3A_1526, %mul3A_1557 : i32
      %add3A_1559 = arith.constant 2 : i32
      %add3A_1560 = arith.addi %mul3A_1558, %add3A_1559 : i32
      %get3A_1561 = arith.index_cast %add3A_1560 : i32 to index
      %get3A_1562 = memref.load %arg6[%get3A_1561] : memref<512xi32, #tpu.memory_space<smem>>
      %add3A_1563 = arith.addi %get3A_1562, %mul3A_23 : i32
      %add3A_1564 = arith.constant 24 : i32
      %add3A_1565 = arith.addi %mul3A_25, %add3A_1564 : i32
      %add3A_1566 = arith.constant 2 : i32
      %add3A_1567 = arith.addi %add3A_1565, %add3A_1566 : i32
      %dma_start3A_1568 = arith.constant 0 : i32
      %dma_start3A_1569 = tpu.memref_slice %arg7[%add3A_1567, %dma_start3A_1568] : memref<512x2048xf32, #tpu.memory_space<vmem_shared>> -> memref<1x2048xf32, #tpu.memory_space<vmem_shared>>
      %dma_start3A_1570 = arith.constant 0 : i32
      %dma_start3A_1571 = tpu.memref_slice %arg2[%add3A_1563, %dma_start3A_1570] : memref<16384x2048xf32, #tpu.memory_space<hbm>> -> memref<1x2048xf32, #tpu.memory_space<hbm>>
      tpu.enqueue_dma source(%dma_start3A_1571 : memref<1x2048xf32, #tpu.memory_space<hbm>>) target(%dma_start3A_1569 : memref<1x2048xf32, #tpu.memory_space<vmem_shared>>) target_semaphore(%arg11 : memref<!tpu.dma_semaphore, #tpu.memory_space<semaphore_mem>>)
      %mul3A_1572 = arith.constant 8 : i32
      %mul3A_1573 = arith.muli %add3A_1526, %mul3A_1572 : i32
      %add3A_1574 = arith.constant 3 : i32
      %add3A_1575 = arith.addi %mul3A_1573, %add3A_1574 : i32
      %get3A_1576 = arith.index_cast %add3A_1575 : i32 to index
      %get3A_1577 = memref.load %arg6[%get3A_1576] : memref<512xi32, #tpu.memory_space<smem>>
      %add3A_1578 = arith.addi %get3A_1577, %mul3A_23 : i32
      %add3A_1579 = arith.constant 24 : i32
      %add3A_1580 = arith.addi %mul3A_25, %add3A_1579 : i32
      %add3A_1581 = arith.constant 3 : i32
      %add3A_1582 = arith.addi %add3A_1580, %add3A_1581 : i32
      %dma_start3A_1583 = arith.constant 0 : i32
      %dma_start3A_1584 = tpu.memref_slice %arg7[%add3A_1582, %dma_start3A_1583] : memref<512x2048xf32, #tpu.memory_space<vmem_shared>> -> memref<1x2048xf32, #tpu.memory_space<vmem_shared>>
      %dma_start3A_1585 = arith.constant 0 : i32
      %dma_start3A_1586 = tpu.memref_slice %arg2[%add3A_1578, %dma_start3A_1585] : memref<16384x2048xf32, #tpu.memory_space<hbm>> -> memref<1x2048xf32, #tpu.memory_space<hbm>>
      tpu.enqueue_dma source(%dma_start3A_1586 : memref<1x2048xf32, #tpu.memory_space<hbm>>) target(%dma_start3A_1584 : memref<1x2048xf32, #tpu.memory_space<vmem_shared>>) target_semaphore(%arg11 : memref<!tpu.dma_semaphore, #tpu.memory_space<semaphore_mem>>)
      %mul3A_1587 = arith.constant 8 : i32
      %mul3A_1588 = arith.muli %add3A_1526, %mul3A_1587 : i32
      %add3A_1589 = arith.constant 4 : i32
      %add3A_1590 = arith.addi %mul3A_1588, %add3A_1589 : i32
      %get3A_1591 = arith.index_cast %add3A_1590 : i32 to index
      %get3A_1592 = memref.load %arg6[%get3A_1591] : memref<512xi32, #tpu.memory_space<smem>>
      %add3A_1593 = arith.addi %get3A_1592, %mul3A_23 : i32
      %add3A_1594 = arith.constant 24 : i32
      %add3A_1595 = arith.addi %mul3A_25, %add3A_1594 : i32
      %add3A_1596 = arith.constant 4 : i32
      %add3A_1597 = arith.addi %add3A_1595, %add3A_1596 : i32
      %dma_start3A_1598 = arith.constant 0 : i32
      %dma_start3A_1599 = tpu.memref_slice %arg7[%add3A_1597, %dma_start3A_1598] : memref<512x2048xf32, #tpu.memory_space<vmem_shared>> -> memref<1x2048xf32, #tpu.memory_space<vmem_shared>>
      %dma_start3A_1600 = arith.constant 0 : i32
      %dma_start3A_1601 = tpu.memref_slice %arg2[%add3A_1593, %dma_start3A_1600] : memref<16384x2048xf32, #tpu.memory_space<hbm>> -> memref<1x2048xf32, #tpu.memory_space<hbm>>
      tpu.enqueue_dma source(%dma_start3A_1601 : memref<1x2048xf32, #tpu.memory_space<hbm>>) target(%dma_start3A_1599 : memref<1x2048xf32, #tpu.memory_space<vmem_shared>>) target_semaphore(%arg11 : memref<!tpu.dma_semaphore, #tpu.memory_space<semaphore_mem>>)
      %mul3A_1602 = arith.constant 8 : i32
      %mul3A_1603 = arith.muli %add3A_1526, %mul3A_1602 : i32
      %add3A_1604 = arith.constant 5 : i32
      %add3A_1605 = arith.addi %mul3A_1603, %add3A_1604 : i32
      %get3A_1606 = arith.index_cast %add3A_1605 : i32 to index
      %get3A_1607 = memref.load %arg6[%get3A_1606] : memref<512xi32, #tpu.memory_space<smem>>
      %add3A_1608 = arith.addi %get3A_1607, %mul3A_23 : i32
      %add3A_1609 = arith.constant 24 : i32
      %add3A_1610 = arith.addi %mul3A_25, %add3A_1609 : i32
      %add3A_1611 = arith.constant 5 : i32
      %add3A_1612 = arith.addi %add3A_1610, %add3A_1611 : i32
      %dma_start3A_1613 = arith.constant 0 : i32
      %dma_start3A_1614 = tpu.memref_slice %arg7[%add3A_1612, %dma_start3A_1613] : memref<512x2048xf32, #tpu.memory_space<vmem_shared>> -> memref<1x2048xf32, #tpu.memory_space<vmem_shared>>
      %dma_start3A_1615 = arith.constant 0 : i32
      %dma_start3A_1616 = tpu.memref_slice %arg2[%add3A_1608, %dma_start3A_1615] : memref<16384x2048xf32, #tpu.memory_space<hbm>> -> memref<1x2048xf32, #tpu.memory_space<hbm>>
      tpu.enqueue_dma source(%dma_start3A_1616 : memref<1x2048xf32, #tpu.memory_space<hbm>>) target(%dma_start3A_1614 : memref<1x2048xf32, #tpu.memory_space<vmem_shared>>) target_semaphore(%arg11 : memref<!tpu.dma_semaphore, #tpu.memory_space<semaphore_mem>>)
      %mul3A_1617 = arith.constant 8 : i32
      %mul3A_1618 = arith.muli %add3A_1526, %mul3A_1617 : i32
      %add3A_1619 = arith.constant 6 : i32
      %add3A_1620 = arith.addi %mul3A_1618, %add3A_1619 : i32
      %get3A_1621 = arith.index_cast %add3A_1620 : i32 to index
      %get3A_1622 = memref.load %arg6[%get3A_1621] : memref<512xi32, #tpu.memory_space<smem>>
      %add3A_1623 = arith.addi %get3A_1622, %mul3A_23 : i32
      %add3A_1624 = arith.constant 24 : i32
      %add3A_1625 = arith.addi %mul3A_25, %add3A_1624 : i32
      %add3A_1626 = arith.constant 6 : i32
      %add3A_1627 = arith.addi %add3A_1625, %add3A_1626 : i32
      %dma_start3A_1628 = arith.constant 0 : i32
      %dma_start3A_1629 = tpu.memref_slice %arg7[%add3A_1627, %dma_start3A_1628] : memref<512x2048xf32, #tpu.memory_space<vmem_shared>> -> memref<1x2048xf32, #tpu.memory_space<vmem_shared>>
      %dma_start3A_1630 = arith.constant 0 : i32
      %dma_start3A_1631 = tpu.memref_slice %arg2[%add3A_1623, %dma_start3A_1630] : memref<16384x2048xf32, #tpu.memory_space<hbm>> -> memref<1x2048xf32, #tpu.memory_space<hbm>>
      tpu.enqueue_dma source(%dma_start3A_1631 : memref<1x2048xf32, #tpu.memory_space<hbm>>) target(%dma_start3A_1629 : memref<1x2048xf32, #tpu.memory_space<vmem_shared>>) target_semaphore(%arg11 : memref<!tpu.dma_semaphore, #tpu.memory_space<semaphore_mem>>)
      %mul3A_1632 = arith.constant 8 : i32
      %mul3A_1633 = arith.muli %add3A_1526, %mul3A_1632 : i32
      %add3A_1634 = arith.constant 7 : i32
      %add3A_1635 = arith.addi %mul3A_1633, %add3A_1634 : i32
      %get3A_1636 = arith.index_cast %add3A_1635 : i32 to index
      %get3A_1637 = memref.load %arg6[%get3A_1636] : memref<512xi32, #tpu.memory_space<smem>>
      %add3A_1638 = arith.addi %get3A_1637, %mul3A_23 : i32
      %add3A_1639 = arith.constant 24 : i32
      %add3A_1640 = arith.addi %mul3A_25, %add3A_1639 : i32
      %add3A_1641 = arith.constant 7 : i32
      %add3A_1642 = arith.addi %add3A_1640, %add3A_1641 : i32
      %dma_start3A_1643 = arith.constant 0 : i32
      %dma_start3A_1644 = tpu.memref_slice %arg7[%add3A_1642, %dma_start3A_1643] : memref<512x2048xf32, #tpu.memory_space<vmem_shared>> -> memref<1x2048xf32, #tpu.memory_space<vmem_shared>>
      %dma_start3A_1645 = arith.constant 0 : i32
      %dma_start3A_1646 = tpu.memref_slice %arg2[%add3A_1638, %dma_start3A_1645] : memref<16384x2048xf32, #tpu.memory_space<hbm>> -> memref<1x2048xf32, #tpu.memory_space<hbm>>
      tpu.enqueue_dma source(%dma_start3A_1646 : memref<1x2048xf32, #tpu.memory_space<hbm>>) target(%dma_start3A_1644 : memref<1x2048xf32, #tpu.memory_space<vmem_shared>>) target_semaphore(%arg11 : memref<!tpu.dma_semaphore, #tpu.memory_space<semaphore_mem>>)
    }
    %scan3A_412 = arith.constant 15 : i32
    %add3A_413 = arith.constant 0 : i32
    %add3A_414 = arith.addi %mul3A_25, %add3A_413 : i32
    %add3A_415 = arith.constant 0 : i32
    %add3A_416 = arith.addi %add3A_414, %add3A_415 : i32
    %dma_wait3A = arith.constant 0 : i32
    %dma_wait3A_417 = tpu.memref_slice %arg7[%add3A_416, %dma_wait3A] : memref<512x2048xf32, #tpu.memory_space<vmem_shared>> -> memref<1x2048xf32, #tpu.memory_space<vmem_shared>>
    %dma_wait3A_418 = arith.constant 0 : i32
    %dma_wait3A_419 = arith.constant 0 : i32
    %dma_wait3A_420 = tpu.memref_slice %arg2[%dma_wait3A_418, %dma_wait3A_419] : memref<16384x2048xf32, #tpu.memory_space<hbm>> -> memref<1x2048xf32, #tpu.memory_space<hbm>>
    tpu.wait_dma2 semaphore(%arg8 : memref<!tpu.dma_semaphore, #tpu.memory_space<semaphore_mem>>) src(%dma_wait3A_420 : memref<1x2048xf32, #tpu.memory_space<hbm>>) dst(%dma_wait3A_417 : memref<1x2048xf32, #tpu.memory_space<vmem_shared>>)
    %add3A_421 = arith.constant 0 : i32
    %add3A_422 = arith.addi %mul3A_25, %add3A_421 : i32
    %add3A_423 = arith.constant 1 : i32
    %add3A_424 = arith.addi %add3A_422, %add3A_423 : i32
    %dma_wait3A_425 = arith.constant 0 : i32
    %dma_wait3A_426 = tpu.memref_slice %arg7[%add3A_424, %dma_wait3A_425] : memref<512x2048xf32, #tpu.memory_space<vmem_shared>> -> memref<1x2048xf32, #tpu.memory_space<vmem_shared>>
    %dma_wait3A_427 = arith.constant 0 : i32
    %dma_wait3A_428 = arith.constant 0 : i32
    %dma_wait3A_429 = tpu.memref_slice %arg2[%dma_wait3A_427, %dma_wait3A_428] : memref<16384x2048xf32, #tpu.memory_space<hbm>> -> memref<1x2048xf32, #tpu.memory_space<hbm>>
    tpu.wait_dma2 semaphore(%arg8 : memref<!tpu.dma_semaphore, #tpu.memory_space<semaphore_mem>>) src(%dma_wait3A_429 : memref<1x2048xf32, #tpu.memory_space<hbm>>) dst(%dma_wait3A_426 : memref<1x2048xf32, #tpu.memory_space<vmem_shared>>)
    %add3A_430 = arith.constant 0 : i32
    %add3A_431 = arith.addi %mul3A_25, %add3A_430 : i32
    %add3A_432 = arith.constant 2 : i32
    %add3A_433 = arith.addi %add3A_431, %add3A_432 : i32
    %dma_wait3A_434 = arith.constant 0 : i32
    %dma_wait3A_435 = tpu.memref_slice %arg7[%add3A_433, %dma_wait3A_434] : memref<512x2048xf32, #tpu.memory_space<vmem_shared>> -> memref<1x2048xf32, #tpu.memory_space<vmem_shared>>
    %dma_wait3A_436 = arith.constant 0 : i32
    %dma_wait3A_437 = arith.constant 0 : i32
    %dma_wait3A_438 = tpu.memref_slice %arg2[%dma_wait3A_436, %dma_wait3A_437] : memref<16384x2048xf32, #tpu.memory_space<hbm>> -> memref<1x2048xf32, #tpu.memory_space<hbm>>
    tpu.wait_dma2 semaphore(%arg8 : memref<!tpu.dma_semaphore, #tpu.memory_space<semaphore_mem>>) src(%dma_wait3A_438 : memref<1x2048xf32, #tpu.memory_space<hbm>>) dst(%dma_wait3A_435 : memref<1x2048xf32, #tpu.memory_space<vmem_shared>>)
    %add3A_439 = arith.constant 0 : i32
    %add3A_440 = arith.addi %mul3A_25, %add3A_439 : i32
    %add3A_441 = arith.constant 3 : i32
    %add3A_442 = arith.addi %add3A_440, %add3A_441 : i32
    %dma_wait3A_443 = arith.constant 0 : i32
    %dma_wait3A_444 = tpu.memref_slice %arg7[%add3A_442, %dma_wait3A_443] : memref<512x2048xf32, #tpu.memory_space<vmem_shared>> -> memref<1x2048xf32, #tpu.memory_space<vmem_shared>>
    %dma_wait3A_445 = arith.constant 0 : i32
    %dma_wait3A_446 = arith.constant 0 : i32
    %dma_wait3A_447 = tpu.memref_slice %arg2[%dma_wait3A_445, %dma_wait3A_446] : memref<16384x2048xf32, #tpu.memory_space<hbm>> -> memref<1x2048xf32, #tpu.memory_space<hbm>>
    tpu.wait_dma2 semaphore(%arg8 : memref<!tpu.dma_semaphore, #tpu.memory_space<semaphore_mem>>) src(%dma_wait3A_447 : memref<1x2048xf32, #tpu.memory_space<hbm>>) dst(%dma_wait3A_444 : memref<1x2048xf32, #tpu.memory_space<vmem_shared>>)
    %add3A_448 = arith.constant 0 : i32
    %add3A_449 = arith.addi %mul3A_25, %add3A_448 : i32
    %add3A_450 = arith.constant 4 : i32
    %add3A_451 = arith.addi %add3A_449, %add3A_450 : i32
    %dma_wait3A_452 = arith.constant 0 : i32
    %dma_wait3A_453 = tpu.memref_slice %arg7[%add3A_451, %dma_wait3A_452] : memref<512x2048xf32, #tpu.memory_space<vmem_shared>> -> memref<1x2048xf32, #tpu.memory_space<vmem_shared>>
    %dma_wait3A_454 = arith.constant 0 : i32
    %dma_wait3A_455 = arith.constant 0 : i32
    %dma_wait3A_456 = tpu.memref_slice %arg2[%dma_wait3A_454, %dma_wait3A_455] : memref<16384x2048xf32, #tpu.memory_space<hbm>> -> memref<1x2048xf32, #tpu.memory_space<hbm>>
    tpu.wait_dma2 semaphore(%arg8 : memref<!tpu.dma_semaphore, #tpu.memory_space<semaphore_mem>>) src(%dma_wait3A_456 : memref<1x2048xf32, #tpu.memory_space<hbm>>) dst(%dma_wait3A_453 : memref<1x2048xf32, #tpu.memory_space<vmem_shared>>)
    %add3A_457 = arith.constant 0 : i32
    %add3A_458 = arith.addi %mul3A_25, %add3A_457 : i32
    %add3A_459 = arith.constant 5 : i32
    %add3A_460 = arith.addi %add3A_458, %add3A_459 : i32
    %dma_wait3A_461 = arith.constant 0 : i32
    %dma_wait3A_462 = tpu.memref_slice %arg7[%add3A_460, %dma_wait3A_461] : memref<512x2048xf32, #tpu.memory_space<vmem_shared>> -> memref<1x2048xf32, #tpu.memory_space<vmem_shared>>
    %dma_wait3A_463 = arith.constant 0 : i32
    %dma_wait3A_464 = arith.constant 0 : i32
    %dma_wait3A_465 = tpu.memref_slice %arg2[%dma_wait3A_463, %dma_wait3A_464] : memref<16384x2048xf32, #tpu.memory_space<hbm>> -> memref<1x2048xf32, #tpu.memory_space<hbm>>
    tpu.wait_dma2 semaphore(%arg8 : memref<!tpu.dma_semaphore, #tpu.memory_space<semaphore_mem>>) src(%dma_wait3A_465 : memref<1x2048xf32, #tpu.memory_space<hbm>>) dst(%dma_wait3A_462 : memref<1x2048xf32, #tpu.memory_space<vmem_shared>>)
    %add3A_466 = arith.constant 0 : i32
    %add3A_467 = arith.addi %mul3A_25, %add3A_466 : i32
    %add3A_468 = arith.constant 6 : i32
    %add3A_469 = arith.addi %add3A_467, %add3A_468 : i32
    %dma_wait3A_470 = arith.constant 0 : i32
    %dma_wait3A_471 = tpu.memref_slice %arg7[%add3A_469, %dma_wait3A_470] : memref<512x2048xf32, #tpu.memory_space<vmem_shared>> -> memref<1x2048xf32, #tpu.memory_space<vmem_shared>>
    %dma_wait3A_472 = arith.constant 0 : i32
    %dma_wait3A_473 = arith.constant 0 : i32
    %dma_wait3A_474 = tpu.memref_slice %arg2[%dma_wait3A_472, %dma_wait3A_473] : memref<16384x2048xf32, #tpu.memory_space<hbm>> -> memref<1x2048xf32, #tpu.memory_space<hbm>>
    tpu.wait_dma2 semaphore(%arg8 : memref<!tpu.dma_semaphore, #tpu.memory_space<semaphore_mem>>) src(%dma_wait3A_474 : memref<1x2048xf32, #tpu.memory_space<hbm>>) dst(%dma_wait3A_471 : memref<1x2048xf32, #tpu.memory_space<vmem_shared>>)
    %add3A_475 = arith.constant 0 : i32
    %add3A_476 = arith.addi %mul3A_25, %add3A_475 : i32
    %add3A_477 = arith.constant 7 : i32
    %add3A_478 = arith.addi %add3A_476, %add3A_477 : i32
    %dma_wait3A_479 = arith.constant 0 : i32
    %dma_wait3A_480 = tpu.memref_slice %arg7[%add3A_478, %dma_wait3A_479] : memref<512x2048xf32, #tpu.memory_space<vmem_shared>> -> memref<1x2048xf32, #tpu.memory_space<vmem_shared>>
    %dma_wait3A_481 = arith.constant 0 : i32
    %dma_wait3A_482 = arith.constant 0 : i32
    %dma_wait3A_483 = tpu.memref_slice %arg2[%dma_wait3A_481, %dma_wait3A_482] : memref<16384x2048xf32, #tpu.memory_space<hbm>> -> memref<1x2048xf32, #tpu.memory_space<hbm>>
    tpu.wait_dma2 semaphore(%arg8 : memref<!tpu.dma_semaphore, #tpu.memory_space<semaphore_mem>>) src(%dma_wait3A_483 : memref<1x2048xf32, #tpu.memory_space<hbm>>) dst(%dma_wait3A_480 : memref<1x2048xf32, #tpu.memory_space<vmem_shared>>)
    %add3A_484 = arith.constant 0 : i32
    %add3A_485 = arith.addi %mul3A_25, %add3A_484 : i32
    %add3A_486 = arith.constant 480 : i32
    %add3A_487 = arith.addi %mul3A_2, %add3A_486 : i32
    %dma_start3A_488 = arith.constant 0 : i32
    %dma_start3A_489 = tpu.memref_slice %arg4[%add3A_487, %dma_start3A_488] : memref<16384x2048xf32, #tpu.memory_space<hbm>> -> memref<8x2048xf32, #tpu.memory_space<hbm>>
    %dma_start3A_490 = arith.constant 0 : i32
    %dma_start3A_491 = tpu.memref_slice %arg7[%add3A_485, %dma_start3A_490] : memref<512x2048xf32, #tpu.memory_space<vmem_shared>> -> memref<8x2048xf32, #tpu.memory_space<vmem_shared>>
    tpu.enqueue_dma source(%dma_start3A_491 : memref<8x2048xf32, #tpu.memory_space<vmem_shared>>) target(%dma_start3A_489 : memref<8x2048xf32, #tpu.memory_space<hbm>>) target_semaphore(%arg12 : memref<!tpu.dma_semaphore, #tpu.memory_space<semaphore_mem>>)
    %add3A_492 = arith.constant 8 : i32
    %add3A_493 = arith.addi %mul3A_25, %add3A_492 : i32
    %add3A_494 = arith.constant 0 : i32
    %add3A_495 = arith.addi %add3A_493, %add3A_494 : i32
    %dma_wait3A_496 = arith.constant 0 : i32
    %dma_wait3A_497 = tpu.memref_slice %arg7[%add3A_495, %dma_wait3A_496] : memref<512x2048xf32, #tpu.memory_space<vmem_shared>> -> memref<1x2048xf32, #tpu.memory_space<vmem_shared>>
    %dma_wait3A_498 = arith.constant 0 : i32
    %dma_wait3A_499 = arith.constant 0 : i32
    %dma_wait3A_500 = tpu.memref_slice %arg2[%dma_wait3A_498, %dma_wait3A_499] : memref<16384x2048xf32, #tpu.memory_space<hbm>> -> memref<1x2048xf32, #tpu.memory_space<hbm>>
    tpu.wait_dma2 semaphore(%arg9 : memref<!tpu.dma_semaphore, #tpu.memory_space<semaphore_mem>>) src(%dma_wait3A_500 : memref<1x2048xf32, #tpu.memory_space<hbm>>) dst(%dma_wait3A_497 : memref<1x2048xf32, #tpu.memory_space<vmem_shared>>)
    %add3A_501 = arith.constant 8 : i32
    %add3A_502 = arith.addi %mul3A_25, %add3A_501 : i32
    %add3A_503 = arith.constant 1 : i32
    %add3A_504 = arith.addi %add3A_502, %add3A_503 : i32
    %dma_wait3A_505 = arith.constant 0 : i32
    %dma_wait3A_506 = tpu.memref_slice %arg7[%add3A_504, %dma_wait3A_505] : memref<512x2048xf32, #tpu.memory_space<vmem_shared>> -> memref<1x2048xf32, #tpu.memory_space<vmem_shared>>
    %dma_wait3A_507 = arith.constant 0 : i32
    %dma_wait3A_508 = arith.constant 0 : i32
    %dma_wait3A_509 = tpu.memref_slice %arg2[%dma_wait3A_507, %dma_wait3A_508] : memref<16384x2048xf32, #tpu.memory_space<hbm>> -> memref<1x2048xf32, #tpu.memory_space<hbm>>
    tpu.wait_dma2 semaphore(%arg9 : memref<!tpu.dma_semaphore, #tpu.memory_space<semaphore_mem>>) src(%dma_wait3A_509 : memref<1x2048xf32, #tpu.memory_space<hbm>>) dst(%dma_wait3A_506 : memref<1x2048xf32, #tpu.memory_space<vmem_shared>>)
    %add3A_510 = arith.constant 8 : i32
    %add3A_511 = arith.addi %mul3A_25, %add3A_510 : i32
    %add3A_512 = arith.constant 2 : i32
    %add3A_513 = arith.addi %add3A_511, %add3A_512 : i32
    %dma_wait3A_514 = arith.constant 0 : i32
    %dma_wait3A_515 = tpu.memref_slice %arg7[%add3A_513, %dma_wait3A_514] : memref<512x2048xf32, #tpu.memory_space<vmem_shared>> -> memref<1x2048xf32, #tpu.memory_space<vmem_shared>>
    %dma_wait3A_516 = arith.constant 0 : i32
    %dma_wait3A_517 = arith.constant 0 : i32
    %dma_wait3A_518 = tpu.memref_slice %arg2[%dma_wait3A_516, %dma_wait3A_517] : memref<16384x2048xf32, #tpu.memory_space<hbm>> -> memref<1x2048xf32, #tpu.memory_space<hbm>>
    tpu.wait_dma2 semaphore(%arg9 : memref<!tpu.dma_semaphore, #tpu.memory_space<semaphore_mem>>) src(%dma_wait3A_518 : memref<1x2048xf32, #tpu.memory_space<hbm>>) dst(%dma_wait3A_515 : memref<1x2048xf32, #tpu.memory_space<vmem_shared>>)
    %add3A_519 = arith.constant 8 : i32
    %add3A_520 = arith.addi %mul3A_25, %add3A_519 : i32
    %add3A_521 = arith.constant 3 : i32
    %add3A_522 = arith.addi %add3A_520, %add3A_521 : i32
    %dma_wait3A_523 = arith.constant 0 : i32
    %dma_wait3A_524 = tpu.memref_slice %arg7[%add3A_522, %dma_wait3A_523] : memref<512x2048xf32, #tpu.memory_space<vmem_shared>> -> memref<1x2048xf32, #tpu.memory_space<vmem_shared>>
    %dma_wait3A_525 = arith.constant 0 : i32
    %dma_wait3A_526 = arith.constant 0 : i32
    %dma_wait3A_527 = tpu.memref_slice %arg2[%dma_wait3A_525, %dma_wait3A_526] : memref<16384x2048xf32, #tpu.memory_space<hbm>> -> memref<1x2048xf32, #tpu.memory_space<hbm>>
    tpu.wait_dma2 semaphore(%arg9 : memref<!tpu.dma_semaphore, #tpu.memory_space<semaphore_mem>>) src(%dma_wait3A_527 : memref<1x2048xf32, #tpu.memory_space<hbm>>) dst(%dma_wait3A_524 : memref<1x2048xf32, #tpu.memory_space<vmem_shared>>)
    %add3A_528 = arith.constant 8 : i32
    %add3A_529 = arith.addi %mul3A_25, %add3A_528 : i32
    %add3A_530 = arith.constant 4 : i32
    %add3A_531 = arith.addi %add3A_529, %add3A_530 : i32
    %dma_wait3A_532 = arith.constant 0 : i32
    %dma_wait3A_533 = tpu.memref_slice %arg7[%add3A_531, %dma_wait3A_532] : memref<512x2048xf32, #tpu.memory_space<vmem_shared>> -> memref<1x2048xf32, #tpu.memory_space<vmem_shared>>
    %dma_wait3A_534 = arith.constant 0 : i32
    %dma_wait3A_535 = arith.constant 0 : i32
    %dma_wait3A_536 = tpu.memref_slice %arg2[%dma_wait3A_534, %dma_wait3A_535] : memref<16384x2048xf32, #tpu.memory_space<hbm>> -> memref<1x2048xf32, #tpu.memory_space<hbm>>
    tpu.wait_dma2 semaphore(%arg9 : memref<!tpu.dma_semaphore, #tpu.memory_space<semaphore_mem>>) src(%dma_wait3A_536 : memref<1x2048xf32, #tpu.memory_space<hbm>>) dst(%dma_wait3A_533 : memref<1x2048xf32, #tpu.memory_space<vmem_shared>>)
    %add3A_537 = arith.constant 8 : i32
    %add3A_538 = arith.addi %mul3A_25, %add3A_537 : i32
    %add3A_539 = arith.constant 5 : i32
    %add3A_540 = arith.addi %add3A_538, %add3A_539 : i32
    %dma_wait3A_541 = arith.constant 0 : i32
    %dma_wait3A_542 = tpu.memref_slice %arg7[%add3A_540, %dma_wait3A_541] : memref<512x2048xf32, #tpu.memory_space<vmem_shared>> -> memref<1x2048xf32, #tpu.memory_space<vmem_shared>>
    %dma_wait3A_543 = arith.constant 0 : i32
    %dma_wait3A_544 = arith.constant 0 : i32
    %dma_wait3A_545 = tpu.memref_slice %arg2[%dma_wait3A_543, %dma_wait3A_544] : memref<16384x2048xf32, #tpu.memory_space<hbm>> -> memref<1x2048xf32, #tpu.memory_space<hbm>>
    tpu.wait_dma2 semaphore(%arg9 : memref<!tpu.dma_semaphore, #tpu.memory_space<semaphore_mem>>) src(%dma_wait3A_545 : memref<1x2048xf32, #tpu.memory_space<hbm>>) dst(%dma_wait3A_542 : memref<1x2048xf32, #tpu.memory_space<vmem_shared>>)
    %add3A_546 = arith.constant 8 : i32
    %add3A_547 = arith.addi %mul3A_25, %add3A_546 : i32
    %add3A_548 = arith.constant 6 : i32
    %add3A_549 = arith.addi %add3A_547, %add3A_548 : i32
    %dma_wait3A_550 = arith.constant 0 : i32
    %dma_wait3A_551 = tpu.memref_slice %arg7[%add3A_549, %dma_wait3A_550] : memref<512x2048xf32, #tpu.memory_space<vmem_shared>> -> memref<1x2048xf32, #tpu.memory_space<vmem_shared>>
    %dma_wait3A_552 = arith.constant 0 : i32
    %dma_wait3A_553 = arith.constant 0 : i32
    %dma_wait3A_554 = tpu.memref_slice %arg2[%dma_wait3A_552, %dma_wait3A_553] : memref<16384x2048xf32, #tpu.memory_space<hbm>> -> memref<1x2048xf32, #tpu.memory_space<hbm>>
    tpu.wait_dma2 semaphore(%arg9 : memref<!tpu.dma_semaphore, #tpu.memory_space<semaphore_mem>>) src(%dma_wait3A_554 : memref<1x2048xf32, #tpu.memory_space<hbm>>) dst(%dma_wait3A_551 : memref<1x2048xf32, #tpu.memory_space<vmem_shared>>)
    %add3A_555 = arith.constant 8 : i32
    %add3A_556 = arith.addi %mul3A_25, %add3A_555 : i32
    %add3A_557 = arith.constant 7 : i32
    %add3A_558 = arith.addi %add3A_556, %add3A_557 : i32
    %dma_wait3A_559 = arith.constant 0 : i32
    %dma_wait3A_560 = tpu.memref_slice %arg7[%add3A_558, %dma_wait3A_559] : memref<512x2048xf32, #tpu.memory_space<vmem_shared>> -> memref<1x2048xf32, #tpu.memory_space<vmem_shared>>
    %dma_wait3A_561 = arith.constant 0 : i32
    %dma_wait3A_562 = arith.constant 0 : i32
    %dma_wait3A_563 = tpu.memref_slice %arg2[%dma_wait3A_561, %dma_wait3A_562] : memref<16384x2048xf32, #tpu.memory_space<hbm>> -> memref<1x2048xf32, #tpu.memory_space<hbm>>
    tpu.wait_dma2 semaphore(%arg9 : memref<!tpu.dma_semaphore, #tpu.memory_space<semaphore_mem>>) src(%dma_wait3A_563 : memref<1x2048xf32, #tpu.memory_space<hbm>>) dst(%dma_wait3A_560 : memref<1x2048xf32, #tpu.memory_space<vmem_shared>>)
    %add3A_564 = arith.constant 8 : i32
    %add3A_565 = arith.addi %mul3A_25, %add3A_564 : i32
    %add3A_566 = arith.constant 488 : i32
    %add3A_567 = arith.addi %mul3A_2, %add3A_566 : i32
    %dma_start3A_568 = arith.constant 0 : i32
    %dma_start3A_569 = tpu.memref_slice %arg4[%add3A_567, %dma_start3A_568] : memref<16384x2048xf32, #tpu.memory_space<hbm>> -> memref<8x2048xf32, #tpu.memory_space<hbm>>
    %dma_start3A_570 = arith.constant 0 : i32
    %dma_start3A_571 = tpu.memref_slice %arg7[%add3A_565, %dma_start3A_570] : memref<512x2048xf32, #tpu.memory_space<vmem_shared>> -> memref<8x2048xf32, #tpu.memory_space<vmem_shared>>
    tpu.enqueue_dma source(%dma_start3A_571 : memref<8x2048xf32, #tpu.memory_space<vmem_shared>>) target(%dma_start3A_569 : memref<8x2048xf32, #tpu.memory_space<hbm>>) target_semaphore(%arg13 : memref<!tpu.dma_semaphore, #tpu.memory_space<semaphore_mem>>)
    %add3A_572 = arith.constant 16 : i32
    %add3A_573 = arith.addi %mul3A_25, %add3A_572 : i32
    %add3A_574 = arith.constant 0 : i32
    %add3A_575 = arith.addi %add3A_573, %add3A_574 : i32
    %dma_wait3A_576 = arith.constant 0 : i32
    %dma_wait3A_577 = tpu.memref_slice %arg7[%add3A_575, %dma_wait3A_576] : memref<512x2048xf32, #tpu.memory_space<vmem_shared>> -> memref<1x2048xf32, #tpu.memory_space<vmem_shared>>
    %dma_wait3A_578 = arith.constant 0 : i32
    %dma_wait3A_579 = arith.constant 0 : i32
    %dma_wait3A_580 = tpu.memref_slice %arg2[%dma_wait3A_578, %dma_wait3A_579] : memref<16384x2048xf32, #tpu.memory_space<hbm>> -> memref<1x2048xf32, #tpu.memory_space<hbm>>
    tpu.wait_dma2 semaphore(%arg10 : memref<!tpu.dma_semaphore, #tpu.memory_space<semaphore_mem>>) src(%dma_wait3A_580 : memref<1x2048xf32, #tpu.memory_space<hbm>>) dst(%dma_wait3A_577 : memref<1x2048xf32, #tpu.memory_space<vmem_shared>>)
    %add3A_581 = arith.constant 16 : i32
    %add3A_582 = arith.addi %mul3A_25, %add3A_581 : i32
    %add3A_583 = arith.constant 1 : i32
    %add3A_584 = arith.addi %add3A_582, %add3A_583 : i32
    %dma_wait3A_585 = arith.constant 0 : i32
    %dma_wait3A_586 = tpu.memref_slice %arg7[%add3A_584, %dma_wait3A_585] : memref<512x2048xf32, #tpu.memory_space<vmem_shared>> -> memref<1x2048xf32, #tpu.memory_space<vmem_shared>>
    %dma_wait3A_587 = arith.constant 0 : i32
    %dma_wait3A_588 = arith.constant 0 : i32
    %dma_wait3A_589 = tpu.memref_slice %arg2[%dma_wait3A_587, %dma_wait3A_588] : memref<16384x2048xf32, #tpu.memory_space<hbm>> -> memref<1x2048xf32, #tpu.memory_space<hbm>>
    tpu.wait_dma2 semaphore(%arg10 : memref<!tpu.dma_semaphore, #tpu.memory_space<semaphore_mem>>) src(%dma_wait3A_589 : memref<1x2048xf32, #tpu.memory_space<hbm>>) dst(%dma_wait3A_586 : memref<1x2048xf32, #tpu.memory_space<vmem_shared>>)
    %add3A_590 = arith.constant 16 : i32
    %add3A_591 = arith.addi %mul3A_25, %add3A_590 : i32
    %add3A_592 = arith.constant 2 : i32
    %add3A_593 = arith.addi %add3A_591, %add3A_592 : i32
    %dma_wait3A_594 = arith.constant 0 : i32
    %dma_wait3A_595 = tpu.memref_slice %arg7[%add3A_593, %dma_wait3A_594] : memref<512x2048xf32, #tpu.memory_space<vmem_shared>> -> memref<1x2048xf32, #tpu.memory_space<vmem_shared>>
    %dma_wait3A_596 = arith.constant 0 : i32
    %dma_wait3A_597 = arith.constant 0 : i32
    %dma_wait3A_598 = tpu.memref_slice %arg2[%dma_wait3A_596, %dma_wait3A_597] : memref<16384x2048xf32, #tpu.memory_space<hbm>> -> memref<1x2048xf32, #tpu.memory_space<hbm>>
    tpu.wait_dma2 semaphore(%arg10 : memref<!tpu.dma_semaphore, #tpu.memory_space<semaphore_mem>>) src(%dma_wait3A_598 : memref<1x2048xf32, #tpu.memory_space<hbm>>) dst(%dma_wait3A_595 : memref<1x2048xf32, #tpu.memory_space<vmem_shared>>)
    %add3A_599 = arith.constant 16 : i32
    %add3A_600 = arith.addi %mul3A_25, %add3A_599 : i32
    %add3A_601 = arith.constant 3 : i32
    %add3A_602 = arith.addi %add3A_600, %add3A_601 : i32
    %dma_wait3A_603 = arith.constant 0 : i32
    %dma_wait3A_604 = tpu.memref_slice %arg7[%add3A_602, %dma_wait3A_603] : memref<512x2048xf32, #tpu.memory_space<vmem_shared>> -> memref<1x2048xf32, #tpu.memory_space<vmem_shared>>
    %dma_wait3A_605 = arith.constant 0 : i32
    %dma_wait3A_606 = arith.constant 0 : i32
    %dma_wait3A_607 = tpu.memref_slice %arg2[%dma_wait3A_605, %dma_wait3A_606] : memref<16384x2048xf32, #tpu.memory_space<hbm>> -> memref<1x2048xf32, #tpu.memory_space<hbm>>
    tpu.wait_dma2 semaphore(%arg10 : memref<!tpu.dma_semaphore, #tpu.memory_space<semaphore_mem>>) src(%dma_wait3A_607 : memref<1x2048xf32, #tpu.memory_space<hbm>>) dst(%dma_wait3A_604 : memref<1x2048xf32, #tpu.memory_space<vmem_shared>>)
    %add3A_608 = arith.constant 16 : i32
    %add3A_609 = arith.addi %mul3A_25, %add3A_608 : i32
    %add3A_610 = arith.constant 4 : i32
    %add3A_611 = arith.addi %add3A_609, %add3A_610 : i32
    %dma_wait3A_612 = arith.constant 0 : i32
    %dma_wait3A_613 = tpu.memref_slice %arg7[%add3A_611, %dma_wait3A_612] : memref<512x2048xf32, #tpu.memory_space<vmem_shared>> -> memref<1x2048xf32, #tpu.memory_space<vmem_shared>>
    %dma_wait3A_614 = arith.constant 0 : i32
    %dma_wait3A_615 = arith.constant 0 : i32
    %dma_wait3A_616 = tpu.memref_slice %arg2[%dma_wait3A_614, %dma_wait3A_615] : memref<16384x2048xf32, #tpu.memory_space<hbm>> -> memref<1x2048xf32, #tpu.memory_space<hbm>>
    tpu.wait_dma2 semaphore(%arg10 : memref<!tpu.dma_semaphore, #tpu.memory_space<semaphore_mem>>) src(%dma_wait3A_616 : memref<1x2048xf32, #tpu.memory_space<hbm>>) dst(%dma_wait3A_613 : memref<1x2048xf32, #tpu.memory_space<vmem_shared>>)
    %add3A_617 = arith.constant 16 : i32
    %add3A_618 = arith.addi %mul3A_25, %add3A_617 : i32
    %add3A_619 = arith.constant 5 : i32
    %add3A_620 = arith.addi %add3A_618, %add3A_619 : i32
    %dma_wait3A_621 = arith.constant 0 : i32
    %dma_wait3A_622 = tpu.memref_slice %arg7[%add3A_620, %dma_wait3A_621] : memref<512x2048xf32, #tpu.memory_space<vmem_shared>> -> memref<1x2048xf32, #tpu.memory_space<vmem_shared>>
    %dma_wait3A_623 = arith.constant 0 : i32
    %dma_wait3A_624 = arith.constant 0 : i32
    %dma_wait3A_625 = tpu.memref_slice %arg2[%dma_wait3A_623, %dma_wait3A_624] : memref<16384x2048xf32, #tpu.memory_space<hbm>> -> memref<1x2048xf32, #tpu.memory_space<hbm>>
    tpu.wait_dma2 semaphore(%arg10 : memref<!tpu.dma_semaphore, #tpu.memory_space<semaphore_mem>>) src(%dma_wait3A_625 : memref<1x2048xf32, #tpu.memory_space<hbm>>) dst(%dma_wait3A_622 : memref<1x2048xf32, #tpu.memory_space<vmem_shared>>)
    %add3A_626 = arith.constant 16 : i32
    %add3A_627 = arith.addi %mul3A_25, %add3A_626 : i32
    %add3A_628 = arith.constant 6 : i32
    %add3A_629 = arith.addi %add3A_627, %add3A_628 : i32
    %dma_wait3A_630 = arith.constant 0 : i32
    %dma_wait3A_631 = tpu.memref_slice %arg7[%add3A_629, %dma_wait3A_630] : memref<512x2048xf32, #tpu.memory_space<vmem_shared>> -> memref<1x2048xf32, #tpu.memory_space<vmem_shared>>
    %dma_wait3A_632 = arith.constant 0 : i32
    %dma_wait3A_633 = arith.constant 0 : i32
    %dma_wait3A_634 = tpu.memref_slice %arg2[%dma_wait3A_632, %dma_wait3A_633] : memref<16384x2048xf32, #tpu.memory_space<hbm>> -> memref<1x2048xf32, #tpu.memory_space<hbm>>
    tpu.wait_dma2 semaphore(%arg10 : memref<!tpu.dma_semaphore, #tpu.memory_space<semaphore_mem>>) src(%dma_wait3A_634 : memref<1x2048xf32, #tpu.memory_space<hbm>>) dst(%dma_wait3A_631 : memref<1x2048xf32, #tpu.memory_space<vmem_shared>>)
    %add3A_635 = arith.constant 16 : i32
    %add3A_636 = arith.addi %mul3A_25, %add3A_635 : i32
    %add3A_637 = arith.constant 7 : i32
    %add3A_638 = arith.addi %add3A_636, %add3A_637 : i32
    %dma_wait3A_639 = arith.constant 0 : i32
    %dma_wait3A_640 = tpu.memref_slice %arg7[%add3A_638, %dma_wait3A_639] : memref<512x2048xf32, #tpu.memory_space<vmem_shared>> -> memref<1x2048xf32, #tpu.memory_space<vmem_shared>>
    %dma_wait3A_641 = arith.constant 0 : i32
    %dma_wait3A_642 = arith.constant 0 : i32
    %dma_wait3A_643 = tpu.memref_slice %arg2[%dma_wait3A_641, %dma_wait3A_642] : memref<16384x2048xf32, #tpu.memory_space<hbm>> -> memref<1x2048xf32, #tpu.memory_space<hbm>>
    tpu.wait_dma2 semaphore(%arg10 : memref<!tpu.dma_semaphore, #tpu.memory_space<semaphore_mem>>) src(%dma_wait3A_643 : memref<1x2048xf32, #tpu.memory_space<hbm>>) dst(%dma_wait3A_640 : memref<1x2048xf32, #tpu.memory_space<vmem_shared>>)
    %add3A_644 = arith.constant 16 : i32
    %add3A_645 = arith.addi %mul3A_25, %add3A_644 : i32
    %add3A_646 = arith.constant 496 : i32
    %add3A_647 = arith.addi %mul3A_2, %add3A_646 : i32
    %dma_start3A_648 = arith.constant 0 : i32
    %dma_start3A_649 = tpu.memref_slice %arg4[%add3A_647, %dma_start3A_648] : memref<16384x2048xf32, #tpu.memory_space<hbm>> -> memref<8x2048xf32, #tpu.memory_space<hbm>>
    %dma_start3A_650 = arith.constant 0 : i32
    %dma_start3A_651 = tpu.memref_slice %arg7[%add3A_645, %dma_start3A_650] : memref<512x2048xf32, #tpu.memory_space<vmem_shared>> -> memref<8x2048xf32, #tpu.memory_space<vmem_shared>>
    tpu.enqueue_dma source(%dma_start3A_651 : memref<8x2048xf32, #tpu.memory_space<vmem_shared>>) target(%dma_start3A_649 : memref<8x2048xf32, #tpu.memory_space<hbm>>) target_semaphore(%arg14 : memref<!tpu.dma_semaphore, #tpu.memory_space<semaphore_mem>>)
    %add3A_652 = arith.constant 24 : i32
    %add3A_653 = arith.addi %mul3A_25, %add3A_652 : i32
    %add3A_654 = arith.constant 0 : i32
    %add3A_655 = arith.addi %add3A_653, %add3A_654 : i32
    %dma_wait3A_656 = arith.constant 0 : i32
    %dma_wait3A_657 = tpu.memref_slice %arg7[%add3A_655, %dma_wait3A_656] : memref<512x2048xf32, #tpu.memory_space<vmem_shared>> -> memref<1x2048xf32, #tpu.memory_space<vmem_shared>>
    %dma_wait3A_658 = arith.constant 0 : i32
    %dma_wait3A_659 = arith.constant 0 : i32
    %dma_wait3A_660 = tpu.memref_slice %arg2[%dma_wait3A_658, %dma_wait3A_659] : memref<16384x2048xf32, #tpu.memory_space<hbm>> -> memref<1x2048xf32, #tpu.memory_space<hbm>>
    tpu.wait_dma2 semaphore(%arg11 : memref<!tpu.dma_semaphore, #tpu.memory_space<semaphore_mem>>) src(%dma_wait3A_660 : memref<1x2048xf32, #tpu.memory_space<hbm>>) dst(%dma_wait3A_657 : memref<1x2048xf32, #tpu.memory_space<vmem_shared>>)
    %add3A_661 = arith.constant 24 : i32
    %add3A_662 = arith.addi %mul3A_25, %add3A_661 : i32
    %add3A_663 = arith.constant 1 : i32
    %add3A_664 = arith.addi %add3A_662, %add3A_663 : i32
    %dma_wait3A_665 = arith.constant 0 : i32
    %dma_wait3A_666 = tpu.memref_slice %arg7[%add3A_664, %dma_wait3A_665] : memref<512x2048xf32, #tpu.memory_space<vmem_shared>> -> memref<1x2048xf32, #tpu.memory_space<vmem_shared>>
    %dma_wait3A_667 = arith.constant 0 : i32
    %dma_wait3A_668 = arith.constant 0 : i32
    %dma_wait3A_669 = tpu.memref_slice %arg2[%dma_wait3A_667, %dma_wait3A_668] : memref<16384x2048xf32, #tpu.memory_space<hbm>> -> memref<1x2048xf32, #tpu.memory_space<hbm>>
    tpu.wait_dma2 semaphore(%arg11 : memref<!tpu.dma_semaphore, #tpu.memory_space<semaphore_mem>>) src(%dma_wait3A_669 : memref<1x2048xf32, #tpu.memory_space<hbm>>) dst(%dma_wait3A_666 : memref<1x2048xf32, #tpu.memory_space<vmem_shared>>)
    %add3A_670 = arith.constant 24 : i32
    %add3A_671 = arith.addi %mul3A_25, %add3A_670 : i32
    %add3A_672 = arith.constant 2 : i32
    %add3A_673 = arith.addi %add3A_671, %add3A_672 : i32
    %dma_wait3A_674 = arith.constant 0 : i32
    %dma_wait3A_675 = tpu.memref_slice %arg7[%add3A_673, %dma_wait3A_674] : memref<512x2048xf32, #tpu.memory_space<vmem_shared>> -> memref<1x2048xf32, #tpu.memory_space<vmem_shared>>
    %dma_wait3A_676 = arith.constant 0 : i32
    %dma_wait3A_677 = arith.constant 0 : i32
    %dma_wait3A_678 = tpu.memref_slice %arg2[%dma_wait3A_676, %dma_wait3A_677] : memref<16384x2048xf32, #tpu.memory_space<hbm>> -> memref<1x2048xf32, #tpu.memory_space<hbm>>
    tpu.wait_dma2 semaphore(%arg11 : memref<!tpu.dma_semaphore, #tpu.memory_space<semaphore_mem>>) src(%dma_wait3A_678 : memref<1x2048xf32, #tpu.memory_space<hbm>>) dst(%dma_wait3A_675 : memref<1x2048xf32, #tpu.memory_space<vmem_shared>>)
    %add3A_679 = arith.constant 24 : i32
    %add3A_680 = arith.addi %mul3A_25, %add3A_679 : i32
    %add3A_681 = arith.constant 3 : i32
    %add3A_682 = arith.addi %add3A_680, %add3A_681 : i32
    %dma_wait3A_683 = arith.constant 0 : i32
    %dma_wait3A_684 = tpu.memref_slice %arg7[%add3A_682, %dma_wait3A_683] : memref<512x2048xf32, #tpu.memory_space<vmem_shared>> -> memref<1x2048xf32, #tpu.memory_space<vmem_shared>>
    %dma_wait3A_685 = arith.constant 0 : i32
    %dma_wait3A_686 = arith.constant 0 : i32
    %dma_wait3A_687 = tpu.memref_slice %arg2[%dma_wait3A_685, %dma_wait3A_686] : memref<16384x2048xf32, #tpu.memory_space<hbm>> -> memref<1x2048xf32, #tpu.memory_space<hbm>>
    tpu.wait_dma2 semaphore(%arg11 : memref<!tpu.dma_semaphore, #tpu.memory_space<semaphore_mem>>) src(%dma_wait3A_687 : memref<1x2048xf32, #tpu.memory_space<hbm>>) dst(%dma_wait3A_684 : memref<1x2048xf32, #tpu.memory_space<vmem_shared>>)
    %add3A_688 = arith.constant 24 : i32
    %add3A_689 = arith.addi %mul3A_25, %add3A_688 : i32
    %add3A_690 = arith.constant 4 : i32
    %add3A_691 = arith.addi %add3A_689, %add3A_690 : i32
    %dma_wait3A_692 = arith.constant 0 : i32
    %dma_wait3A_693 = tpu.memref_slice %arg7[%add3A_691, %dma_wait3A_692] : memref<512x2048xf32, #tpu.memory_space<vmem_shared>> -> memref<1x2048xf32, #tpu.memory_space<vmem_shared>>
    %dma_wait3A_694 = arith.constant 0 : i32
    %dma_wait3A_695 = arith.constant 0 : i32
    %dma_wait3A_696 = tpu.memref_slice %arg2[%dma_wait3A_694, %dma_wait3A_695] : memref<16384x2048xf32, #tpu.memory_space<hbm>> -> memref<1x2048xf32, #tpu.memory_space<hbm>>
    tpu.wait_dma2 semaphore(%arg11 : memref<!tpu.dma_semaphore, #tpu.memory_space<semaphore_mem>>) src(%dma_wait3A_696 : memref<1x2048xf32, #tpu.memory_space<hbm>>) dst(%dma_wait3A_693 : memref<1x2048xf32, #tpu.memory_space<vmem_shared>>)
    %add3A_697 = arith.constant 24 : i32
    %add3A_698 = arith.addi %mul3A_25, %add3A_697 : i32
    %add3A_699 = arith.constant 5 : i32
    %add3A_700 = arith.addi %add3A_698, %add3A_699 : i32
    %dma_wait3A_701 = arith.constant 0 : i32
    %dma_wait3A_702 = tpu.memref_slice %arg7[%add3A_700, %dma_wait3A_701] : memref<512x2048xf32, #tpu.memory_space<vmem_shared>> -> memref<1x2048xf32, #tpu.memory_space<vmem_shared>>
    %dma_wait3A_703 = arith.constant 0 : i32
    %dma_wait3A_704 = arith.constant 0 : i32
    %dma_wait3A_705 = tpu.memref_slice %arg2[%dma_wait3A_703, %dma_wait3A_704] : memref<16384x2048xf32, #tpu.memory_space<hbm>> -> memref<1x2048xf32, #tpu.memory_space<hbm>>
    tpu.wait_dma2 semaphore(%arg11 : memref<!tpu.dma_semaphore, #tpu.memory_space<semaphore_mem>>) src(%dma_wait3A_705 : memref<1x2048xf32, #tpu.memory_space<hbm>>) dst(%dma_wait3A_702 : memref<1x2048xf32, #tpu.memory_space<vmem_shared>>)
    %add3A_706 = arith.constant 24 : i32
    %add3A_707 = arith.addi %mul3A_25, %add3A_706 : i32
    %add3A_708 = arith.constant 6 : i32
    %add3A_709 = arith.addi %add3A_707, %add3A_708 : i32
    %dma_wait3A_710 = arith.constant 0 : i32
    %dma_wait3A_711 = tpu.memref_slice %arg7[%add3A_709, %dma_wait3A_710] : memref<512x2048xf32, #tpu.memory_space<vmem_shared>> -> memref<1x2048xf32, #tpu.memory_space<vmem_shared>>
    %dma_wait3A_712 = arith.constant 0 : i32
    %dma_wait3A_713 = arith.constant 0 : i32
    %dma_wait3A_714 = tpu.memref_slice %arg2[%dma_wait3A_712, %dma_wait3A_713] : memref<16384x2048xf32, #tpu.memory_space<hbm>> -> memref<1x2048xf32, #tpu.memory_space<hbm>>
    tpu.wait_dma2 semaphore(%arg11 : memref<!tpu.dma_semaphore, #tpu.memory_space<semaphore_mem>>) src(%dma_wait3A_714 : memref<1x2048xf32, #tpu.memory_space<hbm>>) dst(%dma_wait3A_711 : memref<1x2048xf32, #tpu.memory_space<vmem_shared>>)
    %add3A_715 = arith.constant 24 : i32
    %add3A_716 = arith.addi %mul3A_25, %add3A_715 : i32
    %add3A_717 = arith.constant 7 : i32
    %add3A_718 = arith.addi %add3A_716, %add3A_717 : i32
    %dma_wait3A_719 = arith.constant 0 : i32
    %dma_wait3A_720 = tpu.memref_slice %arg7[%add3A_718, %dma_wait3A_719] : memref<512x2048xf32, #tpu.memory_space<vmem_shared>> -> memref<1x2048xf32, #tpu.memory_space<vmem_shared>>
    %dma_wait3A_721 = arith.constant 0 : i32
    %dma_wait3A_722 = arith.constant 0 : i32
    %dma_wait3A_723 = tpu.memref_slice %arg2[%dma_wait3A_721, %dma_wait3A_722] : memref<16384x2048xf32, #tpu.memory_space<hbm>> -> memref<1x2048xf32, #tpu.memory_space<hbm>>
    tpu.wait_dma2 semaphore(%arg11 : memref<!tpu.dma_semaphore, #tpu.memory_space<semaphore_mem>>) src(%dma_wait3A_723 : memref<1x2048xf32, #tpu.memory_space<hbm>>) dst(%dma_wait3A_720 : memref<1x2048xf32, #tpu.memory_space<vmem_shared>>)
    %add3A_724 = arith.constant 24 : i32
    %add3A_725 = arith.addi %mul3A_25, %add3A_724 : i32
    %add3A_726 = arith.constant 504 : i32
    %add3A_727 = arith.addi %mul3A_2, %add3A_726 : i32
    %dma_start3A_728 = arith.constant 0 : i32
    %dma_start3A_729 = tpu.memref_slice %arg4[%add3A_727, %dma_start3A_728] : memref<16384x2048xf32, #tpu.memory_space<hbm>> -> memref<8x2048xf32, #tpu.memory_space<hbm>>
    %dma_start3A_730 = arith.constant 0 : i32
    %dma_start3A_731 = tpu.memref_slice %arg7[%add3A_725, %dma_start3A_730] : memref<512x2048xf32, #tpu.memory_space<vmem_shared>> -> memref<8x2048xf32, #tpu.memory_space<vmem_shared>>
    tpu.enqueue_dma source(%dma_start3A_731 : memref<8x2048xf32, #tpu.memory_space<vmem_shared>>) target(%dma_start3A_729 : memref<8x2048xf32, #tpu.memory_space<hbm>>) target_semaphore(%arg15 : memref<!tpu.dma_semaphore, #tpu.memory_space<semaphore_mem>>)
    %add3A_732 = arith.constant 0 : i32
    %add3A_733 = arith.addi %mul3A_25, %add3A_732 : i32
    %add3A_734 = arith.constant 480 : i32
    %add3A_735 = arith.addi %mul3A_2, %add3A_734 : i32
    %dma_wait3A_736 = arith.constant 0 : i32
    %dma_wait3A_737 = tpu.memref_slice %arg4[%add3A_735, %dma_wait3A_736] : memref<16384x2048xf32, #tpu.memory_space<hbm>> -> memref<8x2048xf32, #tpu.memory_space<hbm>>
    %dma_wait3A_738 = arith.constant 0 : i32
    %dma_wait3A_739 = tpu.memref_slice %arg7[%add3A_733, %dma_wait3A_738] : memref<512x2048xf32, #tpu.memory_space<vmem_shared>> -> memref<8x2048xf32, #tpu.memory_space<vmem_shared>>
    tpu.wait_dma2 semaphore(%arg12 : memref<!tpu.dma_semaphore, #tpu.memory_space<semaphore_mem>>) src(%dma_wait3A_739 : memref<8x2048xf32, #tpu.memory_space<vmem_shared>>) dst(%dma_wait3A_737 : memref<8x2048xf32, #tpu.memory_space<hbm>>)
    %add3A_740 = arith.constant 8 : i32
    %add3A_741 = arith.addi %mul3A_25, %add3A_740 : i32
    %add3A_742 = arith.constant 488 : i32
    %add3A_743 = arith.addi %mul3A_2, %add3A_742 : i32
    %dma_wait3A_744 = arith.constant 0 : i32
    %dma_wait3A_745 = tpu.memref_slice %arg4[%add3A_743, %dma_wait3A_744] : memref<16384x2048xf32, #tpu.memory_space<hbm>> -> memref<8x2048xf32, #tpu.memory_space<hbm>>
    %dma_wait3A_746 = arith.constant 0 : i32
    %dma_wait3A_747 = tpu.memref_slice %arg7[%add3A_741, %dma_wait3A_746] : memref<512x2048xf32, #tpu.memory_space<vmem_shared>> -> memref<8x2048xf32, #tpu.memory_space<vmem_shared>>
    tpu.wait_dma2 semaphore(%arg13 : memref<!tpu.dma_semaphore, #tpu.memory_space<semaphore_mem>>) src(%dma_wait3A_747 : memref<8x2048xf32, #tpu.memory_space<vmem_shared>>) dst(%dma_wait3A_745 : memref<8x2048xf32, #tpu.memory_space<hbm>>)
    %add3A_748 = arith.constant 16 : i32
    %add3A_749 = arith.addi %mul3A_25, %add3A_748 : i32
    %add3A_750 = arith.constant 496 : i32
    %add3A_751 = arith.addi %mul3A_2, %add3A_750 : i32
    %dma_wait3A_752 = arith.constant 0 : i32
    %dma_wait3A_753 = tpu.memref_slice %arg4[%add3A_751, %dma_wait3A_752] : memref<16384x2048xf32, #tpu.memory_space<hbm>> -> memref<8x2048xf32, #tpu.memory_space<hbm>>
    %dma_wait3A_754 = arith.constant 0 : i32
    %dma_wait3A_755 = tpu.memref_slice %arg7[%add3A_749, %dma_wait3A_754] : memref<512x2048xf32, #tpu.memory_space<vmem_shared>> -> memref<8x2048xf32, #tpu.memory_space<vmem_shared>>
    tpu.wait_dma2 semaphore(%arg14 : memref<!tpu.dma_semaphore, #tpu.memory_space<semaphore_mem>>) src(%dma_wait3A_755 : memref<8x2048xf32, #tpu.memory_space<vmem_shared>>) dst(%dma_wait3A_753 : memref<8x2048xf32, #tpu.memory_space<hbm>>)
    %add3A_756 = arith.constant 24 : i32
    %add3A_757 = arith.addi %mul3A_25, %add3A_756 : i32
    %add3A_758 = arith.constant 504 : i32
    %add3A_759 = arith.addi %mul3A_2, %add3A_758 : i32
    %dma_wait3A_760 = arith.constant 0 : i32
    %dma_wait3A_761 = tpu.memref_slice %arg4[%add3A_759, %dma_wait3A_760] : memref<16384x2048xf32, #tpu.memory_space<hbm>> -> memref<8x2048xf32, #tpu.memory_space<hbm>>
    %dma_wait3A_762 = arith.constant 0 : i32
    %dma_wait3A_763 = tpu.memref_slice %arg7[%add3A_757, %dma_wait3A_762] : memref<512x2048xf32, #tpu.memory_space<vmem_shared>> -> memref<8x2048xf32, #tpu.memory_space<vmem_shared>>
    tpu.wait_dma2 semaphore(%arg15 : memref<!tpu.dma_semaphore, #tpu.memory_space<semaphore_mem>>) src(%dma_wait3A_763 : memref<8x2048xf32, #tpu.memory_space<vmem_shared>>) dst(%dma_wait3A_761 : memref<8x2048xf32, #tpu.memory_space<hbm>>)
    return
  }
}

</mosaic_0001>

<sc_bundles>
// kernel: kernel.3.cloned.1.call-start
scs
__scs_entry_jumppad:
0x0: {  	(pc) =	sbr.rel $0x88, $3  }
0x1: {  	(tag) =	ssettag $0x0;
	lr =	simm.s32 $0x1  }
0x2: {  	[smem:$0x3F9F] =	sst lr;
	_ =	strace $0xD0000000  }
0x3: {  	_ = 	snop  }
0x4: {  	_ = 	snop  }
0x5: {  	_ = 	snop  }
0x6: {  	_ = 	snop  }
0x7: {  	_ = 	snop  }
__scs_overlays_trampoline_lowered:
0x8: {  	[smem:$0x3FAE] =	sst s0  }
0x9: {  	[smem:$0x3FAF] =	sst s1  }
0xa: {  	[smem:$0x3FB0] =	sst s2  }
0xb: {  	[smem:$0x3FB1] =	sst s3  }
0xc: {  	[smem:$0x3FB2] =	sst s4  }
0xd: {  	[smem:$0x3FB3] =	sst s5  }
0xe: {  	[smem:$0x3FB4] =	sst s6  }
0xf: {  	[smem:$0x3FB5] =	sst s7  }
0x10: {  	[smem:$0x3FB6] =	sst s8  }
0x11: {  	[smem:$0x3FB7] =	sst s9;
	s0 =	simm.s32 @!p0 $0x0  }
0x12: {  	s1 =	sld [smem:$0x3F9D];
	s0 =	simm.s32 @p0 $0x1  }
0x13: {  	[smem:$0x3FB8] =	sst s0;
	s0 =	simm.s32 @!p1 $0x0  }
0x14: {  	s2 =	sld [smem:$0x3F9C];
	s0 =	simm.s32 @p1 $0x1  }
0x15: {  	[smem:$0x3FB9] =	sst s0;
	s0 =	simm.s32 @!p2 $0x0  }
0x16: {  	s3 =	sld [smem:$0x3FDB];
	s0 =	simm.s32 @p2 $0x1  }
0x17: {  	s4 =	simm.s32 $0x1BF5;
	[smem:$0x3FBB] =	sst s0  }
0x18: {  	s0 =	sld [smem:$0x3F9E];
	_ =	swait.ge [sflag:s4], $0x0  }
0x19: {  	s7 =	sld [smem:$0x3F9F]  }
0x1a: {  	s8 =	sadd.s32 $0xFFFFE003, lr  }
0x1b: {  	s9 =	sadd.s32 $0xFFFFFEF7, lr;
	s5 =	simm.s32 $0xFFFFFFFF;
	p2 =	slt.u32 s8, $0xFFFFF086  }
0x1c: {  	p1 =	slt.u32 s9, $0xF7A;
	s5 =	simm.s32 @!p2 $0x0  }
0x1d: {  	s5 =	simm.s32 @p1 $0x1;
	p0 =	seq.s32 s7, s2  }
0x1e: {  	s7 =	smul.u32 @!p0 $0xF7A, s2;
	p2 =	seq.s32 @!p0 s5, $0x0  }
0x1f: {  	s9 =	smul.u32 $0xF7A, s1;
	s8 =	simm.s32 @!p0 $0x1BF5;
	p2 =	por !p2, p0  }
0x20: {  	[sflag:s8] =	ssyncset.s32 @!p0 $0xFFFFF086;
	s6 =	sadd.s32 @!p0 s3, s7;
	s7 =	simm.s32 @!p0 $0x108  }
0x21: {  	s3 =	sadd.s32 s3, s9;
	s6 =	sadd.s32 @!p0 $0x88, s6;
	s7 =	simm.s32 @p2 $0x1082  }
0x22: {  	[simem:s7], [sflag:s8] =	dma.local @!p0 [hbm:s6], $0xF7A  }
0x23: {  	s9 =	sor.u32 $0xD0000000, s2;
	s6 =	simm.s32 $0x108;
	_ =	swait.ge @!p0 [sflag:s8], $0x0  }
0x24: {  	s3 =	sadd.s32 $0x88, s3;
	s6 =	simm.s32 @!p1 $0x1082;
	[sflag:s4] =	ssyncset.s32 $0xFFFFF086  }
0x25: {  	[simem:s6], [sflag:s4] =	dma.local [hbm:s3], $0xF7A  }
0x26: {  	[smem:$0x3F9F] =	sst s1;
	(tag) =	ssettag s2;
	_ =	strace s9  }
0x27: {  	s1 =	sld [smem:$0x3FAF]  }
0x28: {  	s2 =	sld [smem:$0x3FB0]  }
0x29: {  	s4 =	sld [smem:$0x3FB2]  }
0x2a: {  	p0 =	seq.s32 s5, $0x0;
	s5 =	sld [smem:$0x3FB3]  }
0x2b: {  	s6 =	sld [smem:$0x3FB4]  }
0x2c: {  	s7 =	sld [smem:$0x3FB5]  }
0x2d: {  	s3 =	simm.s32 $0x108;
	s8 =	sld [smem:$0x3FB6]  }
0x2e: {  	s3 =	simm.s32 @!p0 $0x1082;
	s9 =	sld [smem:$0x3FB7]  }
0x2f: {  	lr =	sadd.s32 s0, s3;
	s0 =	sld [smem:$0x3FAE]  }
0x30: {  	s3 =	sld [smem:$0x3FB1]  }
0x31: {  	[smem:$0x3FBA] =	sst s10  }
0x32: {  	s10 =	sld [smem:$0x3FB8];
	_ =	sdelay $0x3  }
0x33: {  	p0 =	seq.s32 s10, $0x1;
	s10 =	sld [smem:$0x3FBA];
	_ =	sdelay $0x3  }
0x34: {  	[smem:$0x3FBA] =	sst s10  }
0x35: {  	s10 =	sld [smem:$0x3FB9];
	_ =	sdelay $0x3  }
0x36: {  	p1 =	seq.s32 s10, $0x1;
	s10 =	sld [smem:$0x3FBA];
	_ =	sdelay $0x3  }
0x37: {  	[smem:$0x3FBA] =	sst s10  }
0x38: {  	s10 =	sld [smem:$0x3FBB]  }
0x39: {  	_ = 	snop;
	(pc) =	sbr.ind lr, $3  }
0x3a: {  	_ = 	snop  }
0x3b: {  	_ = 	snop  }
0x3c: {  	p2 =	seq.s32 s10, $0x1;
	s10 =	sld [smem:$0x3FBA]  }
0x3d: {  	_ =	shalt  }
0x3e: {  	_ =	shalt  }
0x3f: {  	_ =	shalt  }
0x40: {  	_ =	shalt  }
0x41: {  	_ =	shalt  }
0x42: {  	_ =	shalt  }
0x43: {  	_ =	shalt  }
0x44: {  	_ =	shalt  }
0x45: {  	_ =	shalt  }
0x46: {  	_ =	shalt  }
0x47: {  	_ =	shalt  }
0x48: {  	_ =	shalt  }
0x49: {  	_ =	shalt  }
0x4a: {  	_ =	shalt  }
0x4b: {  	_ =	shalt  }
0x4c: {  	_ =	shalt  }
0x4d: {  	_ =	shalt  }
0x4e: {  	_ =	shalt  }
0x4f: {  	_ =	shalt  }
0x50: {  	_ =	shalt  }
0x51: {  	_ =	shalt  }
0x52: {  	_ =	shalt  }
0x53: {  	_ =	shalt  }
0x54: {  	_ =	shalt  }
0x55: {  	_ =	shalt  }
0x56: {  	_ =	shalt  }
0x57: {  	_ =	shalt  }
0x58: {  	_ =	shalt  }
0x59: {  	_ =	shalt  }
0x5a: {  	_ =	shalt  }
0x5b: {  	_ =	shalt  }
0x5c: {  	_ =	shalt  }
0x5d: {  	_ =	shalt  }
0x5e: {  	_ =	shalt  }
0x5f: {  	_ =	shalt  }
0x60: {  	_ =	shalt  }
0x61: {  	_ =	shalt  }
0x62: {  	_ =	shalt  }
0x63: {  	_ =	shalt  }
0x64: {  	_ =	shalt  }
0x65: {  	_ =	shalt  }
0x66: {  	_ =	shalt  }
0x67: {  	_ =	shalt  }
0x68: {  	_ =	shalt  }
0x69: {  	_ =	shalt  }
0x6a: {  	_ =	shalt  }
0x6b: {  	_ =	shalt  }
0x6c: {  	_ =	shalt  }
0x6d: {  	_ =	shalt  }
0x6e: {  	_ =	shalt  }
0x6f: {  	_ =	shalt  }
0x70: {  	_ =	shalt  }
0x71: {  	_ =	shalt  }
0x72: {  	_ =	shalt  }
0x73: {  	_ =	shalt  }
0x74: {  	_ =	shalt  }
0x75: {  	_ =	shalt  }
0x76: {  	_ =	shalt  }
0x77: {  	_ =	shalt  }
0x78: {  	_ =	shalt  }
0x79: {  	_ =	shalt  }
0x7a: {  	_ =	shalt  }
0x7b: {  	_ =	shalt  }
0x7c: {  	_ =	shalt  }
0x7d: {  	_ =	shalt  }
0x7e: {  	_ =	shalt  }
0x7f: {  	_ =	shalt  }
0x80: {  	_ =	shalt  }
0x81: {  	_ =	shalt  }
0x82: {  	_ =	shalt  }
0x83: {  	_ =	shalt  }
0x84: {  	_ =	shalt  }
0x85: {  	_ =	shalt  }
0x86: {  	_ =	shalt  }
0x87: {  	_ =	shalt  }
.Lfunc_end0:
.L_simem_size_0:
called_computation_lowered:
.L_overlay_start_0:
0x88: {  	s2 =	sld [smem:$0x3FD9]  }
0x89: {  	s3 =	sld [smem:$0x3FFE];
	_ =	sdelay $0x1  }
0x8a: {  	s1 =	srdreg.scid  }
0x8b: {  	s0 =	sand.u32 $0x1, s1  }
0x8c: {  	s18 =	sshll.u32 s0, $0xA;
	s2 =	sadd.s32 s3, s2  }
0x8d: {  	s2 =	sadd.s32 s2, s18  }
0x8e: {  	[smem:$0x3FC6] =	sst s2  }
0x8f: {  	_ = 	snop  }
0x90: {  	s2 =	sld [smem:$0x3FC9]  }
0x91: {  	s19 =	sld [smem:$0x3FC8]  }
0x92: {  	s4 =	sld [smem:$0x3FD0];
	(tm) =	ssettm $0x1  }
0x93: {  	s5 =	sld [smem:$0x3FFB];
	_ =	sdelay $0x3  }
0x94: {  	_ =	strace s5  }
0x95: {  	s5 =	sld [smem:$0x3FFC];
	_ =	sdelay $0x3  }
0x96: {  	_ =	strace s5  }
0x97: {  	s5 =	sld [smem:$0x3FFD];
	_ =	sdelay $0x3  }
0x98: {  	_ =	strace s5  }
0x99: {  	_ =	strace $0x8FFFFFFF  }
0x9a: {  	s20 =	sld [smem:$0x3FDB];
	_ =	sdelay $0x1  }
0x9b: {  	s6 =	simm.s32 $_scs_section_size  }
0x9c: {  	s7 =	simm.s32 $_size__tile_overlayer_lowered;
	s8 =	simm.s32 $_tile_overlayer_lowered  }
0x9d: {  	s23 =	simm.s32 $0x1BFF;
	s22 =	sshll.u32 s8, $0x1;
	s5 =	sadd.s32 s6, s20  }
0x9e: {  	s9 =	simm.s32 $0x0;
	s21 =	sshll.u32 s7, $0x1;
	s7 =	sadd.s32 s22, s5  }
0x9f: {  	[timem:s9], [sflag:s23] =	dma.local [hbm:s7], s21  }
0xa0: {  	_ =	swait.ge [sflag:s23], s21  }
0xa1: {  	s6 =	ssub.s32 $0x0, s21;
	[sflag:s23] =	ssyncset.done $0x0  }
0xa2: {  	[sflag:s23] =	ssyncadd.s32 s6;
	_ =	sdelay $0x1  }
0xa3: {  	s24 =	simm.s32 $0x1B8B  }
0xa4: {  	_ =	swait.ge [sflag:s24], $0x1  }
0xa5: {  	[sflag:s24] =	ssyncset.done $0x0  }
0xa6: {  	s25 =	simm.s32 $0x1B8E;
	[sflag:s24] =	ssyncadd.s32 $0xFFFFFFFF  }
0xa7: {  	s26 =	simm.s32 $execute0_lowered;
	[smem:$0x3FD2] =	sst s25  }
0xa8: {  	s6 =	sshll.u32 s26, $0x1;
	_ =	strace $0x80000046;
	[dreg:$0x1] =	wrdreg $0xFFFFFFFF  }
0xa9: {  	s28 =	simm.s32 $_size_execute0_lowered;
	s5 =	sadd.s32 s5, s6;
	[dreg:$0x0] =	wrdreg $0x0  }
0xaa: {  	s6 =	sshll.u32 s28, $0x1;
	[dreg:$0x2] =	wrdreg s5  }
0xab: {  	[dreg:$0x3] =	wrdreg s6  }
0xac: {  	[dreg:$0x4] =	wrdreg $0xC0  }
0xad: {  	_ =	task [dreg:s9], $0x5FFFF  }
0xae: {  	[dreg:$0x1] =	wrdreg $0xFFFFFFFF  }
0xaf: {  	[dreg:$0x0] =	wrdreg $0x60  }
0xb0: {  	[dreg:$0x2] =	wrdreg s2  }
0xb1: {  	[dreg:$0x3] =	wrdreg s19  }
0xb2: {  	[dreg:$0x4] =	wrdreg s4  }
0xb3: {  	[dreg:$0x5] =	wrdreg $0x0  }
0xb4: {  	[dreg:$0x6] =	wrdreg $0x2000  }
0xb5: {  	[dreg:$0x7] =	wrdreg $0x9  }
0xb6: {  	_ =	task.clear_ibuf [dreg:s9], $0x8FFFF;
	_ =	strace $0x90000046  }
0xb7: {  	s29 =	simm.s32 $0x9;
	_ =	strace $0x80000048  }
0xb8: {  	_ =	swait.ge [sflag:s29], $0x1  }
0xb9: {  	[sflag:s29] =	ssyncadd.s32 $0xFFFFFFFF  }
0xba: {  	_ =	strace $0x90000048  }
0xbb: {  	_ =	sfence  }
0xbc: {  	s30 =	sld [smem:$0x0];
	_ =	sdelay $0x2  }
0xbd: {  	s31 =	sshll.u32 s1, $0xD;
	s1 =	sshrl.u32 s1, $0x2  }
0xbe: {  	s3 =	sand.u32 $0x4000, s31;
	s1 =	sadd.s32 s1, s30  }
0xbf: {  	s0 =	sor.u32 s3, s0;
	s1 =	sshll.u32 s1, $0x11  }
0xc0: {  	s0 =	sor.u32 s1, s0  }
0xc1: {  	s0 =	sadd.s32 $0x8F2B, s0  }
0xc2: {  	[sflag:s0] =	ssyncadd.remote.s32 $0x1  }
0xc3: {  	_ =	sfence.sel $0xFFFF  }
0xc4: {  	[dreg:$0x0] =	wrdreg $0xFFFFFFFF;
	(pc) =	sbr.abs _section_cstart, $3  }
0xc5: {  	[dreg:$0x1] =	wrdreg $0xFFFFFFFF  }
0xc6: {  	_ =	task.clear_ibuf [dreg:s9], $0x2FFFF;
	_ =	strace $0x9FFFFFFF  }
0xc7: {  	(tm) =	ssettm $0x7FFFFFFF  }
tec
execute0_lowered:
.L_overlay_start_1:
0x0: {  	(tag) =	ssettag $0x1  }
0x1: {  	s1 =	rddreg [dreg:$0x0]  }
0x2: {  	s0 =	rddreg [dreg:$0x1]  }
0x3: {  	s2 =	rddreg [dreg:$0x2]  }
0x4: {  	s3 =	rddreg [dreg:$0x3]  }
0x5: {  	s5 =	rddreg [dreg:$0x4];
	s7 =	simm.s32 $0x0;
	s12 =	stileid.u32  }
0x6: {  	[smem:$0x7FF] =	sst s7;
	s25 =	sshll.u32 s12, $0x9  }
0x7: {  	s10 =	sshll.u32 s12, $0x7;
	s11 =	sshll.u32 s12, $0x12;
	_ =	strace $0x80000047  }
0x8: {  	s7 =	sand.u32 $0x1000, s25;
	s10 =	sand.u32 $0x380, s10;
	s31 =	sshrl.u32 s11, $0x2  }
0x9: {  	s3 =	sadd.s32 s7, s3;
	s7 =	sshll.u32 s12, $0x6;
	s5 =	sadd.s32 s31, s5  }
0xa: {  	s13 =	sadd.s32 s10, s3;
	s3 =	sor.u32 $0x1C09, s7;
	[dreg:$0x9] =	wrdreg s5  }
0xb: {  	s10 =	sadd.s32 $0x80, s5;
	[dreg:$0xa] =	wrdreg s3  }
0xc: {  	s23 =	sshll.u32 s12, $0xA;
	s12 =	sadd.s32 $0x100, s5;
	[dreg:$0xb] =	wrdreg s10  }
0xd: {  	s4 =	srdreg.scid;
	s14 =	sadd.s32 $0x180, s5;
	[dreg:$0xc] =	wrdreg s12  }
0xe: {  	s6 =	sand.u32 $0x1, s4;
	s15 =	sadd.s32 $0x200, s5;
	[dreg:$0xd] =	wrdreg s14  }
0xf: {  	s4 =	ssub.s32 $0x2, s6;
	s16 =	sadd.s32 $0x280, s5;
	[dreg:$0xe] =	wrdreg s15  }
0x10: {  	s24 =	sshll.u32 s6, $0x9;
	s17 =	sadd.s32 $0x300, s5;
	[dreg:$0xf] =	wrdreg s16  }
0x11: {  	s22 =	sshrl.u32 s4, $0x1;
	s18 =	sadd.s32 $0x380, s5;
	[dreg:$0x10] =	wrdreg s17  }
0x12: {  	s9 =	sor.u32 s24, s23;
	s19 =	sadd.s32 $0x4000, s5;
	[dreg:$0x11] =	wrdreg s18  }
0x13: {  	s8 =	ssub.s32 s4, s22;
	s20 =	sadd.s32 $0x4080, s5;
	[dreg:$0x12] =	wrdreg s19  }
0x14: {  	s4 =	sand.u32 $0x3000, s23;
	s21 =	sadd.s32 $0x4100, s5;
	[dreg:$0x13] =	wrdreg s20  }
0x15: {  	s26 =	sshrl.u32 s9, $0x3;
	s24 =	sadd.s32 $0x4180, s5;
	[dreg:$0x14] =	wrdreg s21  }
0x16: {  	s23 =	sshll.u32 s6, $0x11;
	s6 =	sadd.s32 $0x4300, s5;
	[dreg:$0x15] =	wrdreg s24  }
0x17: {  	s22 =	sshll.u32 s9, $0x8;
	s9 =	sadd.s32 $0x8000, s5;
	[dreg:$0x1d] =	wrdreg s6  }
0x18: {  	[dreg:$0x1f] =	wrdreg s9  }
0x19: {  	s31 =	smax.u32 s8, $0x1;
	[dreg:$0x7] =	wrdreg s13  }
0x1a: {  	s3 =	sadd.s32 $0x4280, s5;
	[dreg:$0x1a] =	wrdreg s31  }
0x1b: {  	s8 =	sadd.s32 $0x4380, s5;
	[dreg:$0x1c] =	wrdreg s3  }
0x1c: {  	s10 =	sadd.s32 $0x8080, s5;
	[dreg:$0x1e] =	wrdreg s8  }
0x1d: {  	s12 =	sadd.s32 $0x8180, s5;
	[smem:$0x7EC] =	sst s10  }
0x1e: {  	s14 =	sadd.s32 $0x8200, s5;
	[smem:$0x7EE] =	sst s12  }
0x1f: {  	s15 =	sadd.s32 $0x8280, s5;
	[smem:$0x7EF] =	sst s14  }
0x20: {  	s16 =	sadd.s32 $0x8300, s5;
	[smem:$0x7F0] =	sst s15  }
0x21: {  	s17 =	sadd.s32 $0x8380, s5;
	[smem:$0x7F1] =	sst s16  }
0x22: {  	s18 =	sadd.s32 $0xC000, s5;
	[smem:$0x7F2] =	sst s17  }
0x23: {  	s19 =	sadd.s32 $0xC080, s5;
	[smem:$0x7F3] =	sst s18  }
0x24: {  	s20 =	sadd.s32 $0xC100, s5;
	[smem:$0x7F4] =	sst s19  }
0x25: {  	s21 =	sadd.s32 $0xC180, s5;
	[smem:$0x7F5] =	sst s20  }
0x26: {  	s30 =	sand.u32 $0x1C0, s26;
	s24 =	sadd.s32 $0xC300, s5;
	[smem:$0x7F6] =	sst s21  }
0x27: {  	s0 =	sadd.s32 s0, s30;
	[smem:$0x7F9] =	sst s24  }
0x28: {  	s31 =	sadd.s32 $0xC00, s13;
	[dreg:$0x8] =	wrdreg s0;
	s0 =	sadd.s32 s22, s2  }
0x29: {  	s2 =	sadd.s32 s11, s2;
	s11 =	sadd.s32 $0x8100, s5;
	[smem:$0x7FD] =	sst s31  }
0x2a: {  	s22 =	sadd.s32 $0xC200, s5;
	[smem:$0x7ED] =	sst s11  }
0x2b: {  	s25 =	sadd.s32 $0x1E000, s0;
	[smem:$0x7F7] =	sst s22  }
0x2c: {  	s26 =	sadd.s32 $0x1E800, s0;
	[dreg:$0x16] =	wrdreg s25  }
0x2d: {  	s2 =	sadd.s32 s23, s2;
	[dreg:$0x17] =	wrdreg s26  }
0x2e: {  	s30 =	sadd.s32 $0x1F000, s0;
	[dreg:$0x6] =	wrdreg s2  }
0x2f: {  	s0 =	sadd.s32 $0x1F800, s0;
	[dreg:$0x18] =	wrdreg s30  }
0x30: {  	s28 =	simm.s32 $0x3;
	s23 =	sadd.s32 $0xC280, s5;
	[dreg:$0x19] =	wrdreg s0  }
0x31: {  	s29 =	simm.s32 $0x4;
	s2 =	sadd.s32 $0x4200, s5;
	[smem:$0x7F8] =	sst s23  }
0x32: {  	s24 =	simm.s32 $0x80;
	s25 =	sadd.s32 $0xC380, s5;
	[dreg:$0x1b] =	wrdreg s2  }
0x33: {  	s21 =	simm.s32 $0x5;
	s26 =	sadd.s32 $0x400, s13;
	[smem:$0x7FA] =	sst s25  }
0x34: {  	s30 =	sadd.s32 $0x800, s13;
	s23 =	simm.s32 $0x1;
	[smem:$0x7FB] =	sst s26  }
0x35: {  	[smem:$0x7FC] =	sst s30;
	s26 =	simm.s32 $0x2;
	s2 =	simm.s32 $0x0  }
.LBB2_1:
0x36: {  	[smem:$0x7D6] =	sst s2  }
0x37: {  	s8 =	rddreg [dreg:$0x7]  }
0x38: {  	s3 =	rddreg [dreg:$0x8]  }
0x39: {  	s5 =	rddreg [dreg:$0xa]  }
0x3a: {  	s6 =	simm.s32 $0x10;
	s9 =	simm.s32 $0x9;
	s0 =	sshrl.u32 s8, $0x3  }
0x3b: {  	[spmem:s0@s24], [sflag:s5] =	dma.strided [hbm:s3@s6], $0x40, s23, $0x10   }
0x3c: {  	_ =	swait.ge [sflag:s9], $0x40  }
0x3d: {  	[sflag:s9] =	ssyncset.done $0x0  }
0x3e: {  	s10 =	simm.s32 $0x0;
	[sflag:s9] =	ssyncadd.s32 $0xFFFFFFC0  }
0x3f: {  	[smem:s10], [sflag:$0x9] =	stream.linear.gather [spmem:s8], $0x80, $0x38;
	[tilespmem:$0x10200] =	vst v63  }
0x40: {  	s0 =	sld [smem:$0x7FB];
	_ =	sdelay $0x2  }
0x41: {  	[smem:s24], [sflag:$0x9] =	stream.linear.gather [spmem:s0], $0x80, $0x38;
	[tilespmem:$0x10200] =	vst v63  }
0x42: {  	s0 =	sld [smem:$0x7FC];
	_ =	sdelay $0x1  }
0x43: {  	s11 =	simm.s32 $0x100  }
0x44: {  	[smem:s11], [sflag:$0x9] =	stream.linear.gather [spmem:s0], $0x80, $0x38;
	[tilespmem:$0x10200] =	vst v63  }
0x45: {  	s0 =	sld [smem:$0x7FD];
	_ =	sdelay $0x1  }
0x46: {  	s12 =	simm.s32 $0x180  }
0x47: {  	[smem:s12], [sflag:$0x9] =	stream.linear.gather [spmem:s0], $0x80, $0x38;
	[tilespmem:$0x10200] =	vst v63  }
0x48: {  	_ =	swait.ge [sflag:s9], $0x200  }
0x49: {  	[sflag:s9] =	ssyncset.done $0x0  }
0x4a: {  	[sflag:s9] =	ssyncadd.s32 $0xFFFFFE00  }
0x4b: {  	s13 =	sld [smem:$0x0];
	_ =	sdelay $0x2  }
0x4c: {  	s14 =	sadd.s32 s4, s13  }
0x4d: {  	s0 =	sshll.u32 s13, $0x7;
	s2 =	sshll.u32 s14, $0xB  }
0x4e: {  	s0 =	sand.u32 $0x380, s0;
	s2 =	sand.u32 $0xFFFFC000, s2  }
0x4f: {  	s0 =	sor.u32 s0, s2  }
0x50: {  	s15 =	rddreg [dreg:$0x9];
	s0 =	sshrl.u32 s0, $0x3  }
0x51: {  	s9 =	sor.u32 $0x1C01, s7;
	s6 =	sshrl.u32 s15, $0x3;
	s0 =	sadd.s32 s1, s0  }
0x52: {  	[spmem:s6@s24], [sflag:s9] =	dma.strided [hbm:s0@s24], $0x100, s23, $0x10   }
0x53: {  	s0 =	sld [smem:$0x1];
	_ =	sdelay $0x2  }
0x54: {  	s16 =	sadd.s32 s4, s0  }
0x55: {  	s0 =	sshll.u32 s0, $0x7;
	s2 =	sshll.u32 s16, $0xB  }
0x56: {  	s0 =	sand.u32 $0x380, s0;
	s2 =	sand.u32 $0xFFFFC000, s2  }
0x57: {  	s17 =	rddreg [dreg:$0xb];
	s0 =	sor.u32 s0, s2  }
0x58: {  	s2 =	sshrl.u32 s17, $0x3;
	s0 =	sshrl.u32 s0, $0x3  }
0x59: {  	[smem:$0x7D7] =	sst s2;
	s0 =	sadd.s32 s1, s0  }
0x5a: {  	[spmem:s2@s24], [sflag:s9] =	dma.strided [hbm:s0@s24], $0x100, s23, $0x10   }
0x5b: {  	s0 =	sld [smem:$0x2];
	_ =	sdelay $0x2  }
0x5c: {  	s18 =	sadd.s32 s4, s0  }
0x5d: {  	s0 =	sshll.u32 s0, $0x7;
	s2 =	sshll.u32 s18, $0xB  }
0x5e: {  	s0 =	sand.u32 $0x380, s0;
	s2 =	sand.u32 $0xFFFFC000, s2  }
0x5f: {  	s19 =	rddreg [dreg:$0xc];
	s0 =	sor.u32 s0, s2  }
0x60: {  	s2 =	sshrl.u32 s19, $0x3;
	s0 =	sshrl.u32 s0, $0x3  }
0x61: {  	[smem:$0x7D8] =	sst s2;
	s0 =	sadd.s32 s1, s0  }
0x62: {  	[spmem:s2@s24], [sflag:s9] =	dma.strided [hbm:s0@s24], $0x100, s23, $0x10   }
0x63: {  	s0 =	sld [smem:$0x3];
	_ =	sdelay $0x2  }
0x64: {  	s20 =	sadd.s32 s4, s0  }
0x65: {  	s0 =	sshll.u32 s0, $0x7;
	s2 =	sshll.u32 s20, $0xB  }
0x66: {  	s0 =	sand.u32 $0x380, s0;
	s2 =	sand.u32 $0xFFFFC000, s2  }
0x67: {  	s22 =	rddreg [dreg:$0xd];
	s0 =	sor.u32 s0, s2  }
0x68: {  	s2 =	sshrl.u32 s22, $0x3;
	s0 =	sshrl.u32 s0, $0x3  }
0x69: {  	[smem:$0x7D9] =	sst s2;
	s0 =	sadd.s32 s1, s0  }
0x6a: {  	[spmem:s2@s24], [sflag:s9] =	dma.strided [hbm:s0@s24], $0x100, s23, $0x10   }
0x6b: {  	s0 =	sld [smem:$0x4];
	_ =	sdelay $0x2  }
0x6c: {  	s25 =	sadd.s32 s4, s0  }
0x6d: {  	s0 =	sshll.u32 s0, $0x7;
	s2 =	sshll.u32 s25, $0xB  }
0x6e: {  	s0 =	sand.u32 $0x380, s0;
	s2 =	sand.u32 $0xFFFFC000, s2  }
0x6f: {  	s3 =	rddreg [dreg:$0xe];
	s0 =	sor.u32 s0, s2  }
0x70: {  	s2 =	sshrl.u32 s3, $0x3;
	s0 =	sshrl.u32 s0, $0x3  }
0x71: {  	[smem:$0x7DA] =	sst s2;
	s0 =	sadd.s32 s1, s0  }
0x72: {  	[spmem:s2@s24], [sflag:s9] =	dma.strided [hbm:s0@s24], $0x100, s23, $0x10   }
0x73: {  	s0 =	sld [smem:$0x5];
	_ =	sdelay $0x2  }
0x74: {  	s5 =	sadd.s32 s4, s0  }
0x75: {  	s0 =	sshll.u32 s0, $0x7;
	s2 =	sshll.u32 s5, $0xB  }
0x76: {  	s0 =	sand.u32 $0x380, s0;
	s2 =	sand.u32 $0xFFFFC000, s2  }
0x77: {  	s8 =	rddreg [dreg:$0xf];
	s0 =	sor.u32 s0, s2  }
0x78: {  	s2 =	sshrl.u32 s8, $0x3;
	s0 =	sshrl.u32 s0, $0x3  }
0x79: {  	[smem:$0x7DB] =	sst s2;
	s0 =	sadd.s32 s1, s0  }
0x7a: {  	[spmem:s2@s24], [sflag:s9] =	dma.strided [hbm:s0@s24], $0x100, s23, $0x10   }
0x7b: {  	s0 =	sld [smem:$0x6];
	_ =	sdelay $0x2  }
0x7c: {  	s10 =	sadd.s32 s4, s0  }
0x7d: {  	s0 =	sshll.u32 s0, $0x7;
	s2 =	sshll.u32 s10, $0xB  }
0x7e: {  	s0 =	sand.u32 $0x380, s0;
	s2 =	sand.u32 $0xFFFFC000, s2  }
0x7f: {  	s11 =	rddreg [dreg:$0x10];
	s0 =	sor.u32 s0, s2  }
0x80: {  	s2 =	sshrl.u32 s11, $0x3;
	s0 =	sshrl.u32 s0, $0x3  }
0x81: {  	[smem:$0x7DC] =	sst s2;
	s0 =	sadd.s32 s1, s0  }
0x82: {  	[spmem:s2@s24], [sflag:s9] =	dma.strided [hbm:s0@s24], $0x100, s23, $0x10   }
0x83: {  	s0 =	sld [smem:$0x7];
	_ =	sdelay $0x2  }
0x84: {  	s12 =	sadd.s32 s4, s0  }
0x85: {  	s0 =	sshll.u32 s0, $0x7;
	s2 =	sshll.u32 s12, $0xB  }
0x86: {  	s0 =	sand.u32 $0x380, s0;
	s2 =	sand.u32 $0xFFFFC000, s2  }
0x87: {  	s13 =	rddreg [dreg:$0x11];
	s0 =	sor.u32 s0, s2  }
0x88: {  	s2 =	sshrl.u32 s13, $0x3;
	s0 =	sshrl.u32 s0, $0x3  }
0x89: {  	[smem:$0x7DD] =	sst s2;
	s0 =	sadd.s32 s1, s0  }
0x8a: {  	[spmem:s2@s24], [sflag:s9] =	dma.strided [hbm:s0@s24], $0x100, s23, $0x10   }
0x8b: {  	s0 =	sld [smem:$0x8];
	_ =	sdelay $0x2  }
0x8c: {  	s14 =	sadd.s32 s4, s0  }
0x8d: {  	s0 =	sshll.u32 s0, $0x7;
	s2 =	sshll.u32 s14, $0xB  }
0x8e: {  	s0 =	sand.u32 $0x380, s0;
	s2 =	sand.u32 $0xFFFFC000, s2  }
0x8f: {  	s0 =	sor.u32 s0, s2  }
0x90: {  	s15 =	rddreg [dreg:$0x12];
	s0 =	sshrl.u32 s0, $0x3  }
0x91: {  	s18 =	sor.u32 $0x1C02, s7;
	s13 =	sshrl.u32 s15, $0x3;
	s0 =	sadd.s32 s1, s0  }
0x92: {  	[spmem:s13@s24], [sflag:s18] =	dma.strided [hbm:s0@s24], $0x100, s23, $0x10   }
0x93: {  	s0 =	sld [smem:$0x9];
	_ =	sdelay $0x2  }
0x94: {  	s16 =	sadd.s32 s4, s0  }
0x95: {  	s0 =	sshll.u32 s0, $0x7;
	s2 =	sshll.u32 s16, $0xB  }
0x96: {  	s0 =	sand.u32 $0x380, s0;
	s2 =	sand.u32 $0xFFFFC000, s2  }
0x97: {  	s17 =	rddreg [dreg:$0x13];
	s0 =	sor.u32 s0, s2  }
0x98: {  	s2 =	sshrl.u32 s17, $0x3;
	s0 =	sshrl.u32 s0, $0x3  }
0x99: {  	[smem:$0x7DE] =	sst s2;
	s0 =	sadd.s32 s1, s0  }
0x9a: {  	[spmem:s2@s24], [sflag:s18] =	dma.strided [hbm:s0@s24], $0x100, s23, $0x10   }
0x9b: {  	s0 =	sld [smem:$0xA];
	_ =	sdelay $0x2  }
0x9c: {  	s19 =	sadd.s32 s4, s0  }
0x9d: {  	s0 =	sshll.u32 s0, $0x7;
	s2 =	sshll.u32 s19, $0xB  }
0x9e: {  	s0 =	sand.u32 $0x380, s0;
	s2 =	sand.u32 $0xFFFFC000, s2  }
0x9f: {  	s20 =	rddreg [dreg:$0x14];
	s0 =	sor.u32 s0, s2  }
0xa0: {  	s2 =	sshrl.u32 s20, $0x3;
	s0 =	sshrl.u32 s0, $0x3  }
0xa1: {  	[smem:$0x7DF] =	sst s2;
	s0 =	sadd.s32 s1, s0  }
0xa2: {  	[spmem:s2@s24], [sflag:s18] =	dma.strided [hbm:s0@s24], $0x100, s23, $0x10   }
0xa3: {  	s0 =	sld [smem:$0xB];
	_ =	sdelay $0x2  }
0xa4: {  	s22 =	sadd.s32 s4, s0  }
0xa5: {  	s0 =	sshll.u32 s0, $0x7;
	s2 =	sshll.u32 s22, $0xB  }
0xa6: {  	s0 =	sand.u32 $0x380, s0;
	s2 =	sand.u32 $0xFFFFC000, s2  }
0xa7: {  	s25 =	rddreg [dreg:$0x15];
	s0 =	sor.u32 s0, s2  }
0xa8: {  	s2 =	sshrl.u32 s25, $0x3;
	s0 =	sshrl.u32 s0, $0x3  }
0xa9: {  	[smem:$0x7E0] =	sst s2;
	s0 =	sadd.s32 s1, s0  }
0xaa: {  	[spmem:s2@s24], [sflag:s18] =	dma.strided [hbm:s0@s24], $0x100, s23, $0x10   }
0xab: {  	s0 =	sld [smem:$0xC];
	_ =	sdelay $0x2  }
0xac: {  	s3 =	sadd.s32 s4, s0  }
0xad: {  	s0 =	sshll.u32 s0, $0x7;
	s2 =	sshll.u32 s3, $0xB  }
0xae: {  	s0 =	sand.u32 $0x380, s0;
	s2 =	sand.u32 $0xFFFFC000, s2  }
0xaf: {  	s5 =	rddreg [dreg:$0x1b];
	s0 =	sor.u32 s0, s2  }
0xb0: {  	s2 =	sshrl.u32 s5, $0x3;
	s0 =	sshrl.u32 s0, $0x3  }
0xb1: {  	[smem:$0x7E1] =	sst s2;
	s0 =	sadd.s32 s1, s0  }
0xb2: {  	[spmem:s2@s24], [sflag:s18] =	dma.strided [hbm:s0@s24], $0x100, s23, $0x10   }
0xb3: {  	s0 =	sld [smem:$0xD];
	_ =	sdelay $0x2  }
0xb4: {  	s8 =	sadd.s32 s4, s0  }
0xb5: {  	s0 =	sshll.u32 s0, $0x7;
	s2 =	sshll.u32 s8, $0xB  }
0xb6: {  	s0 =	sand.u32 $0x380, s0;
	s2 =	sand.u32 $0xFFFFC000, s2  }
0xb7: {  	s10 =	rddreg [dreg:$0x1c];
	s0 =	sor.u32 s0, s2  }
0xb8: {  	s2 =	sshrl.u32 s10, $0x3;
	s0 =	sshrl.u32 s0, $0x3  }
0xb9: {  	[smem:$0x7E2] =	sst s2;
	s0 =	sadd.s32 s1, s0  }
0xba: {  	[spmem:s2@s24], [sflag:s18] =	dma.strided [hbm:s0@s24], $0x100, s23, $0x10   }
0xbb: {  	s0 =	sld [smem:$0xE];
	_ =	sdelay $0x2  }
0xbc: {  	s11 =	sadd.s32 s4, s0  }
0xbd: {  	s0 =	sshll.u32 s0, $0x7;
	s2 =	sshll.u32 s11, $0xB  }
0xbe: {  	s0 =	sand.u32 $0x380, s0;
	s2 =	sand.u32 $0xFFFFC000, s2  }
0xbf: {  	s12 =	rddreg [dreg:$0x1d];
	s0 =	sor.u32 s0, s2  }
0xc0: {  	s2 =	sshrl.u32 s12, $0x3;
	s0 =	sshrl.u32 s0, $0x3  }
0xc1: {  	[smem:$0x7E3] =	sst s2;
	s0 =	sadd.s32 s1, s0  }
0xc2: {  	[spmem:s2@s24], [sflag:s18] =	dma.strided [hbm:s0@s24], $0x100, s23, $0x10   }
0xc3: {  	s0 =	sld [smem:$0xF];
	_ =	sdelay $0x2  }
0xc4: {  	s14 =	sadd.s32 s4, s0  }
0xc5: {  	s0 =	sshll.u32 s0, $0x7;
	s2 =	sshll.u32 s14, $0xB  }
0xc6: {  	s0 =	sand.u32 $0x380, s0;
	s2 =	sand.u32 $0xFFFFC000, s2  }
0xc7: {  	s15 =	rddreg [dreg:$0x1e];
	s0 =	sor.u32 s0, s2  }
0xc8: {  	s2 =	sshrl.u32 s15, $0x3;
	s0 =	sshrl.u32 s0, $0x3  }
0xc9: {  	[smem:$0x7E4] =	sst s2;
	s0 =	sadd.s32 s1, s0  }
0xca: {  	[spmem:s2@s24], [sflag:s18] =	dma.strided [hbm:s0@s24], $0x100, s23, $0x10   }
0xcb: {  	s0 =	sld [smem:$0x10];
	_ =	sdelay $0x2  }
0xcc: {  	s16 =	sadd.s32 s4, s0  }
0xcd: {  	s0 =	sshll.u32 s0, $0x7;
	s2 =	sshll.u32 s16, $0xB  }
0xce: {  	s0 =	sand.u32 $0x380, s0;
	s2 =	sand.u32 $0xFFFFC000, s2  }
0xcf: {  	s0 =	sor.u32 s0, s2  }
0xd0: {  	s17 =	rddreg [dreg:$0x1f];
	s0 =	sshrl.u32 s0, $0x3  }
0xd1: {  	s11 =	sor.u32 $0x1C03, s7;
	s20 =	sshrl.u32 s17, $0x3;
	s0 =	sadd.s32 s1, s0  }
0xd2: {  	[spmem:s20@s24], [sflag:s11] =	dma.strided [hbm:s0@s24], $0x100, s23, $0x10   }
0xd3: {  	s0 =	sld [smem:$0x11];
	_ =	sdelay $0x2  }
0xd4: {  	s19 =	sadd.s32 s4, s0  }
0xd5: {  	s22 =	sld [smem:$0x7EC];
	s0 =	sshll.u32 s0, $0x7;
	s2 =	sshll.u32 s19, $0xB  }
0xd6: {  	s0 =	sand.u32 $0x380, s0;
	s2 =	sand.u32 $0xFFFFC000, s2  }
0xd7: {  	s0 =	sor.u32 s0, s2  }
0xd8: {  	s2 =	sshrl.u32 s22, $0x3;
	s0 =	sshrl.u32 s0, $0x3  }
0xd9: {  	[smem:$0x7E5] =	sst s2;
	s0 =	sadd.s32 s1, s0  }
0xda: {  	[spmem:s2@s24], [sflag:s11] =	dma.strided [hbm:s0@s24], $0x100, s23, $0x10   }
0xdb: {  	s0 =	sld [smem:$0x12];
	_ =	sdelay $0x2  }
0xdc: {  	s25 =	sadd.s32 s4, s0  }
0xdd: {  	s3 =	sld [smem:$0x7ED];
	s0 =	sshll.u32 s0, $0x7;
	s2 =	sshll.u32 s25, $0xB  }
0xde: {  	s0 =	sand.u32 $0x380, s0;
	s2 =	sand.u32 $0xFFFFC000, s2  }
0xdf: {  	s0 =	sor.u32 s0, s2  }
0xe0: {  	s2 =	sshrl.u32 s3, $0x3;
	s0 =	sshrl.u32 s0, $0x3  }
0xe1: {  	[smem:$0x7E6] =	sst s2;
	s0 =	sadd.s32 s1, s0  }
0xe2: {  	[spmem:s2@s24], [sflag:s11] =	dma.strided [hbm:s0@s24], $0x100, s23, $0x10   }
0xe3: {  	s0 =	sld [smem:$0x13];
	_ =	sdelay $0x2  }
0xe4: {  	s5 =	sadd.s32 s4, s0  }
0xe5: {  	s8 =	sld [smem:$0x7EE];
	s0 =	sshll.u32 s0, $0x7;
	s2 =	sshll.u32 s5, $0xB  }
0xe6: {  	s0 =	sand.u32 $0x380, s0;
	s2 =	sand.u32 $0xFFFFC000, s2  }
0xe7: {  	s0 =	sor.u32 s0, s2  }
0xe8: {  	s2 =	sshrl.u32 s8, $0x3;
	s0 =	sshrl.u32 s0, $0x3  }
0xe9: {  	[smem:$0x7E7] =	sst s2;
	s0 =	sadd.s32 s1, s0  }
0xea: {  	[spmem:s2@s24], [sflag:s11] =	dma.strided [hbm:s0@s24], $0x100, s23, $0x10   }
0xeb: {  	s0 =	sld [smem:$0x14];
	_ =	sdelay $0x2  }
0xec: {  	s10 =	sadd.s32 s4, s0  }
0xed: {  	s12 =	sld [smem:$0x7EF];
	s0 =	sshll.u32 s0, $0x7;
	s2 =	sshll.u32 s10, $0xB  }
0xee: {  	s0 =	sand.u32 $0x380, s0;
	s2 =	sand.u32 $0xFFFFC000, s2  }
0xef: {  	s0 =	sor.u32 s0, s2  }
0xf0: {  	s2 =	sshrl.u32 s12, $0x3;
	s0 =	sshrl.u32 s0, $0x3  }
0xf1: {  	[smem:$0x7E8] =	sst s2;
	s0 =	sadd.s32 s1, s0  }
0xf2: {  	[spmem:s2@s24], [sflag:s11] =	dma.strided [hbm:s0@s24], $0x100, s23, $0x10   }
0xf3: {  	s0 =	sld [smem:$0x15];
	_ =	sdelay $0x2  }
0xf4: {  	s14 =	sadd.s32 s4, s0  }
0xf5: {  	s15 =	sld [smem:$0x7F0];
	s0 =	sshll.u32 s0, $0x7;
	s2 =	sshll.u32 s14, $0xB  }
0xf6: {  	s0 =	sand.u32 $0x380, s0;
	s2 =	sand.u32 $0xFFFFC000, s2  }
0xf7: {  	s0 =	sor.u32 s0, s2  }
0xf8: {  	s2 =	sshrl.u32 s15, $0x3;
	s0 =	sshrl.u32 s0, $0x3  }
0xf9: {  	[smem:$0x7E9] =	sst s2;
	s0 =	sadd.s32 s1, s0  }
0xfa: {  	[spmem:s2@s24], [sflag:s11] =	dma.strided [hbm:s0@s24], $0x100, s23, $0x10   }
0xfb: {  	s0 =	sld [smem:$0x16];
	_ =	sdelay $0x2  }
0xfc: {  	s16 =	sadd.s32 s4, s0  }
0xfd: {  	s17 =	sld [smem:$0x7F1];
	s0 =	sshll.u32 s0, $0x7;
	s2 =	sshll.u32 s16, $0xB  }
0xfe: {  	s0 =	sand.u32 $0x380, s0;
	s2 =	sand.u32 $0xFFFFC000, s2  }
0xff: {  	s0 =	sor.u32 s0, s2  }
0x100: {  	s2 =	sshrl.u32 s17, $0x3;
	s0 =	sshrl.u32 s0, $0x3  }
0x101: {  	[smem:$0x7EA] =	sst s2;
	s0 =	sadd.s32 s1, s0  }
0x102: {  	[spmem:s2@s24], [sflag:s11] =	dma.strided [hbm:s0@s24], $0x100, s23, $0x10   }
0x103: {  	s0 =	sld [smem:$0x17];
	_ =	sdelay $0x2  }
0x104: {  	s19 =	sadd.s32 s4, s0  }
0x105: {  	s22 =	sld [smem:$0x7F2];
	s0 =	sshll.u32 s0, $0x7;
	s2 =	sshll.u32 s19, $0xB  }
0x106: {  	s0 =	sand.u32 $0x380, s0;
	s2 =	sand.u32 $0xFFFFC000, s2  }
0x107: {  	s0 =	sor.u32 s0, s2  }
0x108: {  	s2 =	sshrl.u32 s22, $0x3;
	s0 =	sshrl.u32 s0, $0x3  }
0x109: {  	[smem:$0x7EB] =	sst s2;
	s0 =	sadd.s32 s1, s0  }
0x10a: {  	[spmem:s2@s24], [sflag:s11] =	dma.strided [hbm:s0@s24], $0x100, s23, $0x10   }
0x10b: {  	s0 =	sld [smem:$0x18];
	_ =	sdelay $0x2  }
0x10c: {  	s25 =	sadd.s32 s4, s0  }
0x10d: {  	s0 =	sshll.u32 s0, $0x7;
	s2 =	sshll.u32 s25, $0xB  }
0x10e: {  	s3 =	sld [smem:$0x7F3];
	s0 =	sand.u32 $0x380, s0;
	s2 =	sand.u32 $0xFFFFC000, s2  }
0x10f: {  	s0 =	sor.u32 s0, s2  }
0x110: {  	s0 =	sshrl.u32 s0, $0x3  }
0x111: {  	s22 =	sor.u32 $0x1C04, s7;
	s10 =	sshrl.u32 s3, $0x3;
	s0 =	sadd.s32 s1, s0  }
0x112: {  	[spmem:s10@s24], [sflag:s22] =	dma.strided [hbm:s0@s24], $0x100, s23, $0x10   }
0x113: {  	s0 =	sld [smem:$0x19];
	_ =	sdelay $0x2  }
0x114: {  	s5 =	sadd.s32 s4, s0  }
0x115: {  	s0 =	sshll.u32 s0, $0x7;
	s2 =	sshll.u32 s5, $0xB  }
0x116: {  	s8 =	sld [smem:$0x7F4];
	s0 =	sand.u32 $0x380, s0;
	s2 =	sand.u32 $0xFFFFC000, s2  }
0x117: {  	s0 =	sor.u32 s0, s2  }
0x118: {  	s0 =	sshrl.u32 s0, $0x3  }
0x119: {  	s8 =	sshrl.u32 s8, $0x3;
	s0 =	sadd.s32 s1, s0  }
0x11a: {  	[spmem:s8@s24], [sflag:s22] =	dma.strided [hbm:s0@s24], $0x100, s23, $0x10   }
0x11b: {  	s0 =	sld [smem:$0x1A];
	_ =	sdelay $0x2  }
0x11c: {  	s12 =	sadd.s32 s4, s0  }
0x11d: {  	s0 =	sshll.u32 s0, $0x7;
	s2 =	sshll.u32 s12, $0xB  }
0x11e: {  	s14 =	sld [smem:$0x7F5];
	s0 =	sand.u32 $0x380, s0;
	s2 =	sand.u32 $0xFFFFC000, s2  }
0x11f: {  	s0 =	sor.u32 s0, s2  }
0x120: {  	s0 =	sshrl.u32 s0, $0x3  }
0x121: {  	s5 =	sshrl.u32 s14, $0x3;
	s0 =	sadd.s32 s1, s0  }
0x122: {  	[spmem:s5@s24], [sflag:s22] =	dma.strided [hbm:s0@s24], $0x100, s23, $0x10   }
0x123: {  	s0 =	sld [smem:$0x1B];
	_ =	sdelay $0x2  }
0x124: {  	s15 =	sadd.s32 s4, s0  }
0x125: {  	s0 =	sshll.u32 s0, $0x7;
	s2 =	sshll.u32 s15, $0xB  }
0x126: {  	s16 =	sld [smem:$0x7F6];
	s0 =	sand.u32 $0x380, s0;
	s2 =	sand.u32 $0xFFFFC000, s2  }
0x127: {  	s0 =	sor.u32 s0, s2  }
0x128: {  	s0 =	sshrl.u32 s0, $0x3  }
0x129: {  	s25 =	sshrl.u32 s16, $0x3;
	s0 =	sadd.s32 s1, s0  }
0x12a: {  	[spmem:s25@s24], [sflag:s22] =	dma.strided [hbm:s0@s24], $0x100, s23, $0x10   }
0x12b: {  	s0 =	sld [smem:$0x1C];
	_ =	sdelay $0x2  }
0x12c: {  	s17 =	sadd.s32 s4, s0  }
0x12d: {  	s0 =	sshll.u32 s0, $0x7;
	s2 =	sshll.u32 s17, $0xB  }
0x12e: {  	s19 =	sld [smem:$0x7F7];
	s0 =	sand.u32 $0x380, s0;
	s2 =	sand.u32 $0xFFFFC000, s2  }
0x12f: {  	s0 =	sor.u32 s0, s2  }
0x130: {  	s0 =	sshrl.u32 s0, $0x3  }
0x131: {  	s30 =	sshrl.u32 s19, $0x3;
	s0 =	sadd.s32 s1, s0  }
0x132: {  	[spmem:s30@s24], [sflag:s22] =	dma.strided [hbm:s0@s24], $0x100, s23, $0x10   }
0x133: {  	s0 =	sld [smem:$0x1D];
	_ =	sdelay $0x2  }
0x134: {  	s3 =	sadd.s32 s4, s0  }
0x135: {  	s0 =	sshll.u32 s0, $0x7;
	s2 =	sshll.u32 s3, $0xB  }
0x136: {  	s12 =	sld [smem:$0x7F8];
	s0 =	sand.u32 $0x380, s0;
	s2 =	sand.u32 $0xFFFFC000, s2  }
0x137: {  	s0 =	sor.u32 s0, s2  }
0x138: {  	s0 =	sshrl.u32 s0, $0x3  }
0x139: {  	s31 =	sshrl.u32 s12, $0x3;
	s0 =	sadd.s32 s1, s0  }
0x13a: {  	[spmem:s31@s24], [sflag:s22] =	dma.strided [hbm:s0@s24], $0x100, s23, $0x10   }
0x13b: {  	s0 =	sld [smem:$0x1E];
	_ =	sdelay $0x2  }
0x13c: {  	s14 =	sadd.s32 s4, s0  }
0x13d: {  	s0 =	sshll.u32 s0, $0x7;
	s2 =	sshll.u32 s14, $0xB  }
0x13e: {  	s16 =	sld [smem:$0x7F9];
	s0 =	sand.u32 $0x380, s0;
	s2 =	sand.u32 $0xFFFFC000, s2  }
0x13f: {  	s0 =	sor.u32 s0, s2  }
0x140: {  	s0 =	sshrl.u32 s0, $0x3  }
0x141: {  	s15 =	sadd.s32 s1, s0;
	s0 =	sshrl.u32 s16, $0x3  }
0x142: {  	[spmem:s0@s24], [sflag:s22] =	dma.strided [hbm:s15@s24], $0x100, s23, $0x10   }
0x143: {  	s2 =	sld [smem:$0x1F];
	_ =	sdelay $0x2  }
0x144: {  	s17 =	sadd.s32 s4, s2  }
0x145: {  	s2 =	sshll.u32 s2, $0x7;
	s3 =	sshll.u32 s17, $0xB  }
0x146: {  	s19 =	sld [smem:$0x7FA];
	s2 =	sand.u32 $0x380, s2;
	s3 =	sand.u32 $0xFFFFC000, s3  }
0x147: {  	s2 =	sor.u32 s2, s3  }
0x148: {  	s2 =	sshrl.u32 s2, $0x3  }
0x149: {  	s3 =	sshrl.u32 s19, $0x3;
	s2 =	sadd.s32 s1, s2  }
0x14a: {  	[spmem:s3@s24], [sflag:s22] =	dma.strided [hbm:s2@s24], $0x100, s23, $0x10   }
0x14b: {  	s12 =	simm.s32 $0x0;
	s2 =	simm.s32 $0x3F  }
.LBB2_2:
0x14c: {  	_ =	swait.ge [sflag:s23], $0x100  }
0x14d: {  	[sflag:s23] =	ssyncset.done $0x0  }
0x14e: {  	[sflag:s23] =	ssyncadd.s32 $0xFFFFFF00  }
0x14f: {  	_ =	swait.ge [sflag:s23], $0x100  }
0x150: {  	[sflag:s23] =	ssyncset.done $0x0  }
0x151: {  	[sflag:s23] =	ssyncadd.s32 $0xFFFFFF00  }
0x152: {  	_ =	swait.ge [sflag:s23], $0x100  }
0x153: {  	[sflag:s23] =	ssyncset.done $0x0  }
0x154: {  	[sflag:s23] =	ssyncadd.s32 $0xFFFFFF00  }
0x155: {  	_ =	swait.ge [sflag:s23], $0x100  }
0x156: {  	[sflag:s23] =	ssyncset.done $0x0  }
0x157: {  	[sflag:s23] =	ssyncadd.s32 $0xFFFFFF00  }
0x158: {  	_ =	swait.ge [sflag:s23], $0x100  }
0x159: {  	[sflag:s23] =	ssyncset.done $0x0  }
0x15a: {  	[sflag:s23] =	ssyncadd.s32 $0xFFFFFF00  }
0x15b: {  	_ =	swait.ge [sflag:s23], $0x100  }
0x15c: {  	[sflag:s23] =	ssyncset.done $0x0  }
0x15d: {  	[sflag:s23] =	ssyncadd.s32 $0xFFFFFF00  }
0x15e: {  	_ =	swait.ge [sflag:s23], $0x100  }
0x15f: {  	[sflag:s23] =	ssyncset.done $0x0  }
0x160: {  	[sflag:s23] =	ssyncadd.s32 $0xFFFFFF00  }
0x161: {  	_ =	swait.ge [sflag:s23], $0x100  }
0x162: {  	s14 =	rddreg [dreg:$0x6];
	[sflag:s23] =	ssyncset.done $0x0  }
0x163: {  	[sflag:s23] =	ssyncadd.s32 $0xFFFFFF00;
	s17 =	sadd.s32 s12, s14;
	s14 =	sor.u32 $0x1C05, s7  }
0x164: {  	[hbm:s17], [sflag:s14] =	dma.local [spmem:s6], $0x800  }
0x165: {  	_ =	swait.ge [sflag:s26], $0x100  }
0x166: {  	[sflag:s26] =	ssyncset.done $0x0  }
0x167: {  	[sflag:s26] =	ssyncadd.s32 $0xFFFFFF00  }
0x168: {  	_ =	swait.ge [sflag:s26], $0x100  }
0x169: {  	[sflag:s26] =	ssyncset.done $0x0  }
0x16a: {  	[sflag:s26] =	ssyncadd.s32 $0xFFFFFF00  }
0x16b: {  	_ =	swait.ge [sflag:s26], $0x100  }
0x16c: {  	[sflag:s26] =	ssyncset.done $0x0  }
0x16d: {  	[sflag:s26] =	ssyncadd.s32 $0xFFFFFF00  }
0x16e: {  	_ =	swait.ge [sflag:s26], $0x100  }
0x16f: {  	[sflag:s26] =	ssyncset.done $0x0  }
0x170: {  	[sflag:s26] =	ssyncadd.s32 $0xFFFFFF00  }
0x171: {  	_ =	swait.ge [sflag:s26], $0x100  }
0x172: {  	[sflag:s26] =	ssyncset.done $0x0  }
0x173: {  	[sflag:s26] =	ssyncadd.s32 $0xFFFFFF00  }
0x174: {  	_ =	swait.ge [sflag:s26], $0x100  }
0x175: {  	[sflag:s26] =	ssyncset.done $0x0  }
0x176: {  	[sflag:s26] =	ssyncadd.s32 $0xFFFFFF00  }
0x177: {  	_ =	swait.ge [sflag:s26], $0x100  }
0x178: {  	[sflag:s26] =	ssyncset.done $0x0  }
0x179: {  	[sflag:s26] =	ssyncadd.s32 $0xFFFFFF00  }
0x17a: {  	_ =	swait.ge [sflag:s26], $0x100  }
0x17b: {  	[sflag:s26] =	ssyncset.done $0x0  }
0x17c: {  	s15 =	sor.u32 $0x1C06, s7;
	s16 =	sadd.s32 $0x800, s17;
	[sflag:s26] =	ssyncadd.s32 $0xFFFFFF00  }
0x17d: {  	[hbm:s16], [sflag:s15] =	dma.local [spmem:s13], $0x800  }
0x17e: {  	_ =	swait.ge [sflag:s28], $0x100  }
0x17f: {  	[sflag:s28] =	ssyncset.done $0x0  }
0x180: {  	[sflag:s28] =	ssyncadd.s32 $0xFFFFFF00  }
0x181: {  	_ =	swait.ge [sflag:s28], $0x100  }
0x182: {  	[sflag:s28] =	ssyncset.done $0x0  }
0x183: {  	[sflag:s28] =	ssyncadd.s32 $0xFFFFFF00  }
0x184: {  	_ =	swait.ge [sflag:s28], $0x100  }
0x185: {  	[sflag:s28] =	ssyncset.done $0x0  }
0x186: {  	[sflag:s28] =	ssyncadd.s32 $0xFFFFFF00  }
0x187: {  	_ =	swait.ge [sflag:s28], $0x100  }
0x188: {  	[sflag:s28] =	ssyncset.done $0x0  }
0x189: {  	[sflag:s28] =	ssyncadd.s32 $0xFFFFFF00  }
0x18a: {  	_ =	swait.ge [sflag:s28], $0x100  }
0x18b: {  	[sflag:s28] =	ssyncset.done $0x0  }
0x18c: {  	[sflag:s28] =	ssyncadd.s32 $0xFFFFFF00  }
0x18d: {  	_ =	swait.ge [sflag:s28], $0x100  }
0x18e: {  	[sflag:s28] =	ssyncset.done $0x0  }
0x18f: {  	[sflag:s28] =	ssyncadd.s32 $0xFFFFFF00  }
0x190: {  	_ =	swait.ge [sflag:s28], $0x100  }
0x191: {  	[sflag:s28] =	ssyncset.done $0x0  }
0x192: {  	[sflag:s28] =	ssyncadd.s32 $0xFFFFFF00  }
0x193: {  	_ =	swait.ge [sflag:s28], $0x100  }
0x194: {  	[sflag:s28] =	ssyncset.done $0x0  }
0x195: {  	s19 =	sadd.s32 $0x1000, s17;
	s16 =	sor.u32 $0x1C07, s7;
	[sflag:s28] =	ssyncadd.s32 $0xFFFFFF00  }
0x196: {  	[hbm:s19], [sflag:s16] =	dma.local [spmem:s20], $0x800  }
0x197: {  	_ =	swait.ge [sflag:s29], $0x100  }
0x198: {  	[sflag:s29] =	ssyncset.done $0x0  }
0x199: {  	[sflag:s29] =	ssyncadd.s32 $0xFFFFFF00  }
0x19a: {  	_ =	swait.ge [sflag:s29], $0x100  }
0x19b: {  	[sflag:s29] =	ssyncset.done $0x0  }
0x19c: {  	[sflag:s29] =	ssyncadd.s32 $0xFFFFFF00  }
0x19d: {  	_ =	swait.ge [sflag:s29], $0x100  }
0x19e: {  	[sflag:s29] =	ssyncset.done $0x0  }
0x19f: {  	[sflag:s29] =	ssyncadd.s32 $0xFFFFFF00  }
0x1a0: {  	_ =	swait.ge [sflag:s29], $0x100  }
0x1a1: {  	[sflag:s29] =	ssyncset.done $0x0  }
0x1a2: {  	[sflag:s29] =	ssyncadd.s32 $0xFFFFFF00  }
0x1a3: {  	_ =	swait.ge [sflag:s29], $0x100  }
0x1a4: {  	[sflag:s29] =	ssyncset.done $0x0  }
0x1a5: {  	[sflag:s29] =	ssyncadd.s32 $0xFFFFFF00  }
0x1a6: {  	_ =	swait.ge [sflag:s29], $0x100  }
0x1a7: {  	[sflag:s29] =	ssyncset.done $0x0  }
0x1a8: {  	[sflag:s29] =	ssyncadd.s32 $0xFFFFFF00  }
0x1a9: {  	_ =	swait.ge [sflag:s29], $0x100  }
0x1aa: {  	[sflag:s29] =	ssyncset.done $0x0  }
0x1ab: {  	[sflag:s29] =	ssyncadd.s32 $0xFFFFFF00  }
0x1ac: {  	_ =	swait.ge [sflag:s29], $0x100  }
0x1ad: {  	[sflag:s29] =	ssyncset.done $0x0  }
0x1ae: {  	s19 =	sadd.s32 $0x1800, s17;
	s17 =	sor.u32 $0x1C08, s7;
	[sflag:s29] =	ssyncadd.s32 $0xFFFFFF00  }
0x1af: {  	[hbm:s19], [sflag:s17] =	dma.local [spmem:s10], $0x800  }
0x1b0: {  	_ =	swait.ge [sflag:s21], $0x800  }
0x1b1: {  	[sflag:s21] =	ssyncset.done $0x0  }
0x1b2: {  	[sflag:s21] =	ssyncadd.s32 $0xFFFFF800  }
0x1b3: {  	s19 =	sld [smem:s2+$0xFFFFFFE1];
	_ =	sdelay $0x2  }
0x1b4: {  	s21 =	sadd.s32 s4, s19  }
0x1b5: {  	s19 =	sshll.u32 s19, $0x7;
	s21 =	sshll.u32 s21, $0xB  }
0x1b6: {  	s19 =	sand.u32 $0x380, s19;
	s21 =	sand.u32 $0xFFFFC000, s21  }
0x1b7: {  	s19 =	sor.u32 s19, s21  }
0x1b8: {  	s19 =	sshrl.u32 s19, $0x3  }
0x1b9: {  	s19 =	sadd.s32 s1, s19  }
0x1ba: {  	[spmem:s6@s24], [sflag:s9] =	dma.strided [hbm:s19@s24], $0x100, s23, $0x10   }
0x1bb: {  	s19 =	sld [smem:s2+$0xFFFFFFE2];
	_ =	sdelay $0x2  }
0x1bc: {  	s21 =	sadd.s32 s4, s19  }
0x1bd: {  	s19 =	sshll.u32 s19, $0x7;
	s21 =	sshll.u32 s21, $0xB  }
0x1be: {  	s19 =	sand.u32 $0x380, s19;
	s21 =	sand.u32 $0xFFFFC000, s21  }
0x1bf: {  	s19 =	sor.u32 s19, s21;
	s21 =	sld [smem:$0x7D7]  }
0x1c0: {  	s19 =	sshrl.u32 s19, $0x3  }
0x1c1: {  	s19 =	sadd.s32 s1, s19  }
0x1c2: {  	[spmem:s21@s24], [sflag:s9] =	dma.strided [hbm:s19@s24], $0x100, s23, $0x10   }
0x1c3: {  	s19 =	sld [smem:s2+$0xFFFFFFE3];
	_ =	sdelay $0x2  }
0x1c4: {  	s21 =	sadd.s32 s4, s19  }
0x1c5: {  	s19 =	sshll.u32 s19, $0x7;
	s21 =	sshll.u32 s21, $0xB  }
0x1c6: {  	s19 =	sand.u32 $0x380, s19;
	s21 =	sand.u32 $0xFFFFC000, s21  }
0x1c7: {  	s19 =	sor.u32 s19, s21;
	s21 =	sld [smem:$0x7D8]  }
0x1c8: {  	s19 =	sshrl.u32 s19, $0x3  }
0x1c9: {  	s19 =	sadd.s32 s1, s19  }
0x1ca: {  	[spmem:s21@s24], [sflag:s9] =	dma.strided [hbm:s19@s24], $0x100, s23, $0x10   }
0x1cb: {  	s19 =	sld [smem:s2+$0xFFFFFFE4];
	_ =	sdelay $0x2  }
0x1cc: {  	s21 =	sadd.s32 s4, s19  }
0x1cd: {  	s19 =	sshll.u32 s19, $0x7;
	s21 =	sshll.u32 s21, $0xB  }
0x1ce: {  	s19 =	sand.u32 $0x380, s19;
	s21 =	sand.u32 $0xFFFFC000, s21  }
0x1cf: {  	s19 =	sor.u32 s19, s21;
	s21 =	sld [smem:$0x7D9]  }
0x1d0: {  	s19 =	sshrl.u32 s19, $0x3  }
0x1d1: {  	s19 =	sadd.s32 s1, s19  }
0x1d2: {  	[spmem:s21@s24], [sflag:s9] =	dma.strided [hbm:s19@s24], $0x100, s23, $0x10   }
0x1d3: {  	s19 =	sld [smem:s2+$0xFFFFFFE5];
	_ =	sdelay $0x2  }
0x1d4: {  	s21 =	sadd.s32 s4, s19  }
0x1d5: {  	s19 =	sshll.u32 s19, $0x7;
	s21 =	sshll.u32 s21, $0xB  }
0x1d6: {  	s19 =	sand.u32 $0x380, s19;
	s21 =	sand.u32 $0xFFFFC000, s21  }
0x1d7: {  	s19 =	sor.u32 s19, s21;
	s21 =	sld [smem:$0x7DA]  }
0x1d8: {  	s19 =	sshrl.u32 s19, $0x3  }
0x1d9: {  	s19 =	sadd.s32 s1, s19  }
0x1da: {  	[spmem:s21@s24], [sflag:s9] =	dma.strided [hbm:s19@s24], $0x100, s23, $0x10   }
0x1db: {  	s19 =	sld [smem:s2+$0xFFFFFFE6];
	_ =	sdelay $0x2  }
0x1dc: {  	s21 =	sadd.s32 s4, s19  }
0x1dd: {  	s19 =	sshll.u32 s19, $0x7;
	s21 =	sshll.u32 s21, $0xB  }
0x1de: {  	s19 =	sand.u32 $0x380, s19;
	s21 =	sand.u32 $0xFFFFC000, s21  }
0x1df: {  	s19 =	sor.u32 s19, s21;
	s21 =	sld [smem:$0x7DB]  }
0x1e0: {  	s19 =	sshrl.u32 s19, $0x3  }
0x1e1: {  	s19 =	sadd.s32 s1, s19  }
0x1e2: {  	[spmem:s21@s24], [sflag:s9] =	dma.strided [hbm:s19@s24], $0x100, s23, $0x10   }
0x1e3: {  	s19 =	sld [smem:s2+$0xFFFFFFE7];
	_ =	sdelay $0x2  }
0x1e4: {  	s21 =	sadd.s32 s4, s19  }
0x1e5: {  	s19 =	sshll.u32 s19, $0x7;
	s21 =	sshll.u32 s21, $0xB  }
0x1e6: {  	s19 =	sand.u32 $0x380, s19;
	s21 =	sand.u32 $0xFFFFC000, s21  }
0x1e7: {  	s19 =	sor.u32 s19, s21;
	s21 =	sld [smem:$0x7DC]  }
0x1e8: {  	s19 =	sshrl.u32 s19, $0x3  }
0x1e9: {  	s19 =	sadd.s32 s1, s19  }
0x1ea: {  	[spmem:s21@s24], [sflag:s9] =	dma.strided [hbm:s19@s24], $0x100, s23, $0x10   }
0x1eb: {  	s19 =	sld [smem:s2+$0xFFFFFFE8];
	_ =	sdelay $0x2  }
0x1ec: {  	s21 =	sadd.s32 s4, s19  }
0x1ed: {  	s19 =	sshll.u32 s19, $0x7;
	s21 =	sshll.u32 s21, $0xB  }
0x1ee: {  	s19 =	sand.u32 $0x380, s19;
	s21 =	sand.u32 $0xFFFFC000, s21  }
0x1ef: {  	s19 =	sor.u32 s19, s21;
	s21 =	sld [smem:$0x7DD]  }
0x1f0: {  	s19 =	sshrl.u32 s19, $0x3  }
0x1f1: {  	s19 =	sadd.s32 s1, s19  }
0x1f2: {  	[spmem:s21@s24], [sflag:s9] =	dma.strided [hbm:s19@s24], $0x100, s23, $0x10   }
0x1f3: {  	s21 =	simm.s32 $0x6  }
0x1f4: {  	_ =	swait.ge [sflag:s21], $0x800  }
0x1f5: {  	[sflag:s21] =	ssyncset.done $0x0  }
0x1f6: {  	[sflag:s21] =	ssyncadd.s32 $0xFFFFF800  }
0x1f7: {  	s19 =	sld [smem:s2+$0xFFFFFFE9];
	_ =	sdelay $0x2  }
0x1f8: {  	s21 =	sadd.s32 s4, s19  }
0x1f9: {  	s19 =	sshll.u32 s19, $0x7;
	s21 =	sshll.u32 s21, $0xB  }
0x1fa: {  	s19 =	sand.u32 $0x380, s19;
	s21 =	sand.u32 $0xFFFFC000, s21  }
0x1fb: {  	s19 =	sor.u32 s19, s21  }
0x1fc: {  	s19 =	sshrl.u32 s19, $0x3  }
0x1fd: {  	s19 =	sadd.s32 s1, s19  }
0x1fe: {  	[spmem:s13@s24], [sflag:s18] =	dma.strided [hbm:s19@s24], $0x100, s23, $0x10   }
0x1ff: {  	s19 =	sld [smem:s2+$0xFFFFFFEA];
	_ =	sdelay $0x2  }
0x200: {  	s21 =	sadd.s32 s4, s19  }
0x201: {  	s19 =	sshll.u32 s19, $0x7;
	s21 =	sshll.u32 s21, $0xB  }
0x202: {  	s19 =	sand.u32 $0x380, s19;
	s21 =	sand.u32 $0xFFFFC000, s21  }
0x203: {  	s19 =	sor.u32 s19, s21;
	s21 =	sld [smem:$0x7DE]  }
0x204: {  	s19 =	sshrl.u32 s19, $0x3  }
0x205: {  	s19 =	sadd.s32 s1, s19  }
0x206: {  	[spmem:s21@s24], [sflag:s18] =	dma.strided [hbm:s19@s24], $0x100, s23, $0x10   }
0x207: {  	s19 =	sld [smem:s2+$0xFFFFFFEB];
	_ =	sdelay $0x2  }
0x208: {  	s21 =	sadd.s32 s4, s19  }
0x209: {  	s19 =	sshll.u32 s19, $0x7;
	s21 =	sshll.u32 s21, $0xB  }
0x20a: {  	s19 =	sand.u32 $0x380, s19;
	s21 =	sand.u32 $0xFFFFC000, s21  }
0x20b: {  	s19 =	sor.u32 s19, s21;
	s21 =	sld [smem:$0x7DF]  }
0x20c: {  	s19 =	sshrl.u32 s19, $0x3  }
0x20d: {  	s19 =	sadd.s32 s1, s19  }
0x20e: {  	[spmem:s21@s24], [sflag:s18] =	dma.strided [hbm:s19@s24], $0x100, s23, $0x10   }
0x20f: {  	s19 =	sld [smem:s2+$0xFFFFFFEC];
	_ =	sdelay $0x2  }
0x210: {  	s21 =	sadd.s32 s4, s19  }
0x211: {  	s19 =	sshll.u32 s19, $0x7;
	s21 =	sshll.u32 s21, $0xB  }
0x212: {  	s19 =	sand.u32 $0x380, s19;
	s21 =	sand.u32 $0xFFFFC000, s21  }
0x213: {  	s19 =	sor.u32 s19, s21;
	s21 =	sld [smem:$0x7E0]  }
0x214: {  	s19 =	sshrl.u32 s19, $0x3  }
0x215: {  	s19 =	sadd.s32 s1, s19  }
0x216: {  	[spmem:s21@s24], [sflag:s18] =	dma.strided [hbm:s19@s24], $0x100, s23, $0x10   }
0x217: {  	s19 =	sld [smem:s2+$0xFFFFFFED];
	_ =	sdelay $0x2  }
0x218: {  	s21 =	sadd.s32 s4, s19  }
0x219: {  	s19 =	sshll.u32 s19, $0x7;
	s21 =	sshll.u32 s21, $0xB  }
0x21a: {  	s19 =	sand.u32 $0x380, s19;
	s21 =	sand.u32 $0xFFFFC000, s21  }
0x21b: {  	s19 =	sor.u32 s19, s21;
	s21 =	sld [smem:$0x7E1]  }
0x21c: {  	s19 =	sshrl.u32 s19, $0x3  }
0x21d: {  	s19 =	sadd.s32 s1, s19  }
0x21e: {  	[spmem:s21@s24], [sflag:s18] =	dma.strided [hbm:s19@s24], $0x100, s23, $0x10   }
0x21f: {  	s19 =	sld [smem:s2+$0xFFFFFFEE];
	_ =	sdelay $0x2  }
0x220: {  	s21 =	sadd.s32 s4, s19  }
0x221: {  	s19 =	sshll.u32 s19, $0x7;
	s21 =	sshll.u32 s21, $0xB  }
0x222: {  	s19 =	sand.u32 $0x380, s19;
	s21 =	sand.u32 $0xFFFFC000, s21  }
0x223: {  	s19 =	sor.u32 s19, s21;
	s21 =	sld [smem:$0x7E2]  }
0x224: {  	s19 =	sshrl.u32 s19, $0x3  }
0x225: {  	s19 =	sadd.s32 s1, s19  }
0x226: {  	[spmem:s21@s24], [sflag:s18] =	dma.strided [hbm:s19@s24], $0x100, s23, $0x10   }
0x227: {  	s19 =	sld [smem:s2+$0xFFFFFFEF];
	_ =	sdelay $0x2  }
0x228: {  	s21 =	sadd.s32 s4, s19  }
0x229: {  	s19 =	sshll.u32 s19, $0x7;
	s21 =	sshll.u32 s21, $0xB  }
0x22a: {  	s19 =	sand.u32 $0x380, s19;
	s21 =	sand.u32 $0xFFFFC000, s21  }
0x22b: {  	s19 =	sor.u32 s19, s21;
	s21 =	sld [smem:$0x7E3]  }
0x22c: {  	s19 =	sshrl.u32 s19, $0x3  }
0x22d: {  	s19 =	sadd.s32 s1, s19  }
0x22e: {  	[spmem:s21@s24], [sflag:s18] =	dma.strided [hbm:s19@s24], $0x100, s23, $0x10   }
0x22f: {  	s19 =	sld [smem:s2+$0xFFFFFFF0];
	_ =	sdelay $0x2  }
0x230: {  	s21 =	sadd.s32 s4, s19  }
0x231: {  	s19 =	sshll.u32 s19, $0x7;
	s21 =	sshll.u32 s21, $0xB  }
0x232: {  	s19 =	sand.u32 $0x380, s19;
	s21 =	sand.u32 $0xFFFFC000, s21  }
0x233: {  	s19 =	sor.u32 s19, s21;
	s21 =	sld [smem:$0x7E4]  }
0x234: {  	s19 =	sshrl.u32 s19, $0x3  }
0x235: {  	s19 =	sadd.s32 s1, s19  }
0x236: {  	[spmem:s21@s24], [sflag:s18] =	dma.strided [hbm:s19@s24], $0x100, s23, $0x10   }
0x237: {  	s21 =	simm.s32 $0x7  }
0x238: {  	_ =	swait.ge [sflag:s21], $0x800  }
0x239: {  	[sflag:s21] =	ssyncset.done $0x0  }
0x23a: {  	[sflag:s21] =	ssyncadd.s32 $0xFFFFF800  }
0x23b: {  	s19 =	sld [smem:s2+$0xFFFFFFF1];
	_ =	sdelay $0x2  }
0x23c: {  	s21 =	sadd.s32 s4, s19  }
0x23d: {  	s19 =	sshll.u32 s19, $0x7;
	s21 =	sshll.u32 s21, $0xB  }
0x23e: {  	s19 =	sand.u32 $0x380, s19;
	s21 =	sand.u32 $0xFFFFC000, s21  }
0x23f: {  	s19 =	sor.u32 s19, s21  }
0x240: {  	s19 =	sshrl.u32 s19, $0x3  }
0x241: {  	s19 =	sadd.s32 s1, s19  }
0x242: {  	[spmem:s20@s24], [sflag:s11] =	dma.strided [hbm:s19@s24], $0x100, s23, $0x10   }
0x243: {  	s19 =	sld [smem:s2+$0xFFFFFFF2];
	_ =	sdelay $0x2  }
0x244: {  	s21 =	sadd.s32 s4, s19  }
0x245: {  	s19 =	sshll.u32 s19, $0x7;
	s21 =	sshll.u32 s21, $0xB  }
0x246: {  	s19 =	sand.u32 $0x380, s19;
	s21 =	sand.u32 $0xFFFFC000, s21  }
0x247: {  	s19 =	sor.u32 s19, s21;
	s21 =	sld [smem:$0x7E5]  }
0x248: {  	s19 =	sshrl.u32 s19, $0x3  }
0x249: {  	s19 =	sadd.s32 s1, s19  }
0x24a: {  	[spmem:s21@s24], [sflag:s11] =	dma.strided [hbm:s19@s24], $0x100, s23, $0x10   }
0x24b: {  	s19 =	sld [smem:s2+$0xFFFFFFF3];
	_ =	sdelay $0x2  }
0x24c: {  	s21 =	sadd.s32 s4, s19  }
0x24d: {  	s19 =	sshll.u32 s19, $0x7;
	s21 =	sshll.u32 s21, $0xB  }
0x24e: {  	s19 =	sand.u32 $0x380, s19;
	s21 =	sand.u32 $0xFFFFC000, s21  }
0x24f: {  	s19 =	sor.u32 s19, s21;
	s21 =	sld [smem:$0x7E6]  }
0x250: {  	s19 =	sshrl.u32 s19, $0x3  }
0x251: {  	s19 =	sadd.s32 s1, s19  }
0x252: {  	[spmem:s21@s24], [sflag:s11] =	dma.strided [hbm:s19@s24], $0x100, s23, $0x10   }
0x253: {  	s19 =	sld [smem:s2+$0xFFFFFFF4];
	_ =	sdelay $0x2  }
0x254: {  	s21 =	sadd.s32 s4, s19  }
0x255: {  	s19 =	sshll.u32 s19, $0x7;
	s21 =	sshll.u32 s21, $0xB  }
0x256: {  	s19 =	sand.u32 $0x380, s19;
	s21 =	sand.u32 $0xFFFFC000, s21  }
0x257: {  	s19 =	sor.u32 s19, s21;
	s21 =	sld [smem:$0x7E7]  }
0x258: {  	s19 =	sshrl.u32 s19, $0x3  }
0x259: {  	s19 =	sadd.s32 s1, s19  }
0x25a: {  	[spmem:s21@s24], [sflag:s11] =	dma.strided [hbm:s19@s24], $0x100, s23, $0x10   }
0x25b: {  	s19 =	sld [smem:s2+$0xFFFFFFF5];
	_ =	sdelay $0x2  }
0x25c: {  	s21 =	sadd.s32 s4, s19  }
0x25d: {  	s19 =	sshll.u32 s19, $0x7;
	s21 =	sshll.u32 s21, $0xB  }
0x25e: {  	s19 =	sand.u32 $0x380, s19;
	s21 =	sand.u32 $0xFFFFC000, s21  }
0x25f: {  	s19 =	sor.u32 s19, s21;
	s21 =	sld [smem:$0x7E8]  }
0x260: {  	s19 =	sshrl.u32 s19, $0x3  }
0x261: {  	s19 =	sadd.s32 s1, s19  }
0x262: {  	[spmem:s21@s24], [sflag:s11] =	dma.strided [hbm:s19@s24], $0x100, s23, $0x10   }
0x263: {  	s19 =	sld [smem:s2+$0xFFFFFFF6];
	_ =	sdelay $0x2  }
0x264: {  	s21 =	sadd.s32 s4, s19  }
0x265: {  	s19 =	sshll.u32 s19, $0x7;
	s21 =	sshll.u32 s21, $0xB  }
0x266: {  	s19 =	sand.u32 $0x380, s19;
	s21 =	sand.u32 $0xFFFFC000, s21  }
0x267: {  	s19 =	sor.u32 s19, s21;
	s21 =	sld [smem:$0x7E9]  }
0x268: {  	s19 =	sshrl.u32 s19, $0x3  }
0x269: {  	s19 =	sadd.s32 s1, s19  }
0x26a: {  	[spmem:s21@s24], [sflag:s11] =	dma.strided [hbm:s19@s24], $0x100, s23, $0x10   }
0x26b: {  	s19 =	sld [smem:s2+$0xFFFFFFF7];
	_ =	sdelay $0x2  }
0x26c: {  	s21 =	sadd.s32 s4, s19  }
0x26d: {  	s19 =	sshll.u32 s19, $0x7;
	s21 =	sshll.u32 s21, $0xB  }
0x26e: {  	s19 =	sand.u32 $0x380, s19;
	s21 =	sand.u32 $0xFFFFC000, s21  }
0x26f: {  	s19 =	sor.u32 s19, s21;
	s21 =	sld [smem:$0x7EA]  }
0x270: {  	s19 =	sshrl.u32 s19, $0x3  }
0x271: {  	s19 =	sadd.s32 s1, s19  }
0x272: {  	[spmem:s21@s24], [sflag:s11] =	dma.strided [hbm:s19@s24], $0x100, s23, $0x10   }
0x273: {  	s19 =	sld [smem:s2+$0xFFFFFFF8];
	_ =	sdelay $0x2  }
0x274: {  	s21 =	sadd.s32 s4, s19  }
0x275: {  	s19 =	sshll.u32 s19, $0x7;
	s21 =	sshll.u32 s21, $0xB  }
0x276: {  	s19 =	sand.u32 $0x380, s19;
	s21 =	sand.u32 $0xFFFFC000, s21  }
0x277: {  	s19 =	sor.u32 s19, s21;
	s21 =	sld [smem:$0x7EB]  }
0x278: {  	s19 =	sshrl.u32 s19, $0x3  }
0x279: {  	s19 =	sadd.s32 s1, s19  }
0x27a: {  	[spmem:s21@s24], [sflag:s11] =	dma.strided [hbm:s19@s24], $0x100, s23, $0x10   }
0x27b: {  	s21 =	simm.s32 $0x8  }
0x27c: {  	_ =	swait.ge [sflag:s21], $0x800  }
0x27d: {  	[sflag:s21] =	ssyncset.done $0x0  }
0x27e: {  	[sflag:s21] =	ssyncadd.s32 $0xFFFFF800  }
0x27f: {  	s19 =	sld [smem:s2+$0xFFFFFFF9];
	_ =	sdelay $0x2  }
0x280: {  	s21 =	sadd.s32 s4, s19  }
0x281: {  	s19 =	sshll.u32 s19, $0x7;
	s21 =	sshll.u32 s21, $0xB  }
0x282: {  	s19 =	sand.u32 $0x380, s19;
	s21 =	sand.u32 $0xFFFFC000, s21  }
0x283: {  	s19 =	sor.u32 s19, s21  }
0x284: {  	s19 =	sshrl.u32 s19, $0x3  }
0x285: {  	s19 =	sadd.s32 s1, s19  }
0x286: {  	[spmem:s10@s24], [sflag:s22] =	dma.strided [hbm:s19@s24], $0x100, s23, $0x10   }
0x287: {  	s19 =	sld [smem:s2+$0xFFFFFFFA];
	_ =	sdelay $0x2  }
0x288: {  	s21 =	sadd.s32 s4, s19  }
0x289: {  	s19 =	sshll.u32 s19, $0x7;
	s21 =	sshll.u32 s21, $0xB  }
0x28a: {  	s19 =	sand.u32 $0x380, s19;
	s21 =	sand.u32 $0xFFFFC000, s21  }
0x28b: {  	s19 =	sor.u32 s19, s21  }
0x28c: {  	s19 =	sshrl.u32 s19, $0x3  }
0x28d: {  	s19 =	sadd.s32 s1, s19  }
0x28e: {  	[spmem:s8@s24], [sflag:s22] =	dma.strided [hbm:s19@s24], $0x100, s23, $0x10   }
0x28f: {  	s19 =	sld [smem:s2+$0xFFFFFFFB];
	_ =	sdelay $0x2  }
0x290: {  	s21 =	sadd.s32 s4, s19  }
0x291: {  	s19 =	sshll.u32 s19, $0x7;
	s21 =	sshll.u32 s21, $0xB  }
0x292: {  	s19 =	sand.u32 $0x380, s19;
	s21 =	sand.u32 $0xFFFFC000, s21  }
0x293: {  	s19 =	sor.u32 s19, s21  }
0x294: {  	s19 =	sshrl.u32 s19, $0x3  }
0x295: {  	s19 =	sadd.s32 s1, s19  }
0x296: {  	[spmem:s5@s24], [sflag:s22] =	dma.strided [hbm:s19@s24], $0x100, s23, $0x10   }
0x297: {  	s19 =	sld [smem:s2+$0xFFFFFFFC];
	_ =	sdelay $0x2  }
0x298: {  	s21 =	sadd.s32 s4, s19  }
0x299: {  	s19 =	sshll.u32 s19, $0x7;
	s21 =	sshll.u32 s21, $0xB  }
0x29a: {  	s19 =	sand.u32 $0x380, s19;
	s21 =	sand.u32 $0xFFFFC000, s21  }
0x29b: {  	s19 =	sor.u32 s19, s21  }
0x29c: {  	s19 =	sshrl.u32 s19, $0x3  }
0x29d: {  	s19 =	sadd.s32 s1, s19  }
0x29e: {  	[spmem:s25@s24], [sflag:s22] =	dma.strided [hbm:s19@s24], $0x100, s23, $0x10   }
0x29f: {  	s19 =	sld [smem:s2+$0xFFFFFFFD];
	_ =	sdelay $0x2  }
0x2a0: {  	s21 =	sadd.s32 s4, s19  }
0x2a1: {  	s19 =	sshll.u32 s19, $0x7;
	s21 =	sshll.u32 s21, $0xB  }
0x2a2: {  	s19 =	sand.u32 $0x380, s19;
	s21 =	sand.u32 $0xFFFFC000, s21  }
0x2a3: {  	s19 =	sor.u32 s19, s21  }
0x2a4: {  	s19 =	sshrl.u32 s19, $0x3  }
0x2a5: {  	s19 =	sadd.s32 s1, s19  }
0x2a6: {  	[spmem:s30@s24], [sflag:s22] =	dma.strided [hbm:s19@s24], $0x100, s23, $0x10   }
0x2a7: {  	s19 =	sld [smem:s2+$0xFFFFFFFE];
	_ =	sdelay $0x2  }
0x2a8: {  	s21 =	sadd.s32 s4, s19  }
0x2a9: {  	s19 =	sshll.u32 s19, $0x7;
	s21 =	sshll.u32 s21, $0xB  }
0x2aa: {  	s19 =	sand.u32 $0x380, s19;
	s21 =	sand.u32 $0xFFFFC000, s21  }
0x2ab: {  	s19 =	sor.u32 s19, s21  }
0x2ac: {  	s19 =	sshrl.u32 s19, $0x3  }
0x2ad: {  	s19 =	sadd.s32 s1, s19  }
0x2ae: {  	[spmem:s31@s24], [sflag:s22] =	dma.strided [hbm:s19@s24], $0x100, s23, $0x10   }
0x2af: {  	s19 =	sld [smem:s2+$0xFFFFFFFF];
	_ =	sdelay $0x2  }
0x2b0: {  	s21 =	sadd.s32 s4, s19  }
0x2b1: {  	s19 =	sshll.u32 s19, $0x7;
	s21 =	sshll.u32 s21, $0xB  }
0x2b2: {  	s19 =	sand.u32 $0x380, s19;
	s21 =	sand.u32 $0xFFFFC000, s21  }
0x2b3: {  	s19 =	sor.u32 s19, s21  }
0x2b4: {  	s19 =	sshrl.u32 s19, $0x3  }
0x2b5: {  	s19 =	sadd.s32 s1, s19  }
0x2b6: {  	[spmem:s0@s24], [sflag:s22] =	dma.strided [hbm:s19@s24], $0x100, s23, $0x10   }
0x2b7: {  	s19 =	sld [smem:s2+$0x0];
	_ =	sdelay $0x2  }
0x2b8: {  	s21 =	sadd.s32 s4, s19  }
0x2b9: {  	p0 =	sne.s32 s12, $0x1C000;
	s19 =	sshll.u32 s19, $0x7;
	s21 =	sshll.u32 s21, $0xB  }
.Ltmp0:
0x2ba: {  	s19 =	sand.u32 $0x380, s19;
	s21 =	sand.u32 $0xFFFFC000, s21;
	(pc) =	sbr.rel @p0 .LBB2_2-.Ltmp0, $4  }
0x2bb: {  	s19 =	sor.u32 s19, s21  }
0x2bc: {  	s12 =	sadd.s32 $0x2000, s12;
	s19 =	sshrl.u32 s19, $0x3  }
0x2bd: {  	s2 =	sadd.s32 $0x20, s2;
	s21 =	simm.s32 $0x5;
	s19 =	sadd.s32 s1, s19  }
0x2be: {  	[spmem:s3@s24], [sflag:s22] =	dma.strided [hbm:s19@s24], $0x100, s23, $0x10   }
0x2bf: {  	_ =	swait.ge [sflag:s23], $0x100  }
0x2c0: {  	[sflag:s23] =	ssyncset.done $0x0  }
0x2c1: {  	[sflag:s23] =	ssyncadd.s32 $0xFFFFFF00  }
0x2c2: {  	_ =	swait.ge [sflag:s23], $0x100  }
0x2c3: {  	[sflag:s23] =	ssyncset.done $0x0  }
0x2c4: {  	[sflag:s23] =	ssyncadd.s32 $0xFFFFFF00  }
0x2c5: {  	_ =	swait.ge [sflag:s23], $0x100  }
0x2c6: {  	[sflag:s23] =	ssyncset.done $0x0  }
0x2c7: {  	[sflag:s23] =	ssyncadd.s32 $0xFFFFFF00  }
0x2c8: {  	_ =	swait.ge [sflag:s23], $0x100  }
0x2c9: {  	[sflag:s23] =	ssyncset.done $0x0  }
0x2ca: {  	[sflag:s23] =	ssyncadd.s32 $0xFFFFFF00  }
0x2cb: {  	_ =	swait.ge [sflag:s23], $0x100  }
0x2cc: {  	[sflag:s23] =	ssyncset.done $0x0  }
0x2cd: {  	[sflag:s23] =	ssyncadd.s32 $0xFFFFFF00  }
0x2ce: {  	_ =	swait.ge [sflag:s23], $0x100  }
0x2cf: {  	[sflag:s23] =	ssyncset.done $0x0  }
0x2d0: {  	[sflag:s23] =	ssyncadd.s32 $0xFFFFFF00  }
0x2d1: {  	_ =	swait.ge [sflag:s23], $0x100  }
0x2d2: {  	[sflag:s23] =	ssyncset.done $0x0  }
0x2d3: {  	[sflag:s23] =	ssyncadd.s32 $0xFFFFFF00  }
0x2d4: {  	_ =	swait.ge [sflag:s23], $0x100  }
0x2d5: {  	[sflag:s23] =	ssyncset.done $0x0  }
0x2d6: {  	s0 =	rddreg [dreg:$0x16];
	[sflag:s23] =	ssyncadd.s32 $0xFFFFFF00  }
0x2d7: {  	[hbm:s0], [sflag:s14] =	dma.local [spmem:s6], $0x800  }
0x2d8: {  	_ =	swait.ge [sflag:s26], $0x100  }
0x2d9: {  	[sflag:s26] =	ssyncset.done $0x0  }
0x2da: {  	[sflag:s26] =	ssyncadd.s32 $0xFFFFFF00  }
0x2db: {  	_ =	swait.ge [sflag:s26], $0x100  }
0x2dc: {  	[sflag:s26] =	ssyncset.done $0x0  }
0x2dd: {  	[sflag:s26] =	ssyncadd.s32 $0xFFFFFF00  }
0x2de: {  	_ =	swait.ge [sflag:s26], $0x100  }
0x2df: {  	[sflag:s26] =	ssyncset.done $0x0  }
0x2e0: {  	[sflag:s26] =	ssyncadd.s32 $0xFFFFFF00  }
0x2e1: {  	_ =	swait.ge [sflag:s26], $0x100  }
0x2e2: {  	[sflag:s26] =	ssyncset.done $0x0  }
0x2e3: {  	[sflag:s26] =	ssyncadd.s32 $0xFFFFFF00  }
0x2e4: {  	_ =	swait.ge [sflag:s26], $0x100  }
0x2e5: {  	[sflag:s26] =	ssyncset.done $0x0  }
0x2e6: {  	[sflag:s26] =	ssyncadd.s32 $0xFFFFFF00  }
0x2e7: {  	_ =	swait.ge [sflag:s26], $0x100  }
0x2e8: {  	[sflag:s26] =	ssyncset.done $0x0  }
0x2e9: {  	[sflag:s26] =	ssyncadd.s32 $0xFFFFFF00  }
0x2ea: {  	_ =	swait.ge [sflag:s26], $0x100  }
0x2eb: {  	[sflag:s26] =	ssyncset.done $0x0  }
0x2ec: {  	[sflag:s26] =	ssyncadd.s32 $0xFFFFFF00  }
0x2ed: {  	_ =	swait.ge [sflag:s26], $0x100  }
0x2ee: {  	[sflag:s26] =	ssyncset.done $0x0  }
0x2ef: {  	s18 =	rddreg [dreg:$0x17];
	[sflag:s26] =	ssyncadd.s32 $0xFFFFFF00  }
0x2f0: {  	[hbm:s18], [sflag:s15] =	dma.local [spmem:s13], $0x800  }
0x2f1: {  	_ =	swait.ge [sflag:s28], $0x100  }
0x2f2: {  	[sflag:s28] =	ssyncset.done $0x0  }
0x2f3: {  	[sflag:s28] =	ssyncadd.s32 $0xFFFFFF00  }
0x2f4: {  	_ =	swait.ge [sflag:s28], $0x100  }
0x2f5: {  	[sflag:s28] =	ssyncset.done $0x0  }
0x2f6: {  	[sflag:s28] =	ssyncadd.s32 $0xFFFFFF00  }
0x2f7: {  	_ =	swait.ge [sflag:s28], $0x100  }
0x2f8: {  	[sflag:s28] =	ssyncset.done $0x0  }
0x2f9: {  	[sflag:s28] =	ssyncadd.s32 $0xFFFFFF00  }
0x2fa: {  	_ =	swait.ge [sflag:s28], $0x100  }
0x2fb: {  	[sflag:s28] =	ssyncset.done $0x0  }
0x2fc: {  	[sflag:s28] =	ssyncadd.s32 $0xFFFFFF00  }
0x2fd: {  	_ =	swait.ge [sflag:s28], $0x100  }
0x2fe: {  	[sflag:s28] =	ssyncset.done $0x0  }
0x2ff: {  	[sflag:s28] =	ssyncadd.s32 $0xFFFFFF00  }
0x300: {  	_ =	swait.ge [sflag:s28], $0x100  }
0x301: {  	[sflag:s28] =	ssyncset.done $0x0  }
0x302: {  	[sflag:s28] =	ssyncadd.s32 $0xFFFFFF00  }
0x303: {  	_ =	swait.ge [sflag:s28], $0x100  }
0x304: {  	[sflag:s28] =	ssyncset.done $0x0  }
0x305: {  	[sflag:s28] =	ssyncadd.s32 $0xFFFFFF00  }
0x306: {  	_ =	swait.ge [sflag:s28], $0x100  }
0x307: {  	[sflag:s28] =	ssyncset.done $0x0  }
0x308: {  	s19 =	rddreg [dreg:$0x18];
	[sflag:s28] =	ssyncadd.s32 $0xFFFFFF00  }
0x309: {  	[hbm:s19], [sflag:s16] =	dma.local [spmem:s20], $0x800  }
0x30a: {  	_ =	swait.ge [sflag:s29], $0x100  }
0x30b: {  	[sflag:s29] =	ssyncset.done $0x0  }
0x30c: {  	[sflag:s29] =	ssyncadd.s32 $0xFFFFFF00  }
0x30d: {  	_ =	swait.ge [sflag:s29], $0x100  }
0x30e: {  	[sflag:s29] =	ssyncset.done $0x0  }
0x30f: {  	[sflag:s29] =	ssyncadd.s32 $0xFFFFFF00  }
0x310: {  	_ =	swait.ge [sflag:s29], $0x100  }
0x311: {  	[sflag:s29] =	ssyncset.done $0x0  }
0x312: {  	[sflag:s29] =	ssyncadd.s32 $0xFFFFFF00  }
0x313: {  	_ =	swait.ge [sflag:s29], $0x100  }
0x314: {  	[sflag:s29] =	ssyncset.done $0x0  }
0x315: {  	[sflag:s29] =	ssyncadd.s32 $0xFFFFFF00  }
0x316: {  	_ =	swait.ge [sflag:s29], $0x100  }
0x317: {  	[sflag:s29] =	ssyncset.done $0x0  }
0x318: {  	[sflag:s29] =	ssyncadd.s32 $0xFFFFFF00  }
0x319: {  	_ =	swait.ge [sflag:s29], $0x100  }
0x31a: {  	[sflag:s29] =	ssyncset.done $0x0  }
0x31b: {  	[sflag:s29] =	ssyncadd.s32 $0xFFFFFF00  }
0x31c: {  	_ =	swait.ge [sflag:s29], $0x100  }
0x31d: {  	[sflag:s29] =	ssyncset.done $0x0  }
0x31e: {  	[sflag:s29] =	ssyncadd.s32 $0xFFFFFF00  }
0x31f: {  	_ =	swait.ge [sflag:s29], $0x100  }
0x320: {  	[sflag:s29] =	ssyncset.done $0x0  }
0x321: {  	s22 =	rddreg [dreg:$0x19];
	[sflag:s29] =	ssyncadd.s32 $0xFFFFFF00  }
0x322: {  	[hbm:s22], [sflag:s17] =	dma.local [spmem:s10], $0x800  }
0x323: {  	_ =	swait.ge [sflag:s21], $0x800  }
0x324: {  	[sflag:s21] =	ssyncset.done $0x0  }
0x325: {  	s25 =	simm.s32 $0x6;
	[sflag:s21] =	ssyncadd.s32 $0xFFFFF800  }
0x326: {  	_ =	swait.ge [sflag:s25], $0x800  }
0x327: {  	[sflag:s25] =	ssyncset.done $0x0  }
0x328: {  	s30 =	simm.s32 $0x7;
	[sflag:s25] =	ssyncadd.s32 $0xFFFFF800  }
0x329: {  	_ =	swait.ge [sflag:s30], $0x800  }
0x32a: {  	[sflag:s30] =	ssyncset.done $0x0  }
0x32b: {  	s3 =	simm.s32 $0x8;
	[sflag:s30] =	ssyncadd.s32 $0xFFFFF800  }
0x32c: {  	_ =	swait.ge [sflag:s3], $0x800  }
0x32d: {  	s2 =	sld [smem:$0x7D6];
	_ =	sdelay $0x2  }
0x32e: {  	s31 =	rddreg [dreg:$0x1a];
	s2 =	sadd.s32 $0x1, s2  }
0x32f: {  	p0 =	sne.s32 s2, s31  }
.Ltmp1:
0x330: {  	_ = 	snop;
	(pc) =	sbr.rel @p0 .LBB2_1-.Ltmp1, $3  }
0x331: {  	_ =	sdelay $0x1  }
0x332: {  	[sflag:s3] =	ssyncset.done $0x0  }
0x333: {  	[sflag:s3] =	ssyncadd.s32 $0xFFFFF800  }
0x334: {  	_ =	sfence.sel $0x180000  }
0x335: {  	[bflag:$0x0] =	sbarrier.arrive $0xFFFF  }
0x336: {  	_ =	strace $0x90000047  }
0x337: {  	s0 =	stileid.u32;
	[bflag:$0x2] =	sbarrier.arrive $0xFFFF  }
0x338: {  	p0 =	sne.s32 s0, $0x0;
	s0 =	rddreg [dreg:$0x5]  }
0x339: {  	s0 =	sadd.s32 @!p0 $0x100000, s0  }
0x33a: {  	[sflag:s0] =	ssyncadd.tile.s32 @!p0 $0x1;
	_ =	shalt  }
.Lfunc_end2:
_tile_overlayer_lowered:
.L_overlay_start_2:
0x33b: {  	(tag) =	ssettag $0x2  }
0x33c: {  	s0 =	rddreg [dreg:$0x0];
	s2 =	stileid.u32  }
0x33d: {  	s1 =	rddreg [dreg:$0x1];
	p0 =	sne.s32 s2, $0x0  }
0x33e: {  	s3 =	rddreg [dreg:$0x2];
	[bflag:$0x3] =	sbarrier.arrive $0xFFFF;
	s2 =	simm.s32 @!p0 $0x1C09  }
0x33f: {  	[timem:s3], [sflag:s2] =	dma.local @!p0 [hbm:s0], s1  }
0x340: {  	s0 =	simm.s32 @!p0 $0x9  }
0x341: {  	_ =	swait.ge @!p0 [sflag:s0], s1  }
0x342: {  	s1 =	ssub.s32 @!p0 $0x0, s1;
	[sflag:s0] =	ssyncset.done @!p0 $0x0  }
0x343: {  	[sflag:s0] =	ssyncadd.s32 @!p0 s1  }
0x344: {  	[bflag:$0x3] =	sbarrier.arrive $0xFFFF  }
0x345: {  	_ =	shalt  }

</sc_bundles>
